<compile_context>
chip_gen: v7x
topology: tpu7x:2x2x1
jax: 0.10.2.dev20260603
libtpu: 0.0.44.dev20260713+nightly
codegen_flags: <defaults>
</compile_context>

<pallas_src>
import functools

import jax
import jax.numpy as jnp
import numpy as np
from jax import lax
from jax.experimental import pallas as pl
from jax.experimental.pallas import tpu as pltpu
from jax.experimental.pallas import tpu_sc as plsc

N = 10000
E = 320000
NS, NV = 128, 16
ES, EV = 16, 1
EPS = 1e-4
LN_EPS = 1e-5

D = NS + 3 * NV
EBLK = 2000
NBLK = 1000

_NW = 32
_EPW = E // _NW
_GC = 80
_NCH = _EPW // _GC



DP = 256
_BF = jnp.bfloat16


def _gather_body_for(epw, gc, nch):
    def body(tab, dst2, src2, gd, gs, idxd, idxs, bufd, bufs, sem1, sem2):
        cid = lax.axis_index("c")
        sid = lax.axis_index("s")
        wid = sid * 2 + cid
        pltpu.sync_copy(dst2.at[wid], idxd)
        pltpu.sync_copy(src2.at[wid], idxs)

        def step(j, carry):
            eb = wid * epw + j * gc
            cp1 = pltpu.async_copy(tab.at[idxd.at[j]], bufd, sem1)
            cp2 = pltpu.async_copy(tab.at[idxs.at[j]], bufs, sem2)
            cp1.wait()
            cp2.wait()
            pltpu.sync_copy(bufd, gd.at[pl.ds(eb, gc)])
            pltpu.sync_copy(bufs, gs.at[pl.ds(eb, gc)])
            return carry

        lax.fori_loop(0, nch, step, 0)
    return body


def _sc_gather(tab, dst2, src2, ne):
    epw = ne // _NW
    gc = 80 if epw % 80 == 0 else 40
    nch = epw // gc
    f = pl.kernel(
        _gather_body_for(epw, gc, nch),
        out_type=[jax.ShapeDtypeStruct((ne, NS), jnp.int32),
                  jax.ShapeDtypeStruct((ne, NS), jnp.int32)],
        mesh=plsc.VectorSubcoreMesh(core_axis_name="c", subcore_axis_name="s"),
        scratch_types=[
            pltpu.VMEM((nch, gc), jnp.int32),
            pltpu.VMEM((nch, gc), jnp.int32),
            pltpu.VMEM((gc, NS), jnp.int32),
            pltpu.VMEM((gc, NS), jnp.int32),
            pltpu.SemaphoreType.DMA,
            pltpu.SemaphoreType.DMA,
        ],
    )
    return f(tab, dst2, src2)



def _scatter_body_for(ept, snch):
    def body(msg_s, msg_v, dst2, zeros, out_s, out_v, idx, buf, acc):
        cid = lax.axis_index("c")
        sid = lax.axis_index("s")

        @pl.when(sid == 0)
        def _init():
            pltpu.sync_copy(zeros, acc)

        pltpu.sync_copy(dst2.at[sid], idx)
        plsc.subcore_barrier()

        @pl.when(cid == 0)
        def _scat_s():
            def step(j, carry):
                eb = sid * ept + j * _GC
                pltpu.sync_copy(msg_s.at[pl.ds(eb, _GC)], buf)
                pltpu.sync_copy(buf, acc.at[idx.at[j]], add=True)
                return carry
            lax.fori_loop(0, snch, step, 0)

        @pl.when(cid == 1)
        def _scat_v():
            def step(j, carry):
                eb = sid * ept + j * _GC
                pltpu.sync_copy(msg_v.at[pl.ds(eb, _GC)], buf)
                pltpu.sync_copy(buf, acc.at[idx.at[j]], add=True)
                return carry
            lax.fori_loop(0, snch, step, 0)

        plsc.subcore_barrier()

        @pl.when((sid == 0) & (cid == 0))
        def _outs():
            pltpu.sync_copy(acc, out_s)

        @pl.when((sid == 0) & (cid == 1))
        def _outv():
            pltpu.sync_copy(acc, out_v)
    return body


def _sc_scatter(msg_s, msg_v, dst2, zeros, ne):
    ept = ne // 16
    snch = ept // _GC
    f = pl.kernel(
        _scatter_body_for(ept, snch),
        out_type=[jax.ShapeDtypeStruct((N, NS), jnp.float32),
                  jax.ShapeDtypeStruct((N, NS), jnp.float32)],
        mesh=plsc.VectorSubcoreMesh(core_axis_name="c", subcore_axis_name="s"),
        scratch_types=[
            pltpu.VMEM((snch, _GC), jnp.int32),
            pltpu.VMEM((_GC, NS), jnp.float32),
            pltpu.VMEM_SHARED((N, NS), jnp.float32),
        ],
    )
    return f(msg_s, msg_v, dst2, zeros)



def _mm(a, b):
    return lax.dot_general(a, b[...], (((1,), (0,)), ((), ())),
                           preferred_element_type=jnp.float32)


def _edge_kernel(td, ts, es, ev,
                 bdhd, bdhs, bdhe, bd1mu, g99, g48, w1md, w1ms, w1me, w1mh, b1,
                 bd2h, bd2mu, w2ms, w2mh, b2,
                 bd3h, bd3mu, w3ms, w3mh, b3,
                 bdah, wams, wamh, ba,
                 msg_s, msg_v):
    wd = td[...]
    ws = ts[...]
    himask = jnp.int32(-65536)
    sd = lax.bitcast_convert_type(lax.shift_left(wd, 16), jnp.float32)
    ss = lax.bitcast_convert_type(lax.shift_left(ws, 16), jnp.float32)
    vd = lax.bitcast_convert_type(wd & himask, jnp.float32)[:, 0:48]
    vs = lax.bitcast_convert_type(ws & himask, jnp.float32)[:, 0:48]
    vh = vd @ bdhd[...] + vs @ bdhs[...] + ev[...] @ bdhe[...]
    sh = jnp.sqrt(jnp.maximum((vh * vh) @ g99[...], EPS * EPS))
    sm = (sd @ w1md[...] + ss @ w1ms[...]
          + es[...] @ w1me[...] + sh @ w1mh[...] + b1[...])
    m_s = jnp.maximum(sm, 0.0)
    vmu = vh @ bd1mu[...]
    nmu = jnp.sqrt(jnp.maximum((vmu * vmu) @ g48[...], EPS * EPS))
    gate = jax.nn.sigmoid(nmu)
    m_v = jnp.concatenate([gate, gate, gate], axis=-1) * vmu

    vh = m_v @ bd2h[...]
    sh = jnp.sqrt(jnp.maximum((vh * vh) @ g48[...], EPS * EPS))
    m_s = jnp.maximum(m_s @ w2ms[...] + sh @ w2mh[...] + b2[...], 0.0)
    vmu = vh @ bd2mu[...]
    nmu = jnp.sqrt(jnp.maximum((vmu * vmu) @ g48[...], EPS * EPS))
    gate = jax.nn.sigmoid(nmu)
    m_v = jnp.concatenate([gate, gate, gate], axis=-1) * vmu

    vh = m_v @ bd3h[...]
    sh = jnp.sqrt(jnp.maximum((vh * vh) @ g48[...], EPS * EPS))
    m_s = m_s @ w3ms[...] + sh @ w3mh[...] + b3[...]
    vmu = vh @ bd3mu[...]
    nmu = jnp.sqrt(jnp.maximum((vmu * vmu) @ g48[...], EPS * EPS))
    m_v = jnp.concatenate([nmu, nmu, nmu], axis=-1) * vmu

    vh = m_v @ bdah[...]
    sh = jnp.sqrt(jnp.maximum((vh * vh) @ g48[...], EPS * EPS))
    att = jax.nn.sigmoid(m_s @ wams[...] + sh @ wamh[...] + ba[...])

    msg_s[...] = att * m_s
    msg_v[:, 0:48] = att * m_v
    msg_v[:, 48:NS] = jnp.zeros((msg_v.shape[0], NS - 48), jnp.float32)


def _full(shape):
    return pl.BlockSpec(shape, lambda i: (0,) * len(shape))


def _rows(blk, cols):
    return pl.BlockSpec((blk, cols), lambda i: (i, 0))


def _edge_weights(params):
    w1h, w1mu, w1m, b1 = params['e1']
    w2h, w2mu, w2m, b2 = params['e2']
    w3h, w3mu, w3m, b3 = params['e3']
    wah, _, wam, ba = params['att']
    bd = lambda w: jax.scipy.linalg.block_diag(w, w, w)
    eye33 = jnp.eye(33, dtype=jnp.float32)
    eye16 = jnp.eye(16, dtype=jnp.float32)
    return (
        bd(w1h[:, 0:NV].T),
        bd(w1h[:, NV:2 * NV].T),
        bd(w1h[:, 2 * NV:].T),
        bd(w1mu.T),
        jnp.concatenate([eye33] * 3, axis=0),
        jnp.concatenate([eye16] * 3, axis=0),
        jnp.asarray(w1m[:, 0:NS].T),
        jnp.asarray(w1m[:, NS:2 * NS].T),
        jnp.asarray(w1m[:, 2 * NS:2 * NS + ES].T),
        jnp.asarray(w1m[:, 2 * NS + ES:].T),
        b1.reshape(1, NS),
        bd(w2h.T), bd(w2mu.T),
        jnp.asarray(w2m[:, 0:NS].T), jnp.asarray(w2m[:, NS:].T), b2.reshape(1, NS),
        bd(w3h.T), bd(w3mu.T),
        jnp.asarray(w3m[:, 0:NS].T), jnp.asarray(w3m[:, NS:].T), b3.reshape(1, NS),
        bd(wah.T),
        jnp.asarray(wam[:, 0:NS].T), jnp.asarray(wam[:, NS:].T), ba.reshape(1, 1),
    )


def _edge_compute(td, ts, es, ev3, wts, ne):
    w_specs = [_full(w.shape) for w in wts]
    return pl.pallas_call(
        _edge_kernel,
        grid=(ne // EBLK,),
        in_specs=[_rows(EBLK, NS), _rows(EBLK, NS), _rows(EBLK, ES),
                  _rows(EBLK, 3), *w_specs],
        out_specs=[_rows(EBLK, NS), _rows(EBLK, NS)],
        out_shape=[jax.ShapeDtypeStruct((ne, NS), jnp.float32),
                   jax.ShapeDtypeStruct((ne, NS), jnp.float32)],
    )(td, ts, es, ev3, *wts)



def _node_kernel(s, v, a0a, a0b, a1a, a1b,
                 ln1g, ln1b, ln2g, ln2b,
                 w1h, w1mu, w1ms, w1mh, b1,
                 w2h, w2mu, w2ms, w2mh, b2,
                 s_out, v_out):
    s_in = s[...] + a0a[...] + a0b[...]
    a1v = a1a[...] + a1b[...]
    v_in = [v[:, 16 * c:16 * (c + 1)] + a1v[:, 16 * c:16 * (c + 1)]
            for c in range(3)]

    mu = jnp.mean(s_in, axis=-1, keepdims=True)
    var = jnp.mean((s_in - mu) ** 2, axis=-1, keepdims=True)
    s1 = (s_in - mu) * lax.rsqrt(var + LN_EPS) * ln1g[...] + ln1b[...]
    nrm = (v_in[0] ** 2 + v_in[1] ** 2 + v_in[2] ** 2)
    nrm = jnp.sqrt(jnp.sum(nrm, axis=-1, keepdims=True) / NV)
    nrm = jnp.maximum(nrm, np.float32(np.sqrt(LN_EPS)))
    v1 = [v_in[c] / nrm for c in range(3)]

    vh = [v1[c] @ w1h[...] for c in range(3)]
    sh = jnp.maximum(jnp.sqrt(vh[0] ** 2 + vh[1] ** 2 + vh[2] ** 2), EPS)
    sm = s1 @ w1ms[...] + sh @ w1mh[...] + b1[...]
    f_s = jnp.maximum(sm, 0.0)
    vmu = [vh[c] @ w1mu[...] for c in range(3)]
    nmu = jnp.maximum(jnp.sqrt(vmu[0] ** 2 + vmu[1] ** 2 + vmu[2] ** 2), EPS)
    gate = jax.nn.sigmoid(nmu)
    f_v = [gate * vmu[c] for c in range(3)]

    vh = [f_v[c] @ w2h[...] for c in range(3)]
    sh = jnp.maximum(jnp.sqrt(vh[0] ** 2 + vh[1] ** 2 + vh[2] ** 2), EPS)
    f_s = f_s @ w2ms[...] + sh @ w2mh[...] + b2[...]
    vmu = [vh[c] @ w2mu[...] for c in range(3)]
    nmu = jnp.maximum(jnp.sqrt(vmu[0] ** 2 + vmu[1] ** 2 + vmu[2] ** 2), EPS)
    f_v = [nmu * vmu[c] for c in range(3)]

    s_in = s1 + f_s
    mu = jnp.mean(s_in, axis=-1, keepdims=True)
    var = jnp.mean((s_in - mu) ** 2, axis=-1, keepdims=True)
    s_out[...] = (s_in - mu) * lax.rsqrt(var + LN_EPS) * ln2g[...] + ln2b[...]

    v_in = [v1[c] + f_v[c] for c in range(3)]
    nrm = (v_in[0] ** 2 + v_in[1] ** 2 + v_in[2] ** 2)
    nrm = jnp.sqrt(jnp.sum(nrm, axis=-1, keepdims=True) / NV)
    nrm = jnp.maximum(nrm, np.float32(np.sqrt(LN_EPS)))
    for c in range(3):
        v_out[:, 16 * c:16 * (c + 1)] = v_in[c] / nrm


def _node_compute(s, v48, a0a, a0b, a1a, a1b, params):
    w1h, w1mu, w1m, b1 = params['f1']
    w2h, w2mu, w2m, b2 = params['f2']
    wts = (
        params['ln1_g'].reshape(1, NS), params['ln1_b'].reshape(1, NS),
        params['ln2_g'].reshape(1, NS), params['ln2_b'].reshape(1, NS),
        jnp.asarray(w1h.T), jnp.asarray(w1mu.T),
        jnp.asarray(w1m[:, 0:NS].T), jnp.asarray(w1m[:, NS:].T), b1.reshape(1, NS),
        jnp.asarray(w2h.T), jnp.asarray(w2mu.T),
        jnp.asarray(w2m[:, 0:NS].T), jnp.asarray(w2m[:, NS:].T), b2.reshape(1, NS),
    )
    w_specs = [_full(w.shape) for w in wts]
    return pl.pallas_call(
        _node_kernel,
        grid=(N // NBLK,),
        in_specs=[_rows(NBLK, NS), _rows(NBLK, 3 * NV), _rows(NBLK, NS),
                  _rows(NBLK, NS), _rows(NBLK, NS), _rows(NBLK, NS), *w_specs],
        out_specs=[_rows(NBLK, NS), _rows(NBLK, 3 * NV)],
        out_shape=[jax.ShapeDtypeStruct((N, NS), jnp.float32),
                   jax.ShapeDtypeStruct((N, 3 * NV), jnp.float32)],
    )(s, v48, a0a, a0b, a1a, a1b, *wts)


def kernel(s, V, edge_index, edge_s, edge_V, params):
    src = edge_index[0]
    dst = edge_index[1]
    v48 = V.transpose(0, 2, 1).reshape(N, 3 * NV)
    ev3 = edge_V.reshape(E, 3)
    lo = lax.bitcast_convert_type(s.astype(_BF), jnp.uint16).astype(jnp.uint32)
    vpad = jnp.concatenate(
        [v48, jnp.zeros((N, NS - 48), jnp.float32)], axis=-1)
    hi = lax.bitcast_convert_type(vpad.astype(_BF), jnp.uint16).astype(jnp.uint32)
    tab = lax.bitcast_convert_type(lo | (hi << 16), jnp.int32)
    eh = E // 2
    wts = _edge_weights(params)
    zeros = jnp.zeros((N, NS), jnp.float32)
    halves = []
    for h in range(2):
        sl = slice(h * eh, (h + 1) * eh)
        d = dst[sl]
        sr = src[sl]
        epw = eh // _NW
        gc = 80 if epw % 80 == 0 else 40
        td, ts = _sc_gather(tab, d.reshape(_NW, epw // gc, gc),
                            sr.reshape(_NW, epw // gc, gc), eh)
        msg_s, msg_v = _edge_compute(td, ts, edge_s[sl], ev3[sl], wts, eh)
        ept = eh // 16
        a0, a1 = _sc_scatter(msg_s, msg_v,
                             d.reshape(16, ept // _GC, _GC), zeros, eh)
        halves.append((a0, a1))

    (a0a, a1a), (a0b, a1b) = halves
    s2, v2 = _node_compute(s, v48, a0a, a0b, a1a, a1b, params)
    return s2, v2.reshape(N, 3, NV).transpose(0, 2, 1)

# --- scband reference (transcript-rebuilt; emitter-appended) ---
"""Pipeline reference for scband-gvpnetwork-3204045603899 (READ-ONLY COPY).

The authoritative reference and input builder live on the scoring server;
editing this copy changes nothing except your own understanding.
"""

import jax, jax.numpy as jnp
import numpy as np

N = 10000
E = 320000
NS, NV = 128, 16
ES, EV = 16, 1
EPS = 1e-4
LN_EPS = 1e-5


def _gvp_params(key, in_s, in_v, out_s, out_v):
    h = max(in_v, out_v)
    k1, k2, k3 = jax.random.split(key, 3)
    Wh = jax.random.normal(k1, (h, max(in_v, 1)), dtype=jnp.float32) / np.sqrt(max(in_v, 1))
    Wh = Wh[:, :in_v]
    Wmu = jax.random.normal(k2, (out_v, h), dtype=jnp.float32) / np.sqrt(h)
    Wm = jax.random.normal(k3, (out_s, h + in_s), dtype=jnp.float32) / np.sqrt(h + in_s)
    bm = jnp.zeros((out_s,), dtype=jnp.float32)
    return (Wh, Wmu, Wm, bm)


def setup_inputs(seed: int = 0):
    key = jax.random.key(seed)
    ks = jax.random.split(key, 16)
    s = jax.random.normal(ks[0], (N, NS), dtype=jnp.float32)
    V = jax.random.normal(ks[1], (N, NV, 3), dtype=jnp.float32)
    edge_index = jax.random.randint(ks[2], (2, E), 0, N, dtype=jnp.int32)
    edge_s = jax.random.normal(ks[3], (E, ES), dtype=jnp.float32)
    edge_V = jax.random.normal(ks[4], (E, EV, 3), dtype=jnp.float32)
    params = {
        'e1': _gvp_params(ks[5], 2 * NS + ES, 2 * NV + EV, NS, NV),
        'e2': _gvp_params(ks[6], NS, NV, NS, NV),
        'e3': _gvp_params(ks[7], NS, NV, NS, NV),
        'att': _gvp_params(ks[8], NS, NV, 1, 0),
        'f1': _gvp_params(ks[9], NS, NV, NS, NV),
        'f2': _gvp_params(ks[10], NS, NV, NS, NV),
        'ln1_g': jnp.ones((NS,), dtype=jnp.float32),
        'ln1_b': jnp.zeros((NS,), dtype=jnp.float32),
        'ln2_g': jnp.ones((NS,), dtype=jnp.float32),
        'ln2_b': jnp.zeros((NS,), dtype=jnp.float32),
    }
    return {'s': s, 'V': V, 'edge_index': edge_index, 'edge_s': edge_s, 'edge_V': edge_V, 'params': params}


def _ident(x):
    return x


def _gvp(s, V, p, act_s, act_v):
    Wh, Wmu, Wm, bm = p
    Vh = jnp.einsum('hv,nvc->nhc', Wh, V)
    Vmu = jnp.einsum('mh,nhc->nmc', Wmu, Vh)
    sh = jnp.clip(jnp.linalg.norm(Vh, axis=-1), EPS)
    shn = jnp.concatenate([s, sh], axis=-1)
    sm = shn @ Wm.T + bm
    sd = act_s(sm)
    vmu = jnp.clip(jnp.linalg.norm(Vmu, axis=-1, keepdims=True), EPS)
    Vd = act_v(vmu) * Vmu
    return sd, Vd


def _ln(s, g, b):
    mu = jnp.mean(s, axis=-1, keepdims=True)
    var = jnp.mean((s - mu) ** 2, axis=-1, keepdims=True)
    return (s - mu) / jnp.sqrt(var + LN_EPS) * g + b


def _vnorm(V):
    n = jnp.linalg.norm(V.reshape(V.shape[0], -1), axis=-1, keepdims=True) / np.sqrt(NV)
    n = jnp.clip(n, np.sqrt(LN_EPS))
    return V / n[..., None]


def _forward(s, V, edge_index, edge_s, edge_V, params):
    src = edge_index[0]
    dst = edge_index[1]
    sc = jnp.concatenate([s[dst], s[src], edge_s], axis=-1)
    Vc = jnp.concatenate([V[dst], V[src], edge_V], axis=-2)
    ms, mV = _gvp(sc, Vc, params['e1'], jax.nn.relu, jax.nn.sigmoid)
    ms, mV = _gvp(ms, mV, params['e2'], jax.nn.relu, jax.nn.sigmoid)
    ms, mV = _gvp(ms, mV, params['e3'], _ident, _ident)
    att, _ = _gvp(ms, mV, params['att'], jax.nn.sigmoid, _ident)
    ms = att * ms
    mV = att[..., None] * mV
    msg = jnp.concatenate([ms, mV.reshape(mV.shape[0], -1)], axis=-1)
    agg = jax.ops.segment_sum(msg, dst, num_segments=s.shape[0])
    s_agg = agg[:, :NS]
    V_agg = agg[:, NS:].reshape(-1, NV, 3)
    s1 = _ln(s + s_agg, params['ln1_g'], params['ln1_b'])
    V1 = _vnorm(V + V_agg)
    fs, fV = _gvp(s1, V1, params['f1'], jax.nn.relu, jax.nn.sigmoid)
    fs, fV = _gvp(fs, fV, params['f2'], _ident, _ident)
    s2 = _ln(s1 + fs, params['ln2_g'], params['ln2_b'])
    V2 = _vnorm(V1 + fV)
    return s2, V2


def reference(s, V, edge_index, edge_s, edge_V, params):
    return _forward(s, V, edge_index, edge_s, edge_V, params)

if __name__ == "__main__":
    import jax
    _d = setup_inputs()
    print(jax.jit(kernel)(*tuple(_d.values())))

</pallas_src>

<mosaic_0001>
#map = affine_map<(d0, d1) -> (0, 0)>
#map1 = affine_map<(d0, d1) -> (0, 0, 0)>
module attributes {stable_mosaic.version = 14 : i64} {
  func.func @body(%arg0: i32, %arg1: i32, %arg2: memref<10000x128xi32, #tpu.memory_space<hbm>>, %arg3: memref<32x125x40xi32, #tpu.memory_space<hbm>>, %arg4: memref<32x125x40xi32, #tpu.memory_space<hbm>>, %arg5: memref<160000x128xi32, #tpu.memory_space<hbm>>, %arg6: memref<160000x128xi32, #tpu.memory_space<hbm>>, %arg7: memref<125x40xi32, #tpu.memory_space<vmem>>, %arg8: memref<125x40xi32, #tpu.memory_space<vmem>>, %arg9: memref<40x128xi32, #tpu.memory_space<vmem>>, %arg10: memref<40x128xi32, #tpu.memory_space<vmem>>, %arg11: memref<!tpu.dma_semaphore, #tpu.memory_space<semaphore_mem>>, %arg12: memref<!tpu.dma_semaphore, #tpu.memory_space<semaphore_mem>>) attributes {dimension_semantics = [#tpu.dimension_semantics<core_parallel>, #tpu.dimension_semantics<subcore_parallel>], iteration_bounds = array<i64: 2, 16>, scalar_prefetch = 0 : i64, scratch_operands = 6 : i64, tpu.core_type = #tpu.core_type<sc_vector_subcore>, window_params = [{transform_indices = #map}, {transform_indices = #map1}, {transform_indices = #map1}, {transform_indices = #map}, {transform_indices = #map}]} {
    %mul3A = arith.constant 2 : i32
    %mul3A_0 = arith.muli %arg1, %mul3A : i32
    %add3A = arith.addi %mul3A_0, %arg0 : i32
    "tpu.region"() ({
      %run_scoped3A = tpu.sem_alloc : memref<!tpu.dma_semaphore, #tpu.memory_space<semaphore_mem>>
      %dma_start3A = arith.constant 0 : i32
      %dma_start3A_6 = arith.constant 0 : i32
      %dma_start3A_7 = tpu.memref_slice %arg3[%add3A, %dma_start3A, %dma_start3A_6] : memref<32x125x40xi32, #tpu.memory_space<hbm>> -> memref<1x125x40xi32, #tpu.memory_space<hbm>>
      %dma_start3A_8 = tpu.memref_squeeze %dma_start3A_7 : memref<1x125x40xi32, #tpu.memory_space<hbm>> -> memref<125x40xi32, #tpu.memory_space<hbm>>
      %dma_start3A_9 = arith.constant 0 : i32
      %dma_start3A_10 = arith.constant 0 : i32
      %dma_start3A_11 = tpu.memref_slice %arg3[%add3A, %dma_start3A_9, %dma_start3A_10] : memref<32x125x40xi32, #tpu.memory_space<hbm>> -> memref<1x125x40xi32, #tpu.memory_space<hbm>>
      %dma_start3A_12 = tpu.memref_squeeze %dma_start3A_11 : memref<1x125x40xi32, #tpu.memory_space<hbm>> -> memref<125x40xi32, #tpu.memory_space<hbm>>
      tpu.enqueue_dma source(%dma_start3A_12 : memref<125x40xi32, #tpu.memory_space<hbm>>) target(%arg7 : memref<125x40xi32, #tpu.memory_space<vmem>>) target_semaphore(%run_scoped3A : memref<!tpu.dma_semaphore, #tpu.memory_space<semaphore_mem>>)
      %dma_wait3A = arith.constant 0 : i32
      %dma_wait3A_13 = arith.constant 0 : i32
      %dma_wait3A_14 = tpu.memref_slice %arg3[%add3A, %dma_wait3A, %dma_wait3A_13] : memref<32x125x40xi32, #tpu.memory_space<hbm>> -> memref<1x125x40xi32, #tpu.memory_space<hbm>>
      %dma_wait3A_15 = tpu.memref_squeeze %dma_wait3A_14 : memref<1x125x40xi32, #tpu.memory_space<hbm>> -> memref<125x40xi32, #tpu.memory_space<hbm>>
      %dma_wait3A_16 = arith.constant 0 : i32
      %dma_wait3A_17 = arith.constant 0 : i32
      %dma_wait3A_18 = tpu.memref_slice %arg3[%add3A, %dma_wait3A_16, %dma_wait3A_17] : memref<32x125x40xi32, #tpu.memory_space<hbm>> -> memref<1x125x40xi32, #tpu.memory_space<hbm>>
      %dma_wait3A_19 = tpu.memref_squeeze %dma_wait3A_18 : memref<1x125x40xi32, #tpu.memory_space<hbm>> -> memref<125x40xi32, #tpu.memory_space<hbm>>
      tpu.wait_dma2 semaphore(%run_scoped3A : memref<!tpu.dma_semaphore, #tpu.memory_space<semaphore_mem>>) src(%dma_wait3A_19 : memref<125x40xi32, #tpu.memory_space<hbm>>) dst(%arg7 : memref<125x40xi32, #tpu.memory_space<vmem>>)
      tpu.yield
    }) : () -> ()
    "tpu.region"() ({
      %run_scoped3A = tpu.sem_alloc : memref<!tpu.dma_semaphore, #tpu.memory_space<semaphore_mem>>
      %dma_start3A = arith.constant 0 : i32
      %dma_start3A_6 = arith.constant 0 : i32
      %dma_start3A_7 = tpu.memref_slice %arg4[%add3A, %dma_start3A, %dma_start3A_6] : memref<32x125x40xi32, #tpu.memory_space<hbm>> -> memref<1x125x40xi32, #tpu.memory_space<hbm>>
      %dma_start3A_8 = tpu.memref_squeeze %dma_start3A_7 : memref<1x125x40xi32, #tpu.memory_space<hbm>> -> memref<125x40xi32, #tpu.memory_space<hbm>>
      %dma_start3A_9 = arith.constant 0 : i32
      %dma_start3A_10 = arith.constant 0 : i32
      %dma_start3A_11 = tpu.memref_slice %arg4[%add3A, %dma_start3A_9, %dma_start3A_10] : memref<32x125x40xi32, #tpu.memory_space<hbm>> -> memref<1x125x40xi32, #tpu.memory_space<hbm>>
      %dma_start3A_12 = tpu.memref_squeeze %dma_start3A_11 : memref<1x125x40xi32, #tpu.memory_space<hbm>> -> memref<125x40xi32, #tpu.memory_space<hbm>>
      tpu.enqueue_dma source(%dma_start3A_12 : memref<125x40xi32, #tpu.memory_space<hbm>>) target(%arg8 : memref<125x40xi32, #tpu.memory_space<vmem>>) target_semaphore(%run_scoped3A : memref<!tpu.dma_semaphore, #tpu.memory_space<semaphore_mem>>)
      %dma_wait3A = arith.constant 0 : i32
      %dma_wait3A_13 = arith.constant 0 : i32
      %dma_wait3A_14 = tpu.memref_slice %arg4[%add3A, %dma_wait3A, %dma_wait3A_13] : memref<32x125x40xi32, #tpu.memory_space<hbm>> -> memref<1x125x40xi32, #tpu.memory_space<hbm>>
      %dma_wait3A_15 = tpu.memref_squeeze %dma_wait3A_14 : memref<1x125x40xi32, #tpu.memory_space<hbm>> -> memref<125x40xi32, #tpu.memory_space<hbm>>
      %dma_wait3A_16 = arith.constant 0 : i32
      %dma_wait3A_17 = arith.constant 0 : i32
      %dma_wait3A_18 = tpu.memref_slice %arg4[%add3A, %dma_wait3A_16, %dma_wait3A_17] : memref<32x125x40xi32, #tpu.memory_space<hbm>> -> memref<1x125x40xi32, #tpu.memory_space<hbm>>
      %dma_wait3A_19 = tpu.memref_squeeze %dma_wait3A_18 : memref<1x125x40xi32, #tpu.memory_space<hbm>> -> memref<125x40xi32, #tpu.memory_space<hbm>>
      tpu.wait_dma2 semaphore(%run_scoped3A : memref<!tpu.dma_semaphore, #tpu.memory_space<semaphore_mem>>) src(%dma_wait3A_19 : memref<125x40xi32, #tpu.memory_space<hbm>>) dst(%arg8 : memref<125x40xi32, #tpu.memory_space<vmem>>)
      tpu.yield
    }) : () -> ()
    %scan3A = arith.constant 0 : i32
    %scan3A_1 = arith.constant 0 : i32
    %scan3A_2 = arith.constant 125 : i32
    %scan3A_3 = arith.addi %scan3A_1, %scan3A_2 : i32
    %scan3A_4 = arith.constant 1 : i32
    scf.for %scan3A_6 = %scan3A_1 to %scan3A_3 step %scan3A_4  : i32 {
      %mul3A_7 = arith.constant 5000 : i32
      %mul3A_8 = arith.muli %add3A, %mul3A_7 : i32
      %mul3A_9 = arith.constant 40 : i32
      %mul3A_10 = arith.muli %scan3A_6, %mul3A_9 : i32
      %add3A_11 = arith.addi %mul3A_8, %mul3A_10 : i32
      %dma_start3A = arith.constant 0 : i32
      %dma_start3A_12 = tpu.memref_slice %arg7[%scan3A_6, %dma_start3A] : memref<125x40xi32, #tpu.memory_space<vmem>> -> memref<1x40xi32, #tpu.memory_space<vmem>>
      %dma_start3A_13 = tpu.memref_squeeze %dma_start3A_12 : memref<1x40xi32, #tpu.memory_space<vmem>> -> memref<40xi32, #tpu.memory_space<vmem>>
      %dma_start3A_14 = arith.constant 0 : i32
      %dma_start3A_15 = arith.constant 0 : i32
      %dma_start3A_16 = tpu.memref_slice %arg2[%dma_start3A_14, %dma_start3A_15] : memref<10000x128xi32, #tpu.memory_space<hbm>> -> memref<10000x128xi32, #tpu.memory_space<hbm>>
      tpu.enqueue_indirect_dma source(%dma_start3A_16 : memref<10000x128xi32, #tpu.memory_space<hbm>>) target(%arg9 : memref<40x128xi32, #tpu.memory_space<vmem>>) offsets(%dma_start3A_13 : memref<40xi32, #tpu.memory_space<vmem>>) semaphore(%arg11 : memref<!tpu.dma_semaphore, #tpu.memory_space<semaphore_mem>>)
      %dma_start3A_17 = arith.constant 0 : i32
      %dma_start3A_18 = tpu.memref_slice %arg8[%scan3A_6, %dma_start3A_17] : memref<125x40xi32, #tpu.memory_space<vmem>> -> memref<1x40xi32, #tpu.memory_space<vmem>>
      %dma_start3A_19 = tpu.memref_squeeze %dma_start3A_18 : memref<1x40xi32, #tpu.memory_space<vmem>> -> memref<40xi32, #tpu.memory_space<vmem>>
      %dma_start3A_20 = arith.constant 0 : i32
      %dma_start3A_21 = arith.constant 0 : i32
      %dma_start3A_22 = tpu.memref_slice %arg2[%dma_start3A_20, %dma_start3A_21] : memref<10000x128xi32, #tpu.memory_space<hbm>> -> memref<10000x128xi32, #tpu.memory_space<hbm>>
      tpu.enqueue_indirect_dma source(%dma_start3A_22 : memref<10000x128xi32, #tpu.memory_space<hbm>>) target(%arg10 : memref<40x128xi32, #tpu.memory_space<vmem>>) offsets(%dma_start3A_19 : memref<40xi32, #tpu.memory_space<vmem>>) semaphore(%arg12 : memref<!tpu.dma_semaphore, #tpu.memory_space<semaphore_mem>>)
      %dma_wait3A = arith.constant 0 : i32
      %dma_wait3A_23 = tpu.memref_slice %arg7[%scan3A_6, %dma_wait3A] : memref<125x40xi32, #tpu.memory_space<vmem>> -> memref<1x40xi32, #tpu.memory_space<vmem>>
      %dma_wait3A_24 = tpu.memref_squeeze %dma_wait3A_23 : memref<1x40xi32, #tpu.memory_space<vmem>> -> memref<40xi32, #tpu.memory_space<vmem>>
      %dma_wait3A_25 = arith.constant 0 : i32
      %dma_wait3A_26 = arith.constant 0 : i32
      %dma_wait3A_27 = tpu.memref_slice %arg2[%dma_wait3A_25, %dma_wait3A_26] : memref<10000x128xi32, #tpu.memory_space<hbm>> -> memref<10000x128xi32, #tpu.memory_space<hbm>>
      tpu.wait_indirect_dma semaphore(%arg11 : memref<!tpu.dma_semaphore, #tpu.memory_space<semaphore_mem>>) src(%dma_wait3A_27 : memref<10000x128xi32, #tpu.memory_space<hbm>>) dst(%arg9 : memref<40x128xi32, #tpu.memory_space<vmem>>)
      %dma_wait3A_28 = arith.constant 0 : i32
      %dma_wait3A_29 = tpu.memref_slice %arg8[%scan3A_6, %dma_wait3A_28] : memref<125x40xi32, #tpu.memory_space<vmem>> -> memref<1x40xi32, #tpu.memory_space<vmem>>
      %dma_wait3A_30 = tpu.memref_squeeze %dma_wait3A_29 : memref<1x40xi32, #tpu.memory_space<vmem>> -> memref<40xi32, #tpu.memory_space<vmem>>
      %dma_wait3A_31 = arith.constant 0 : i32
      %dma_wait3A_32 = arith.constant 0 : i32
      %dma_wait3A_33 = tpu.memref_slice %arg2[%dma_wait3A_31, %dma_wait3A_32] : memref<10000x128xi32, #tpu.memory_space<hbm>> -> memref<10000x128xi32, #tpu.memory_space<hbm>>
      tpu.wait_indirect_dma semaphore(%arg12 : memref<!tpu.dma_semaphore, #tpu.memory_space<semaphore_mem>>) src(%dma_wait3A_33 : memref<10000x128xi32, #tpu.memory_space<hbm>>) dst(%arg10 : memref<40x128xi32, #tpu.memory_space<vmem>>)
      "tpu.region"() ({
        %run_scoped3A = tpu.sem_alloc : memref<!tpu.dma_semaphore, #tpu.memory_space<semaphore_mem>>
        %dma_start3A_34 = arith.constant 0 : i32
        %dma_start3A_35 = tpu.memref_slice %arg5[%add3A_11, %dma_start3A_34] : memref<160000x128xi32, #tpu.memory_space<hbm>> -> memref<40x128xi32, #tpu.memory_space<hbm>>
        %dma_start3A_36 = arith.constant 0 : i32
        %dma_start3A_37 = tpu.memref_slice %arg5[%add3A_11, %dma_start3A_36] : memref<160000x128xi32, #tpu.memory_space<hbm>> -> memref<40x128xi32, #tpu.memory_space<hbm>>
        tpu.enqueue_dma source(%arg9 : memref<40x128xi32, #tpu.memory_space<vmem>>) target(%dma_start3A_37 : memref<40x128xi32, #tpu.memory_space<hbm>>) target_semaphore(%run_scoped3A : memref<!tpu.dma_semaphore, #tpu.memory_space<semaphore_mem>>)
        %dma_wait3A_38 = arith.constant 0 : i32
        %dma_wait3A_39 = tpu.memref_slice %arg5[%add3A_11, %dma_wait3A_38] : memref<160000x128xi32, #tpu.memory_space<hbm>> -> memref<40x128xi32, #tpu.memory_space<hbm>>
        %dma_wait3A_40 = arith.constant 0 : i32
        %dma_wait3A_41 = tpu.memref_slice %arg5[%add3A_11, %dma_wait3A_40] : memref<160000x128xi32, #tpu.memory_space<hbm>> -> memref<40x128xi32, #tpu.memory_space<hbm>>
        tpu.wait_dma2 semaphore(%run_scoped3A : memref<!tpu.dma_semaphore, #tpu.memory_space<semaphore_mem>>) src(%arg9 : memref<40x128xi32, #tpu.memory_space<vmem>>) dst(%dma_wait3A_41 : memref<40x128xi32, #tpu.memory_space<hbm>>)
        tpu.yield
      }) : () -> ()
      "tpu.region"() ({
        %run_scoped3A = tpu.sem_alloc : memref<!tpu.dma_semaphore, #tpu.memory_space<semaphore_mem>>
        %dma_start3A_34 = arith.constant 0 : i32
        %dma_start3A_35 = tpu.memref_slice %arg6[%add3A_11, %dma_start3A_34] : memref<160000x128xi32, #tpu.memory_space<hbm>> -> memref<40x128xi32, #tpu.memory_space<hbm>>
        %dma_start3A_36 = arith.constant 0 : i32
        %dma_start3A_37 = tpu.memref_slice %arg6[%add3A_11, %dma_start3A_36] : memref<160000x128xi32, #tpu.memory_space<hbm>> -> memref<40x128xi32, #tpu.memory_space<hbm>>
        tpu.enqueue_dma source(%arg10 : memref<40x128xi32, #tpu.memory_space<vmem>>) target(%dma_start3A_37 : memref<40x128xi32, #tpu.memory_space<hbm>>) target_semaphore(%run_scoped3A : memref<!tpu.dma_semaphore, #tpu.memory_space<semaphore_mem>>)
        %dma_wait3A_38 = arith.constant 0 : i32
        %dma_wait3A_39 = tpu.memref_slice %arg6[%add3A_11, %dma_wait3A_38] : memref<160000x128xi32, #tpu.memory_space<hbm>> -> memref<40x128xi32, #tpu.memory_space<hbm>>
        %dma_wait3A_40 = arith.constant 0 : i32
        %dma_wait3A_41 = tpu.memref_slice %arg6[%add3A_11, %dma_wait3A_40] : memref<160000x128xi32, #tpu.memory_space<hbm>> -> memref<40x128xi32, #tpu.memory_space<hbm>>
        tpu.wait_dma2 semaphore(%run_scoped3A : memref<!tpu.dma_semaphore, #tpu.memory_space<semaphore_mem>>) src(%arg10 : memref<40x128xi32, #tpu.memory_space<vmem>>) dst(%dma_wait3A_41 : memref<40x128xi32, #tpu.memory_space<hbm>>)
        tpu.yield
      }) : () -> ()
    }
    %scan3A_5 = arith.constant 125 : i32
    return
  }
}

#map = affine_map<(d0, d1) -> (0, 0)>
#map1 = affine_map<(d0, d1) -> (0, 0, 0)>
module attributes {stable_mosaic.version = 14 : i64} {
  func.func @body(%arg0: i32, %arg1: i32, %arg2: memref<10000x128xi32, #tpu.memory_space<hbm>>, %arg3: memref<32x125x40xi32, #tpu.memory_space<hbm>>, %arg4: memref<32x125x40xi32, #tpu.memory_space<hbm>>, %arg5: memref<160000x128xi32, #tpu.memory_space<hbm>>, %arg6: memref<160000x128xi32, #tpu.memory_space<hbm>>, %arg7: memref<125x40xi32, #tpu.memory_space<vmem>>, %arg8: memref<125x40xi32, #tpu.memory_space<vmem>>, %arg9: memref<40x128xi32, #tpu.memory_space<vmem>>, %arg10: memref<40x128xi32, #tpu.memory_space<vmem>>, %arg11: memref<!tpu.dma_semaphore, #tpu.memory_space<semaphore_mem>>, %arg12: memref<!tpu.dma_semaphore, #tpu.memory_space<semaphore_mem>>) attributes {dimension_semantics = [#tpu.dimension_semantics<core_parallel>, #tpu.dimension_semantics<subcore_parallel>], iteration_bounds = array<i64: 2, 16>, scalar_prefetch = 0 : i64, scratch_operands = 6 : i64, tpu.core_type = #tpu.core_type<sc_vector_subcore>, window_params = [{transform_indices = #map}, {transform_indices = #map1}, {transform_indices = #map1}, {transform_indices = #map}, {transform_indices = #map}]} {
    %mul3A = arith.constant 2 : i32
    %mul3A_0 = arith.muli %arg1, %mul3A : i32
    %add3A = arith.addi %mul3A_0, %arg0 : i32
    "tpu.region"() ({
      %run_scoped3A = tpu.sem_alloc : memref<!tpu.dma_semaphore, #tpu.memory_space<semaphore_mem>>
      %dma_start3A = arith.constant 0 : i32
      %dma_start3A_6 = arith.constant 0 : i32
      %dma_start3A_7 = tpu.memref_slice %arg3[%add3A, %dma_start3A, %dma_start3A_6] : memref<32x125x40xi32, #tpu.memory_space<hbm>> -> memref<1x125x40xi32, #tpu.memory_space<hbm>>
      %dma_start3A_8 = tpu.memref_squeeze %dma_start3A_7 : memref<1x125x40xi32, #tpu.memory_space<hbm>> -> memref<125x40xi32, #tpu.memory_space<hbm>>
      %dma_start3A_9 = arith.constant 0 : i32
      %dma_start3A_10 = arith.constant 0 : i32
      %dma_start3A_11 = tpu.memref_slice %arg3[%add3A, %dma_start3A_9, %dma_start3A_10] : memref<32x125x40xi32, #tpu.memory_space<hbm>> -> memref<1x125x40xi32, #tpu.memory_space<hbm>>
      %dma_start3A_12 = tpu.memref_squeeze %dma_start3A_11 : memref<1x125x40xi32, #tpu.memory_space<hbm>> -> memref<125x40xi32, #tpu.memory_space<hbm>>
      tpu.enqueue_dma source(%dma_start3A_12 : memref<125x40xi32, #tpu.memory_space<hbm>>) target(%arg7 : memref<125x40xi32, #tpu.memory_space<vmem>>) target_semaphore(%run_scoped3A : memref<!tpu.dma_semaphore, #tpu.memory_space<semaphore_mem>>)
      %dma_wait3A = arith.constant 0 : i32
      %dma_wait3A_13 = arith.constant 0 : i32
      %dma_wait3A_14 = tpu.memref_slice %arg3[%add3A, %dma_wait3A, %dma_wait3A_13] : memref<32x125x40xi32, #tpu.memory_space<hbm>> -> memref<1x125x40xi32, #tpu.memory_space<hbm>>
      %dma_wait3A_15 = tpu.memref_squeeze %dma_wait3A_14 : memref<1x125x40xi32, #tpu.memory_space<hbm>> -> memref<125x40xi32, #tpu.memory_space<hbm>>
      %dma_wait3A_16 = arith.constant 0 : i32
      %dma_wait3A_17 = arith.constant 0 : i32
      %dma_wait3A_18 = tpu.memref_slice %arg3[%add3A, %dma_wait3A_16, %dma_wait3A_17] : memref<32x125x40xi32, #tpu.memory_space<hbm>> -> memref<1x125x40xi32, #tpu.memory_space<hbm>>
      %dma_wait3A_19 = tpu.memref_squeeze %dma_wait3A_18 : memref<1x125x40xi32, #tpu.memory_space<hbm>> -> memref<125x40xi32, #tpu.memory_space<hbm>>
      tpu.wait_dma2 semaphore(%run_scoped3A : memref<!tpu.dma_semaphore, #tpu.memory_space<semaphore_mem>>) src(%dma_wait3A_19 : memref<125x40xi32, #tpu.memory_space<hbm>>) dst(%arg7 : memref<125x40xi32, #tpu.memory_space<vmem>>)
      tpu.yield
    }) : () -> ()
    "tpu.region"() ({
      %run_scoped3A = tpu.sem_alloc : memref<!tpu.dma_semaphore, #tpu.memory_space<semaphore_mem>>
      %dma_start3A = arith.constant 0 : i32
      %dma_start3A_6 = arith.constant 0 : i32
      %dma_start3A_7 = tpu.memref_slice %arg4[%add3A, %dma_start3A, %dma_start3A_6] : memref<32x125x40xi32, #tpu.memory_space<hbm>> -> memref<1x125x40xi32, #tpu.memory_space<hbm>>
      %dma_start3A_8 = tpu.memref_squeeze %dma_start3A_7 : memref<1x125x40xi32, #tpu.memory_space<hbm>> -> memref<125x40xi32, #tpu.memory_space<hbm>>
      %dma_start3A_9 = arith.constant 0 : i32
      %dma_start3A_10 = arith.constant 0 : i32
      %dma_start3A_11 = tpu.memref_slice %arg4[%add3A, %dma_start3A_9, %dma_start3A_10] : memref<32x125x40xi32, #tpu.memory_space<hbm>> -> memref<1x125x40xi32, #tpu.memory_space<hbm>>
      %dma_start3A_12 = tpu.memref_squeeze %dma_start3A_11 : memref<1x125x40xi32, #tpu.memory_space<hbm>> -> memref<125x40xi32, #tpu.memory_space<hbm>>
      tpu.enqueue_dma source(%dma_start3A_12 : memref<125x40xi32, #tpu.memory_space<hbm>>) target(%arg8 : memref<125x40xi32, #tpu.memory_space<vmem>>) target_semaphore(%run_scoped3A : memref<!tpu.dma_semaphore, #tpu.memory_space<semaphore_mem>>)
      %dma_wait3A = arith.constant 0 : i32
      %dma_wait3A_13 = arith.constant 0 : i32
      %dma_wait3A_14 = tpu.memref_slice %arg4[%add3A, %dma_wait3A, %dma_wait3A_13] : memref<32x125x40xi32, #tpu.memory_space<hbm>> -> memref<1x125x40xi32, #tpu.memory_space<hbm>>
      %dma_wait3A_15 = tpu.memref_squeeze %dma_wait3A_14 : memref<1x125x40xi32, #tpu.memory_space<hbm>> -> memref<125x40xi32, #tpu.memory_space<hbm>>
      %dma_wait3A_16 = arith.constant 0 : i32
      %dma_wait3A_17 = arith.constant 0 : i32
      %dma_wait3A_18 = tpu.memref_slice %arg4[%add3A, %dma_wait3A_16, %dma_wait3A_17] : memref<32x125x40xi32, #tpu.memory_space<hbm>> -> memref<1x125x40xi32, #tpu.memory_space<hbm>>
      %dma_wait3A_19 = tpu.memref_squeeze %dma_wait3A_18 : memref<1x125x40xi32, #tpu.memory_space<hbm>> -> memref<125x40xi32, #tpu.memory_space<hbm>>
      tpu.wait_dma2 semaphore(%run_scoped3A : memref<!tpu.dma_semaphore, #tpu.memory_space<semaphore_mem>>) src(%dma_wait3A_19 : memref<125x40xi32, #tpu.memory_space<hbm>>) dst(%arg8 : memref<125x40xi32, #tpu.memory_space<vmem>>)
      tpu.yield
    }) : () -> ()
    %scan3A = arith.constant 0 : i32
    %scan3A_1 = arith.constant 0 : i32
    %scan3A_2 = arith.constant 125 : i32
    %scan3A_3 = arith.addi %scan3A_1, %scan3A_2 : i32
    %scan3A_4 = arith.constant 1 : i32
    scf.for %scan3A_6 = %scan3A_1 to %scan3A_3 step %scan3A_4  : i32 {
      %mul3A_7 = arith.constant 5000 : i32
      %mul3A_8 = arith.muli %add3A, %mul3A_7 : i32
      %mul3A_9 = arith.constant 40 : i32
      %mul3A_10 = arith.muli %scan3A_6, %mul3A_9 : i32
      %add3A_11 = arith.addi %mul3A_8, %mul3A_10 : i32
      %dma_start3A = arith.constant 0 : i32
      %dma_start3A_12 = tpu.memref_slice %arg7[%scan3A_6, %dma_start3A] : memref<125x40xi32, #tpu.memory_space<vmem>> -> memref<1x40xi32, #tpu.memory_space<vmem>>
      %dma_start3A_13 = tpu.memref_squeeze %dma_start3A_12 : memref<1x40xi32, #tpu.memory_space<vmem>> -> memref<40xi32, #tpu.memory_space<vmem>>
      %dma_start3A_14 = arith.constant 0 : i32
      %dma_start3A_15 = arith.constant 0 : i32
      %dma_start3A_16 = tpu.memref_slice %arg2[%dma_start3A_14, %dma_start3A_15] : memref<10000x128xi32, #tpu.memory_space<hbm>> -> memref<10000x128xi32, #tpu.memory_space<hbm>>
      tpu.enqueue_indirect_dma source(%dma_start3A_16 : memref<10000x128xi32, #tpu.memory_space<hbm>>) target(%arg9 : memref<40x128xi32, #tpu.memory_space<vmem>>) offsets(%dma_start3A_13 : memref<40xi32, #tpu.memory_space<vmem>>) semaphore(%arg11 : memref<!tpu.dma_semaphore, #tpu.memory_space<semaphore_mem>>)
      %dma_start3A_17 = arith.constant 0 : i32
      %dma_start3A_18 = tpu.memref_slice %arg8[%scan3A_6, %dma_start3A_17] : memref<125x40xi32, #tpu.memory_space<vmem>> -> memref<1x40xi32, #tpu.memory_space<vmem>>
      %dma_start3A_19 = tpu.memref_squeeze %dma_start3A_18 : memref<1x40xi32, #tpu.memory_space<vmem>> -> memref<40xi32, #tpu.memory_space<vmem>>
      %dma_start3A_20 = arith.constant 0 : i32
      %dma_start3A_21 = arith.constant 0 : i32
      %dma_start3A_22 = tpu.memref_slice %arg2[%dma_start3A_20, %dma_start3A_21] : memref<10000x128xi32, #tpu.memory_space<hbm>> -> memref<10000x128xi32, #tpu.memory_space<hbm>>
      tpu.enqueue_indirect_dma source(%dma_start3A_22 : memref<10000x128xi32, #tpu.memory_space<hbm>>) target(%arg10 : memref<40x128xi32, #tpu.memory_space<vmem>>) offsets(%dma_start3A_19 : memref<40xi32, #tpu.memory_space<vmem>>) semaphore(%arg12 : memref<!tpu.dma_semaphore, #tpu.memory_space<semaphore_mem>>)
      %dma_wait3A = arith.constant 0 : i32
      %dma_wait3A_23 = tpu.memref_slice %arg7[%scan3A_6, %dma_wait3A] : memref<125x40xi32, #tpu.memory_space<vmem>> -> memref<1x40xi32, #tpu.memory_space<vmem>>
      %dma_wait3A_24 = tpu.memref_squeeze %dma_wait3A_23 : memref<1x40xi32, #tpu.memory_space<vmem>> -> memref<40xi32, #tpu.memory_space<vmem>>
      %dma_wait3A_25 = arith.constant 0 : i32
      %dma_wait3A_26 = arith.constant 0 : i32
      %dma_wait3A_27 = tpu.memref_slice %arg2[%dma_wait3A_25, %dma_wait3A_26] : memref<10000x128xi32, #tpu.memory_space<hbm>> -> memref<10000x128xi32, #tpu.memory_space<hbm>>
      tpu.wait_indirect_dma semaphore(%arg11 : memref<!tpu.dma_semaphore, #tpu.memory_space<semaphore_mem>>) src(%dma_wait3A_27 : memref<10000x128xi32, #tpu.memory_space<hbm>>) dst(%arg9 : memref<40x128xi32, #tpu.memory_space<vmem>>)
      %dma_wait3A_28 = arith.constant 0 : i32
      %dma_wait3A_29 = tpu.memref_slice %arg8[%scan3A_6, %dma_wait3A_28] : memref<125x40xi32, #tpu.memory_space<vmem>> -> memref<1x40xi32, #tpu.memory_space<vmem>>
      %dma_wait3A_30 = tpu.memref_squeeze %dma_wait3A_29 : memref<1x40xi32, #tpu.memory_space<vmem>> -> memref<40xi32, #tpu.memory_space<vmem>>
      %dma_wait3A_31 = arith.constant 0 : i32
      %dma_wait3A_32 = arith.constant 0 : i32
      %dma_wait3A_33 = tpu.memref_slice %arg2[%dma_wait3A_31, %dma_wait3A_32] : memref<10000x128xi32, #tpu.memory_space<hbm>> -> memref<10000x128xi32, #tpu.memory_space<hbm>>
      tpu.wait_indirect_dma semaphore(%arg12 : memref<!tpu.dma_semaphore, #tpu.memory_space<semaphore_mem>>) src(%dma_wait3A_33 : memref<10000x128xi32, #tpu.memory_space<hbm>>) dst(%arg10 : memref<40x128xi32, #tpu.memory_space<vmem>>)
      "tpu.region"() ({
        %run_scoped3A = tpu.sem_alloc : memref<!tpu.dma_semaphore, #tpu.memory_space<semaphore_mem>>
        %dma_start3A_34 = arith.constant 0 : i32
        %dma_start3A_35 = tpu.memref_slice %arg5[%add3A_11, %dma_start3A_34] : memref<160000x128xi32, #tpu.memory_space<hbm>> -> memref<40x128xi32, #tpu.memory_space<hbm>>
        %dma_start3A_36 = arith.constant 0 : i32
        %dma_start3A_37 = tpu.memref_slice %arg5[%add3A_11, %dma_start3A_36] : memref<160000x128xi32, #tpu.memory_space<hbm>> -> memref<40x128xi32, #tpu.memory_space<hbm>>
        tpu.enqueue_dma source(%arg9 : memref<40x128xi32, #tpu.memory_space<vmem>>) target(%dma_start3A_37 : memref<40x128xi32, #tpu.memory_space<hbm>>) target_semaphore(%run_scoped3A : memref<!tpu.dma_semaphore, #tpu.memory_space<semaphore_mem>>)
        %dma_wait3A_38 = arith.constant 0 : i32
        %dma_wait3A_39 = tpu.memref_slice %arg5[%add3A_11, %dma_wait3A_38] : memref<160000x128xi32, #tpu.memory_space<hbm>> -> memref<40x128xi32, #tpu.memory_space<hbm>>
        %dma_wait3A_40 = arith.constant 0 : i32
        %dma_wait3A_41 = tpu.memref_slice %arg5[%add3A_11, %dma_wait3A_40] : memref<160000x128xi32, #tpu.memory_space<hbm>> -> memref<40x128xi32, #tpu.memory_space<hbm>>
        tpu.wait_dma2 semaphore(%run_scoped3A : memref<!tpu.dma_semaphore, #tpu.memory_space<semaphore_mem>>) src(%arg9 : memref<40x128xi32, #tpu.memory_space<vmem>>) dst(%dma_wait3A_41 : memref<40x128xi32, #tpu.memory_space<hbm>>)
        tpu.yield
      }) : () -> ()
      "tpu.region"() ({
        %run_scoped3A = tpu.sem_alloc : memref<!tpu.dma_semaphore, #tpu.memory_space<semaphore_mem>>
        %dma_start3A_34 = arith.constant 0 : i32
        %dma_start3A_35 = tpu.memref_slice %arg6[%add3A_11, %dma_start3A_34] : memref<160000x128xi32, #tpu.memory_space<hbm>> -> memref<40x128xi32, #tpu.memory_space<hbm>>
        %dma_start3A_36 = arith.constant 0 : i32
        %dma_start3A_37 = tpu.memref_slice %arg6[%add3A_11, %dma_start3A_36] : memref<160000x128xi32, #tpu.memory_space<hbm>> -> memref<40x128xi32, #tpu.memory_space<hbm>>
        tpu.enqueue_dma source(%arg10 : memref<40x128xi32, #tpu.memory_space<vmem>>) target(%dma_start3A_37 : memref<40x128xi32, #tpu.memory_space<hbm>>) target_semaphore(%run_scoped3A : memref<!tpu.dma_semaphore, #tpu.memory_space<semaphore_mem>>)
        %dma_wait3A_38 = arith.constant 0 : i32
        %dma_wait3A_39 = tpu.memref_slice %arg6[%add3A_11, %dma_wait3A_38] : memref<160000x128xi32, #tpu.memory_space<hbm>> -> memref<40x128xi32, #tpu.memory_space<hbm>>
        %dma_wait3A_40 = arith.constant 0 : i32
        %dma_wait3A_41 = tpu.memref_slice %arg6[%add3A_11, %dma_wait3A_40] : memref<160000x128xi32, #tpu.memory_space<hbm>> -> memref<40x128xi32, #tpu.memory_space<hbm>>
        tpu.wait_dma2 semaphore(%run_scoped3A : memref<!tpu.dma_semaphore, #tpu.memory_space<semaphore_mem>>) src(%arg10 : memref<40x128xi32, #tpu.memory_space<vmem>>) dst(%dma_wait3A_41 : memref<40x128xi32, #tpu.memory_space<hbm>>)
        tpu.yield
      }) : () -> ()
    }
    %scan3A_5 = arith.constant 125 : i32
    return
  }
}

#map = affine_map<(d0, d1) -> (0, 0)>
#map1 = affine_map<(d0, d1) -> (0, 0, 0)>
module attributes {stable_mosaic.version = 14 : i64} {
  func.func @body(%arg0: i32, %arg1: i32, %arg2: memref<160000x128xf32, #tpu.memory_space<hbm>>, %arg3: memref<160000x128xf32, #tpu.memory_space<hbm>>, %arg4: memref<16x125x80xi32, #tpu.memory_space<hbm>>, %arg5: memref<10000x128xf32, #tpu.memory_space<hbm>>, %arg6: memref<10000x128xf32, #tpu.memory_space<hbm>>, %arg7: memref<10000x128xf32, #tpu.memory_space<hbm>>, %arg8: memref<125x80xi32, #tpu.memory_space<vmem>>, %arg9: memref<80x128xf32, #tpu.memory_space<vmem>>, %arg10: memref<10000x128xf32, #tpu.memory_space<vmem_shared>>) attributes {dimension_semantics = [#tpu.dimension_semantics<core_parallel>, #tpu.dimension_semantics<subcore_parallel>], iteration_bounds = array<i64: 2, 16>, scalar_prefetch = 0 : i64, scratch_operands = 3 : i64, tpu.core_type = #tpu.core_type<sc_vector_subcore>, window_params = [{transform_indices = #map}, {transform_indices = #map}, {transform_indices = #map1}, {transform_indices = #map}, {transform_indices = #map}, {transform_indices = #map}]} {
    %eq3A = arith.constant 0 : i32
    %eq3A_0 = arith.cmpi eq, %arg1, %eq3A : i32
    %convert_element_type3A = arith.extui %eq3A_0 : i1 to i32
    %cond3A = arith.constant 0 : i32
    %cond3A_1 = arith.cmpi ne, %convert_element_type3A, %cond3A : i32
    scf.if %cond3A_1 {
      "tpu.region"() ({
        %run_scoped3A = tpu.sem_alloc : memref<!tpu.dma_semaphore, #tpu.memory_space<semaphore_mem>>
        tpu.enqueue_dma source(%arg5 : memref<10000x128xf32, #tpu.memory_space<hbm>>) target(%arg10 : memref<10000x128xf32, #tpu.memory_space<vmem_shared>>) target_semaphore(%run_scoped3A : memref<!tpu.dma_semaphore, #tpu.memory_space<semaphore_mem>>)
        tpu.wait_dma2 semaphore(%run_scoped3A : memref<!tpu.dma_semaphore, #tpu.memory_space<semaphore_mem>>) src(%arg5 : memref<10000x128xf32, #tpu.memory_space<hbm>>) dst(%arg10 : memref<10000x128xf32, #tpu.memory_space<vmem_shared>>)
        tpu.yield
      }) : () -> ()
    } else {
    }
    "tpu.region"() ({
      %run_scoped3A = tpu.sem_alloc : memref<!tpu.dma_semaphore, #tpu.memory_space<semaphore_mem>>
      %dma_start3A = arith.constant 0 : i32
      %dma_start3A_28 = arith.constant 0 : i32
      %dma_start3A_29 = tpu.memref_slice %arg4[%arg1, %dma_start3A, %dma_start3A_28] : memref<16x125x80xi32, #tpu.memory_space<hbm>> -> memref<1x125x80xi32, #tpu.memory_space<hbm>>
      %dma_start3A_30 = tpu.memref_squeeze %dma_start3A_29 : memref<1x125x80xi32, #tpu.memory_space<hbm>> -> memref<125x80xi32, #tpu.memory_space<hbm>>
      %dma_start3A_31 = arith.constant 0 : i32
      %dma_start3A_32 = arith.constant 0 : i32
      %dma_start3A_33 = tpu.memref_slice %arg4[%arg1, %dma_start3A_31, %dma_start3A_32] : memref<16x125x80xi32, #tpu.memory_space<hbm>> -> memref<1x125x80xi32, #tpu.memory_space<hbm>>
      %dma_start3A_34 = tpu.memref_squeeze %dma_start3A_33 : memref<1x125x80xi32, #tpu.memory_space<hbm>> -> memref<125x80xi32, #tpu.memory_space<hbm>>
      tpu.enqueue_dma source(%dma_start3A_34 : memref<125x80xi32, #tpu.memory_space<hbm>>) target(%arg8 : memref<125x80xi32, #tpu.memory_space<vmem>>) target_semaphore(%run_scoped3A : memref<!tpu.dma_semaphore, #tpu.memory_space<semaphore_mem>>)
      %dma_wait3A = arith.constant 0 : i32
      %dma_wait3A_35 = arith.constant 0 : i32
      %dma_wait3A_36 = tpu.memref_slice %arg4[%arg1, %dma_wait3A, %dma_wait3A_35] : memref<16x125x80xi32, #tpu.memory_space<hbm>> -> memref<1x125x80xi32, #tpu.memory_space<hbm>>
      %dma_wait3A_37 = tpu.memref_squeeze %dma_wait3A_36 : memref<1x125x80xi32, #tpu.memory_space<hbm>> -> memref<125x80xi32, #tpu.memory_space<hbm>>
      %dma_wait3A_38 = arith.constant 0 : i32
      %dma_wait3A_39 = arith.constant 0 : i32
      %dma_wait3A_40 = tpu.memref_slice %arg4[%arg1, %dma_wait3A_38, %dma_wait3A_39] : memref<16x125x80xi32, #tpu.memory_space<hbm>> -> memref<1x125x80xi32, #tpu.memory_space<hbm>>
      %dma_wait3A_41 = tpu.memref_squeeze %dma_wait3A_40 : memref<1x125x80xi32, #tpu.memory_space<hbm>> -> memref<125x80xi32, #tpu.memory_space<hbm>>
      tpu.wait_dma2 semaphore(%run_scoped3A : memref<!tpu.dma_semaphore, #tpu.memory_space<semaphore_mem>>) src(%dma_wait3A_41 : memref<125x80xi32, #tpu.memory_space<hbm>>) dst(%arg8 : memref<125x80xi32, #tpu.memory_space<vmem>>)
      tpu.yield
    }) : () -> ()
    %barrier3A = arith.constant 0 : index
    tpu.barrier barrier_id(%barrier3A)
    %eq3A_2 = arith.constant 0 : i32
    %eq3A_3 = arith.cmpi eq, %arg0, %eq3A_2 : i32
    %convert_element_type3A_4 = arith.extui %eq3A_3 : i1 to i32
    %cond3A_5 = arith.constant 0 : i32
    %cond3A_6 = arith.cmpi ne, %convert_element_type3A_4, %cond3A_5 : i32
    scf.if %cond3A_6 {
      %scan3A = arith.constant 0 : i32
      %scan3A_28 = arith.constant 0 : i32
      %scan3A_29 = arith.constant 125 : i32
      %scan3A_30 = arith.addi %scan3A_28, %scan3A_29 : i32
      %scan3A_31 = arith.constant 1 : i32
      scf.for %scan3A_33 = %scan3A_28 to %scan3A_30 step %scan3A_31  : i32 {
        %mul3A = arith.constant 10000 : i32
        %mul3A_34 = arith.muli %arg1, %mul3A : i32
        %mul3A_35 = arith.constant 80 : i32
        %mul3A_36 = arith.muli %scan3A_33, %mul3A_35 : i32
        %add3A = arith.addi %mul3A_34, %mul3A_36 : i32
        "tpu.region"() ({
          %run_scoped3A = tpu.sem_alloc : memref<!tpu.dma_semaphore, #tpu.memory_space<semaphore_mem>>
          %dma_start3A = arith.constant 0 : i32
          %dma_start3A_37 = tpu.memref_slice %arg2[%add3A, %dma_start3A] : memref<160000x128xf32, #tpu.memory_space<hbm>> -> memref<80x128xf32, #tpu.memory_space<hbm>>
          %dma_start3A_38 = arith.constant 0 : i32
          %dma_start3A_39 = tpu.memref_slice %arg2[%add3A, %dma_start3A_38] : memref<160000x128xf32, #tpu.memory_space<hbm>> -> memref<80x128xf32, #tpu.memory_space<hbm>>
          tpu.enqueue_dma source(%dma_start3A_39 : memref<80x128xf32, #tpu.memory_space<hbm>>) target(%arg9 : memref<80x128xf32, #tpu.memory_space<vmem>>) target_semaphore(%run_scoped3A : memref<!tpu.dma_semaphore, #tpu.memory_space<semaphore_mem>>)
          %dma_wait3A = arith.constant 0 : i32
          %dma_wait3A_40 = tpu.memref_slice %arg2[%add3A, %dma_wait3A] : memref<160000x128xf32, #tpu.memory_space<hbm>> -> memref<80x128xf32, #tpu.memory_space<hbm>>
          %dma_wait3A_41 = arith.constant 0 : i32
          %dma_wait3A_42 = tpu.memref_slice %arg2[%add3A, %dma_wait3A_41] : memref<160000x128xf32, #tpu.memory_space<hbm>> -> memref<80x128xf32, #tpu.memory_space<hbm>>
          tpu.wait_dma2 semaphore(%run_scoped3A : memref<!tpu.dma_semaphore, #tpu.memory_space<semaphore_mem>>) src(%dma_wait3A_42 : memref<80x128xf32, #tpu.memory_space<hbm>>) dst(%arg9 : memref<80x128xf32, #tpu.memory_space<vmem>>)
          tpu.yield
        }) : () -> ()
        "tpu.region"() ({
          %run_scoped3A = tpu.sem_alloc : memref<!tpu.dma_semaphore, #tpu.memory_space<semaphore_mem>>
          %dma_start3A = arith.constant 0 : i32
          %dma_start3A_37 = tpu.memref_slice %arg8[%scan3A_33, %dma_start3A] : memref<125x80xi32, #tpu.memory_space<vmem>> -> memref<1x80xi32, #tpu.memory_space<vmem>>
          %dma_start3A_38 = tpu.memref_squeeze %dma_start3A_37 : memref<1x80xi32, #tpu.memory_space<vmem>> -> memref<80xi32, #tpu.memory_space<vmem>>
          %dma_start3A_39 = arith.constant 0 : i32
          %dma_start3A_40 = arith.constant 0 : i32
          %dma_start3A_41 = tpu.memref_slice %arg10[%dma_start3A_39, %dma_start3A_40] : memref<10000x128xf32, #tpu.memory_space<vmem_shared>> -> memref<10000x128xf32, #tpu.memory_space<vmem_shared>>
          tpu.enqueue_indirect_dma source(%arg9 : memref<80x128xf32, #tpu.memory_space<vmem>>) target(%dma_start3A_41 : memref<10000x128xf32, #tpu.memory_space<vmem_shared>>) offsets(%dma_start3A_38 : memref<80xi32, #tpu.memory_space<vmem>>) semaphore(%run_scoped3A : memref<!tpu.dma_semaphore, #tpu.memory_space<semaphore_mem>>) {add = true}
          %dma_wait3A = arith.constant 0 : i32
          %dma_wait3A_42 = tpu.memref_slice %arg8[%scan3A_33, %dma_wait3A] : memref<125x80xi32, #tpu.memory_space<vmem>> -> memref<1x80xi32, #tpu.memory_space<vmem>>
          %dma_wait3A_43 = tpu.memref_squeeze %dma_wait3A_42 : memref<1x80xi32, #tpu.memory_space<vmem>> -> memref<80xi32, #tpu.memory_space<vmem>>
          %dma_wait3A_44 = arith.constant 0 : i32
          %dma_wait3A_45 = arith.constant 0 : i32
          %dma_wait3A_46 = tpu.memref_slice %arg10[%dma_wait3A_44, %dma_wait3A_45] : memref<10000x128xf32, #tpu.memory_space<vmem_shared>> -> memref<10000x128xf32, #tpu.memory_space<vmem_shared>>
          tpu.wait_indirect_dma semaphore(%run_scoped3A : memref<!tpu.dma_semaphore, #tpu.memory_space<semaphore_mem>>) src(%arg9 : memref<80x128xf32, #tpu.memory_space<vmem>>) dst(%dma_wait3A_46 : memref<10000x128xf32, #tpu.memory_space<vmem_shared>>)
          tpu.yield
        }) : () -> ()
      }
      %scan3A_32 = arith.constant 125 : i32
    } else {
    }
    %eq3A_7 = arith.constant 1 : i32
    %eq3A_8 = arith.cmpi eq, %arg0, %eq3A_7 : i32
    %convert_element_type3A_9 = arith.extui %eq3A_8 : i1 to i32
    %cond3A_10 = arith.constant 0 : i32
    %cond3A_11 = arith.cmpi ne, %convert_element_type3A_9, %cond3A_10 : i32
    scf.if %cond3A_11 {
      %scan3A = arith.constant 0 : i32
      %scan3A_28 = arith.constant 0 : i32
      %scan3A_29 = arith.constant 125 : i32
      %scan3A_30 = arith.addi %scan3A_28, %scan3A_29 : i32
      %scan3A_31 = arith.constant 1 : i32
      scf.for %scan3A_33 = %scan3A_28 to %scan3A_30 step %scan3A_31  : i32 {
        %mul3A = arith.constant 10000 : i32
        %mul3A_34 = arith.muli %arg1, %mul3A : i32
        %mul3A_35 = arith.constant 80 : i32
        %mul3A_36 = arith.muli %scan3A_33, %mul3A_35 : i32
        %add3A = arith.addi %mul3A_34, %mul3A_36 : i32
        "tpu.region"() ({
          %run_scoped3A = tpu.sem_alloc : memref<!tpu.dma_semaphore, #tpu.memory_space<semaphore_mem>>
          %dma_start3A = arith.constant 0 : i32
          %dma_start3A_37 = tpu.memref_slice %arg3[%add3A, %dma_start3A] : memref<160000x128xf32, #tpu.memory_space<hbm>> -> memref<80x128xf32, #tpu.memory_space<hbm>>
          %dma_start3A_38 = arith.constant 0 : i32
          %dma_start3A_39 = tpu.memref_slice %arg3[%add3A, %dma_start3A_38] : memref<160000x128xf32, #tpu.memory_space<hbm>> -> memref<80x128xf32, #tpu.memory_space<hbm>>
          tpu.enqueue_dma source(%dma_start3A_39 : memref<80x128xf32, #tpu.memory_space<hbm>>) target(%arg9 : memref<80x128xf32, #tpu.memory_space<vmem>>) target_semaphore(%run_scoped3A : memref<!tpu.dma_semaphore, #tpu.memory_space<semaphore_mem>>)
          %dma_wait3A = arith.constant 0 : i32
          %dma_wait3A_40 = tpu.memref_slice %arg3[%add3A, %dma_wait3A] : memref<160000x128xf32, #tpu.memory_space<hbm>> -> memref<80x128xf32, #tpu.memory_space<hbm>>
          %dma_wait3A_41 = arith.constant 0 : i32
          %dma_wait3A_42 = tpu.memref_slice %arg3[%add3A, %dma_wait3A_41] : memref<160000x128xf32, #tpu.memory_space<hbm>> -> memref<80x128xf32, #tpu.memory_space<hbm>>
          tpu.wait_dma2 semaphore(%run_scoped3A : memref<!tpu.dma_semaphore, #tpu.memory_space<semaphore_mem>>) src(%dma_wait3A_42 : memref<80x128xf32, #tpu.memory_space<hbm>>) dst(%arg9 : memref<80x128xf32, #tpu.memory_space<vmem>>)
          tpu.yield
        }) : () -> ()
        "tpu.region"() ({
          %run_scoped3A = tpu.sem_alloc : memref<!tpu.dma_semaphore, #tpu.memory_space<semaphore_mem>>
          %dma_start3A = arith.constant 0 : i32
          %dma_start3A_37 = tpu.memref_slice %arg8[%scan3A_33, %dma_start3A] : memref<125x80xi32, #tpu.memory_space<vmem>> -> memref<1x80xi32, #tpu.memory_space<vmem>>
          %dma_start3A_38 = tpu.memref_squeeze %dma_start3A_37 : memref<1x80xi32, #tpu.memory_space<vmem>> -> memref<80xi32, #tpu.memory_space<vmem>>
          %dma_start3A_39 = arith.constant 0 : i32
          %dma_start3A_40 = arith.constant 0 : i32
          %dma_start3A_41 = tpu.memref_slice %arg10[%dma_start3A_39, %dma_start3A_40] : memref<10000x128xf32, #tpu.memory_space<vmem_shared>> -> memref<10000x128xf32, #tpu.memory_space<vmem_shared>>
          tpu.enqueue_indirect_dma source(%arg9 : memref<80x128xf32, #tpu.memory_space<vmem>>) target(%dma_start3A_41 : memref<10000x128xf32, #tpu.memory_space<vmem_shared>>) offsets(%dma_start3A_38 : memref<80xi32, #tpu.memory_space<vmem>>) semaphore(%run_scoped3A : memref<!tpu.dma_semaphore, #tpu.memory_space<semaphore_mem>>) {add = true}
          %dma_wait3A = arith.constant 0 : i32
          %dma_wait3A_42 = tpu.memref_slice %arg8[%scan3A_33, %dma_wait3A] : memref<125x80xi32, #tpu.memory_space<vmem>> -> memref<1x80xi32, #tpu.memory_space<vmem>>
          %dma_wait3A_43 = tpu.memref_squeeze %dma_wait3A_42 : memref<1x80xi32, #tpu.memory_space<vmem>> -> memref<80xi32, #tpu.memory_space<vmem>>
          %dma_wait3A_44 = arith.constant 0 : i32
          %dma_wait3A_45 = arith.constant 0 : i32
          %dma_wait3A_46 = tpu.memref_slice %arg10[%dma_wait3A_44, %dma_wait3A_45] : memref<10000x128xf32, #tpu.memory_space<vmem_shared>> -> memref<10000x128xf32, #tpu.memory_space<vmem_shared>>
          tpu.wait_indirect_dma semaphore(%run_scoped3A : memref<!tpu.dma_semaphore, #tpu.memory_space<semaphore_mem>>) src(%arg9 : memref<80x128xf32, #tpu.memory_space<vmem>>) dst(%dma_wait3A_46 : memref<10000x128xf32, #tpu.memory_space<vmem_shared>>)
          tpu.yield
        }) : () -> ()
      }
      %scan3A_32 = arith.constant 125 : i32
    } else {
    }
    %barrier3A_12 = arith.constant 0 : index
    tpu.barrier barrier_id(%barrier3A_12)
    %eq3A_13 = arith.constant 0 : i32
    %eq3A_14 = arith.cmpi eq, %arg1, %eq3A_13 : i32
    %eq3A_15 = arith.constant 0 : i32
    %eq3A_16 = arith.cmpi eq, %arg0, %eq3A_15 : i32
    %and3A = arith.andi %eq3A_14, %eq3A_16 : i1
    %convert_element_type3A_17 = arith.extui %and3A : i1 to i32
    %cond3A_18 = arith.constant 0 : i32
    %cond3A_19 = arith.cmpi ne, %convert_element_type3A_17, %cond3A_18 : i32
    scf.if %cond3A_19 {
      "tpu.region"() ({
        %run_scoped3A = tpu.sem_alloc : memref<!tpu.dma_semaphore, #tpu.memory_space<semaphore_mem>>
        tpu.enqueue_dma source(%arg10 : memref<10000x128xf32, #tpu.memory_space<vmem_shared>>) target(%arg6 : memref<10000x128xf32, #tpu.memory_space<hbm>>) target_semaphore(%run_scoped3A : memref<!tpu.dma_semaphore, #tpu.memory_space<semaphore_mem>>)
        tpu.wait_dma2 semaphore(%run_scoped3A : memref<!tpu.dma_semaphore, #tpu.memory_space<semaphore_mem>>) src(%arg10 : memref<10000x128xf32, #tpu.memory_space<vmem_shared>>) dst(%arg6 : memref<10000x128xf32, #tpu.memory_space<hbm>>)
        tpu.yield
      }) : () -> ()
    } else {
    }
    %eq3A_20 = arith.constant 0 : i32
    %eq3A_21 = arith.cmpi eq, %arg1, %eq3A_20 : i32
    %eq3A_22 = arith.constant 1 : i32
    %eq3A_23 = arith.cmpi eq, %arg0, %eq3A_22 : i32
    %and3A_24 = arith.andi %eq3A_21, %eq3A_23 : i1
    %convert_element_type3A_25 = arith.extui %and3A_24 : i1 to i32
    %cond3A_26 = arith.constant 0 : i32
    %cond3A_27 = arith.cmpi ne, %convert_element_type3A_25, %cond3A_26 : i32
    scf.if %cond3A_27 {
      "tpu.region"() ({
        %run_scoped3A = tpu.sem_alloc : memref<!tpu.dma_semaphore, #tpu.memory_space<semaphore_mem>>
        tpu.enqueue_dma source(%arg10 : memref<10000x128xf32, #tpu.memory_space<vmem_shared>>) target(%arg7 : memref<10000x128xf32, #tpu.memory_space<hbm>>) target_semaphore(%run_scoped3A : memref<!tpu.dma_semaphore, #tpu.memory_space<semaphore_mem>>)
        tpu.wait_dma2 semaphore(%run_scoped3A : memref<!tpu.dma_semaphore, #tpu.memory_space<semaphore_mem>>) src(%arg10 : memref<10000x128xf32, #tpu.memory_space<vmem_shared>>) dst(%arg7 : memref<10000x128xf32, #tpu.memory_space<hbm>>)
        tpu.yield
      }) : () -> ()
    } else {
    }
    return
  }
}

#map = affine_map<(d0, d1) -> (0, 0)>
#map1 = affine_map<(d0, d1) -> (0, 0, 0)>
module attributes {stable_mosaic.version = 14 : i64} {
  func.func @body(%arg0: i32, %arg1: i32, %arg2: memref<160000x128xf32, #tpu.memory_space<hbm>>, %arg3: memref<160000x128xf32, #tpu.memory_space<hbm>>, %arg4: memref<16x125x80xi32, #tpu.memory_space<hbm>>, %arg5: memref<10000x128xf32, #tpu.memory_space<hbm>>, %arg6: memref<10000x128xf32, #tpu.memory_space<hbm>>, %arg7: memref<10000x128xf32, #tpu.memory_space<hbm>>, %arg8: memref<125x80xi32, #tpu.memory_space<vmem>>, %arg9: memref<80x128xf32, #tpu.memory_space<vmem>>, %arg10: memref<10000x128xf32, #tpu.memory_space<vmem_shared>>) attributes {dimension_semantics = [#tpu.dimension_semantics<core_parallel>, #tpu.dimension_semantics<subcore_parallel>], iteration_bounds = array<i64: 2, 16>, scalar_prefetch = 0 : i64, scratch_operands = 3 : i64, tpu.core_type = #tpu.core_type<sc_vector_subcore>, window_params = [{transform_indices = #map}, {transform_indices = #map}, {transform_indices = #map1}, {transform_indices = #map}, {transform_indices = #map}, {transform_indices = #map}]} {
    %eq3A = arith.constant 0 : i32
    %eq3A_0 = arith.cmpi eq, %arg1, %eq3A : i32
    %convert_element_type3A = arith.extui %eq3A_0 : i1 to i32
    %cond3A = arith.constant 0 : i32
    %cond3A_1 = arith.cmpi ne, %convert_element_type3A, %cond3A : i32
    scf.if %cond3A_1 {
      "tpu.region"() ({
        %run_scoped3A = tpu.sem_alloc : memref<!tpu.dma_semaphore, #tpu.memory_space<semaphore_mem>>
        tpu.enqueue_dma source(%arg5 : memref<10000x128xf32, #tpu.memory_space<hbm>>) target(%arg10 : memref<10000x128xf32, #tpu.memory_space<vmem_shared>>) target_semaphore(%run_scoped3A : memref<!tpu.dma_semaphore, #tpu.memory_space<semaphore_mem>>)
        tpu.wait_dma2 semaphore(%run_scoped3A : memref<!tpu.dma_semaphore, #tpu.memory_space<semaphore_mem>>) src(%arg5 : memref<10000x128xf32, #tpu.memory_space<hbm>>) dst(%arg10 : memref<10000x128xf32, #tpu.memory_space<vmem_shared>>)
        tpu.yield
      }) : () -> ()
    } else {
    }
    "tpu.region"() ({
      %run_scoped3A = tpu.sem_alloc : memref<!tpu.dma_semaphore, #tpu.memory_space<semaphore_mem>>
      %dma_start3A = arith.constant 0 : i32
      %dma_start3A_28 = arith.constant 0 : i32
      %dma_start3A_29 = tpu.memref_slice %arg4[%arg1, %dma_start3A, %dma_start3A_28] : memref<16x125x80xi32, #tpu.memory_space<hbm>> -> memref<1x125x80xi32, #tpu.memory_space<hbm>>
      %dma_start3A_30 = tpu.memref_squeeze %dma_start3A_29 : memref<1x125x80xi32, #tpu.memory_space<hbm>> -> memref<125x80xi32, #tpu.memory_space<hbm>>
      %dma_start3A_31 = arith.constant 0 : i32
      %dma_start3A_32 = arith.constant 0 : i32
      %dma_start3A_33 = tpu.memref_slice %arg4[%arg1, %dma_start3A_31, %dma_start3A_32] : memref<16x125x80xi32, #tpu.memory_space<hbm>> -> memref<1x125x80xi32, #tpu.memory_space<hbm>>
      %dma_start3A_34 = tpu.memref_squeeze %dma_start3A_33 : memref<1x125x80xi32, #tpu.memory_space<hbm>> -> memref<125x80xi32, #tpu.memory_space<hbm>>
      tpu.enqueue_dma source(%dma_start3A_34 : memref<125x80xi32, #tpu.memory_space<hbm>>) target(%arg8 : memref<125x80xi32, #tpu.memory_space<vmem>>) target_semaphore(%run_scoped3A : memref<!tpu.dma_semaphore, #tpu.memory_space<semaphore_mem>>)
      %dma_wait3A = arith.constant 0 : i32
      %dma_wait3A_35 = arith.constant 0 : i32
      %dma_wait3A_36 = tpu.memref_slice %arg4[%arg1, %dma_wait3A, %dma_wait3A_35] : memref<16x125x80xi32, #tpu.memory_space<hbm>> -> memref<1x125x80xi32, #tpu.memory_space<hbm>>
      %dma_wait3A_37 = tpu.memref_squeeze %dma_wait3A_36 : memref<1x125x80xi32, #tpu.memory_space<hbm>> -> memref<125x80xi32, #tpu.memory_space<hbm>>
      %dma_wait3A_38 = arith.constant 0 : i32
      %dma_wait3A_39 = arith.constant 0 : i32
      %dma_wait3A_40 = tpu.memref_slice %arg4[%arg1, %dma_wait3A_38, %dma_wait3A_39] : memref<16x125x80xi32, #tpu.memory_space<hbm>> -> memref<1x125x80xi32, #tpu.memory_space<hbm>>
      %dma_wait3A_41 = tpu.memref_squeeze %dma_wait3A_40 : memref<1x125x80xi32, #tpu.memory_space<hbm>> -> memref<125x80xi32, #tpu.memory_space<hbm>>
      tpu.wait_dma2 semaphore(%run_scoped3A : memref<!tpu.dma_semaphore, #tpu.memory_space<semaphore_mem>>) src(%dma_wait3A_41 : memref<125x80xi32, #tpu.memory_space<hbm>>) dst(%arg8 : memref<125x80xi32, #tpu.memory_space<vmem>>)
      tpu.yield
    }) : () -> ()
    %barrier3A = arith.constant 0 : index
    tpu.barrier barrier_id(%barrier3A)
    %eq3A_2 = arith.constant 0 : i32
    %eq3A_3 = arith.cmpi eq, %arg0, %eq3A_2 : i32
    %convert_element_type3A_4 = arith.extui %eq3A_3 : i1 to i32
    %cond3A_5 = arith.constant 0 : i32
    %cond3A_6 = arith.cmpi ne, %convert_element_type3A_4, %cond3A_5 : i32
    scf.if %cond3A_6 {
      %scan3A = arith.constant 0 : i32
      %scan3A_28 = arith.constant 0 : i32
      %scan3A_29 = arith.constant 125 : i32
      %scan3A_30 = arith.addi %scan3A_28, %scan3A_29 : i32
      %scan3A_31 = arith.constant 1 : i32
      scf.for %scan3A_33 = %scan3A_28 to %scan3A_30 step %scan3A_31  : i32 {
        %mul3A = arith.constant 10000 : i32
        %mul3A_34 = arith.muli %arg1, %mul3A : i32
        %mul3A_35 = arith.constant 80 : i32
        %mul3A_36 = arith.muli %scan3A_33, %mul3A_35 : i32
        %add3A = arith.addi %mul3A_34, %mul3A_36 : i32
        "tpu.region"() ({
          %run_scoped3A = tpu.sem_alloc : memref<!tpu.dma_semaphore, #tpu.memory_space<semaphore_mem>>
          %dma_start3A = arith.constant 0 : i32
          %dma_start3A_37 = tpu.memref_slice %arg2[%add3A, %dma_start3A] : memref<160000x128xf32, #tpu.memory_space<hbm>> -> memref<80x128xf32, #tpu.memory_space<hbm>>
          %dma_start3A_38 = arith.constant 0 : i32
          %dma_start3A_39 = tpu.memref_slice %arg2[%add3A, %dma_start3A_38] : memref<160000x128xf32, #tpu.memory_space<hbm>> -> memref<80x128xf32, #tpu.memory_space<hbm>>
          tpu.enqueue_dma source(%dma_start3A_39 : memref<80x128xf32, #tpu.memory_space<hbm>>) target(%arg9 : memref<80x128xf32, #tpu.memory_space<vmem>>) target_semaphore(%run_scoped3A : memref<!tpu.dma_semaphore, #tpu.memory_space<semaphore_mem>>)
          %dma_wait3A = arith.constant 0 : i32
          %dma_wait3A_40 = tpu.memref_slice %arg2[%add3A, %dma_wait3A] : memref<160000x128xf32, #tpu.memory_space<hbm>> -> memref<80x128xf32, #tpu.memory_space<hbm>>
          %dma_wait3A_41 = arith.constant 0 : i32
          %dma_wait3A_42 = tpu.memref_slice %arg2[%add3A, %dma_wait3A_41] : memref<160000x128xf32, #tpu.memory_space<hbm>> -> memref<80x128xf32, #tpu.memory_space<hbm>>
          tpu.wait_dma2 semaphore(%run_scoped3A : memref<!tpu.dma_semaphore, #tpu.memory_space<semaphore_mem>>) src(%dma_wait3A_42 : memref<80x128xf32, #tpu.memory_space<hbm>>) dst(%arg9 : memref<80x128xf32, #tpu.memory_space<vmem>>)
          tpu.yield
        }) : () -> ()
        "tpu.region"() ({
          %run_scoped3A = tpu.sem_alloc : memref<!tpu.dma_semaphore, #tpu.memory_space<semaphore_mem>>
          %dma_start3A = arith.constant 0 : i32
          %dma_start3A_37 = tpu.memref_slice %arg8[%scan3A_33, %dma_start3A] : memref<125x80xi32, #tpu.memory_space<vmem>> -> memref<1x80xi32, #tpu.memory_space<vmem>>
          %dma_start3A_38 = tpu.memref_squeeze %dma_start3A_37 : memref<1x80xi32, #tpu.memory_space<vmem>> -> memref<80xi32, #tpu.memory_space<vmem>>
          %dma_start3A_39 = arith.constant 0 : i32
          %dma_start3A_40 = arith.constant 0 : i32
          %dma_start3A_41 = tpu.memref_slice %arg10[%dma_start3A_39, %dma_start3A_40] : memref<10000x128xf32, #tpu.memory_space<vmem_shared>> -> memref<10000x128xf32, #tpu.memory_space<vmem_shared>>
          tpu.enqueue_indirect_dma source(%arg9 : memref<80x128xf32, #tpu.memory_space<vmem>>) target(%dma_start3A_41 : memref<10000x128xf32, #tpu.memory_space<vmem_shared>>) offsets(%dma_start3A_38 : memref<80xi32, #tpu.memory_space<vmem>>) semaphore(%run_scoped3A : memref<!tpu.dma_semaphore, #tpu.memory_space<semaphore_mem>>) {add = true}
          %dma_wait3A = arith.constant 0 : i32
          %dma_wait3A_42 = tpu.memref_slice %arg8[%scan3A_33, %dma_wait3A] : memref<125x80xi32, #tpu.memory_space<vmem>> -> memref<1x80xi32, #tpu.memory_space<vmem>>
          %dma_wait3A_43 = tpu.memref_squeeze %dma_wait3A_42 : memref<1x80xi32, #tpu.memory_space<vmem>> -> memref<80xi32, #tpu.memory_space<vmem>>
          %dma_wait3A_44 = arith.constant 0 : i32
          %dma_wait3A_45 = arith.constant 0 : i32
          %dma_wait3A_46 = tpu.memref_slice %arg10[%dma_wait3A_44, %dma_wait3A_45] : memref<10000x128xf32, #tpu.memory_space<vmem_shared>> -> memref<10000x128xf32, #tpu.memory_space<vmem_shared>>
          tpu.wait_indirect_dma semaphore(%run_scoped3A : memref<!tpu.dma_semaphore, #tpu.memory_space<semaphore_mem>>) src(%arg9 : memref<80x128xf32, #tpu.memory_space<vmem>>) dst(%dma_wait3A_46 : memref<10000x128xf32, #tpu.memory_space<vmem_shared>>)
          tpu.yield
        }) : () -> ()
      }
      %scan3A_32 = arith.constant 125 : i32
    } else {
    }
    %eq3A_7 = arith.constant 1 : i32
    %eq3A_8 = arith.cmpi eq, %arg0, %eq3A_7 : i32
    %convert_element_type3A_9 = arith.extui %eq3A_8 : i1 to i32
    %cond3A_10 = arith.constant 0 : i32
    %cond3A_11 = arith.cmpi ne, %convert_element_type3A_9, %cond3A_10 : i32
    scf.if %cond3A_11 {
      %scan3A = arith.constant 0 : i32
      %scan3A_28 = arith.constant 0 : i32
      %scan3A_29 = arith.constant 125 : i32
      %scan3A_30 = arith.addi %scan3A_28, %scan3A_29 : i32
      %scan3A_31 = arith.constant 1 : i32
      scf.for %scan3A_33 = %scan3A_28 to %scan3A_30 step %scan3A_31  : i32 {
        %mul3A = arith.constant 10000 : i32
        %mul3A_34 = arith.muli %arg1, %mul3A : i32
        %mul3A_35 = arith.constant 80 : i32
        %mul3A_36 = arith.muli %scan3A_33, %mul3A_35 : i32
        %add3A = arith.addi %mul3A_34, %mul3A_36 : i32
        "tpu.region"() ({
          %run_scoped3A = tpu.sem_alloc : memref<!tpu.dma_semaphore, #tpu.memory_space<semaphore_mem>>
          %dma_start3A = arith.constant 0 : i32
          %dma_start3A_37 = tpu.memref_slice %arg3[%add3A, %dma_start3A] : memref<160000x128xf32, #tpu.memory_space<hbm>> -> memref<80x128xf32, #tpu.memory_space<hbm>>
          %dma_start3A_38 = arith.constant 0 : i32
          %dma_start3A_39 = tpu.memref_slice %arg3[%add3A, %dma_start3A_38] : memref<160000x128xf32, #tpu.memory_space<hbm>> -> memref<80x128xf32, #tpu.memory_space<hbm>>
          tpu.enqueue_dma source(%dma_start3A_39 : memref<80x128xf32, #tpu.memory_space<hbm>>) target(%arg9 : memref<80x128xf32, #tpu.memory_space<vmem>>) target_semaphore(%run_scoped3A : memref<!tpu.dma_semaphore, #tpu.memory_space<semaphore_mem>>)
          %dma_wait3A = arith.constant 0 : i32
          %dma_wait3A_40 = tpu.memref_slice %arg3[%add3A, %dma_wait3A] : memref<160000x128xf32, #tpu.memory_space<hbm>> -> memref<80x128xf32, #tpu.memory_space<hbm>>
          %dma_wait3A_41 = arith.constant 0 : i32
          %dma_wait3A_42 = tpu.memref_slice %arg3[%add3A, %dma_wait3A_41] : memref<160000x128xf32, #tpu.memory_space<hbm>> -> memref<80x128xf32, #tpu.memory_space<hbm>>
          tpu.wait_dma2 semaphore(%run_scoped3A : memref<!tpu.dma_semaphore, #tpu.memory_space<semaphore_mem>>) src(%dma_wait3A_42 : memref<80x128xf32, #tpu.memory_space<hbm>>) dst(%arg9 : memref<80x128xf32, #tpu.memory_space<vmem>>)
          tpu.yield
        }) : () -> ()
        "tpu.region"() ({
          %run_scoped3A = tpu.sem_alloc : memref<!tpu.dma_semaphore, #tpu.memory_space<semaphore_mem>>
          %dma_start3A = arith.constant 0 : i32
          %dma_start3A_37 = tpu.memref_slice %arg8[%scan3A_33, %dma_start3A] : memref<125x80xi32, #tpu.memory_space<vmem>> -> memref<1x80xi32, #tpu.memory_space<vmem>>
          %dma_start3A_38 = tpu.memref_squeeze %dma_start3A_37 : memref<1x80xi32, #tpu.memory_space<vmem>> -> memref<80xi32, #tpu.memory_space<vmem>>
          %dma_start3A_39 = arith.constant 0 : i32
          %dma_start3A_40 = arith.constant 0 : i32
          %dma_start3A_41 = tpu.memref_slice %arg10[%dma_start3A_39, %dma_start3A_40] : memref<10000x128xf32, #tpu.memory_space<vmem_shared>> -> memref<10000x128xf32, #tpu.memory_space<vmem_shared>>
          tpu.enqueue_indirect_dma source(%arg9 : memref<80x128xf32, #tpu.memory_space<vmem>>) target(%dma_start3A_41 : memref<10000x128xf32, #tpu.memory_space<vmem_shared>>) offsets(%dma_start3A_38 : memref<80xi32, #tpu.memory_space<vmem>>) semaphore(%run_scoped3A : memref<!tpu.dma_semaphore, #tpu.memory_space<semaphore_mem>>) {add = true}
          %dma_wait3A = arith.constant 0 : i32
          %dma_wait3A_42 = tpu.memref_slice %arg8[%scan3A_33, %dma_wait3A] : memref<125x80xi32, #tpu.memory_space<vmem>> -> memref<1x80xi32, #tpu.memory_space<vmem>>
          %dma_wait3A_43 = tpu.memref_squeeze %dma_wait3A_42 : memref<1x80xi32, #tpu.memory_space<vmem>> -> memref<80xi32, #tpu.memory_space<vmem>>
          %dma_wait3A_44 = arith.constant 0 : i32
          %dma_wait3A_45 = arith.constant 0 : i32
          %dma_wait3A_46 = tpu.memref_slice %arg10[%dma_wait3A_44, %dma_wait3A_45] : memref<10000x128xf32, #tpu.memory_space<vmem_shared>> -> memref<10000x128xf32, #tpu.memory_space<vmem_shared>>
          tpu.wait_indirect_dma semaphore(%run_scoped3A : memref<!tpu.dma_semaphore, #tpu.memory_space<semaphore_mem>>) src(%arg9 : memref<80x128xf32, #tpu.memory_space<vmem>>) dst(%dma_wait3A_46 : memref<10000x128xf32, #tpu.memory_space<vmem_shared>>)
          tpu.yield
        }) : () -> ()
      }
      %scan3A_32 = arith.constant 125 : i32
    } else {
    }
    %barrier3A_12 = arith.constant 0 : index
    tpu.barrier barrier_id(%barrier3A_12)
    %eq3A_13 = arith.constant 0 : i32
    %eq3A_14 = arith.cmpi eq, %arg1, %eq3A_13 : i32
    %eq3A_15 = arith.constant 0 : i32
    %eq3A_16 = arith.cmpi eq, %arg0, %eq3A_15 : i32
    %and3A = arith.andi %eq3A_14, %eq3A_16 : i1
    %convert_element_type3A_17 = arith.extui %and3A : i1 to i32
    %cond3A_18 = arith.constant 0 : i32
    %cond3A_19 = arith.cmpi ne, %convert_element_type3A_17, %cond3A_18 : i32
    scf.if %cond3A_19 {
      "tpu.region"() ({
        %run_scoped3A = tpu.sem_alloc : memref<!tpu.dma_semaphore, #tpu.memory_space<semaphore_mem>>
        tpu.enqueue_dma source(%arg10 : memref<10000x128xf32, #tpu.memory_space<vmem_shared>>) target(%arg6 : memref<10000x128xf32, #tpu.memory_space<hbm>>) target_semaphore(%run_scoped3A : memref<!tpu.dma_semaphore, #tpu.memory_space<semaphore_mem>>)
        tpu.wait_dma2 semaphore(%run_scoped3A : memref<!tpu.dma_semaphore, #tpu.memory_space<semaphore_mem>>) src(%arg10 : memref<10000x128xf32, #tpu.memory_space<vmem_shared>>) dst(%arg6 : memref<10000x128xf32, #tpu.memory_space<hbm>>)
        tpu.yield
      }) : () -> ()
    } else {
    }
    %eq3A_20 = arith.constant 0 : i32
    %eq3A_21 = arith.cmpi eq, %arg1, %eq3A_20 : i32
    %eq3A_22 = arith.constant 1 : i32
    %eq3A_23 = arith.cmpi eq, %arg0, %eq3A_22 : i32
    %and3A_24 = arith.andi %eq3A_21, %eq3A_23 : i1
    %convert_element_type3A_25 = arith.extui %and3A_24 : i1 to i32
    %cond3A_26 = arith.constant 0 : i32
    %cond3A_27 = arith.cmpi ne, %convert_element_type3A_25, %cond3A_26 : i32
    scf.if %cond3A_27 {
      "tpu.region"() ({
        %run_scoped3A = tpu.sem_alloc : memref<!tpu.dma_semaphore, #tpu.memory_space<semaphore_mem>>
        tpu.enqueue_dma source(%arg10 : memref<10000x128xf32, #tpu.memory_space<vmem_shared>>) target(%arg7 : memref<10000x128xf32, #tpu.memory_space<hbm>>) target_semaphore(%run_scoped3A : memref<!tpu.dma_semaphore, #tpu.memory_space<semaphore_mem>>)
        tpu.wait_dma2 semaphore(%run_scoped3A : memref<!tpu.dma_semaphore, #tpu.memory_space<semaphore_mem>>) src(%arg10 : memref<10000x128xf32, #tpu.memory_space<vmem_shared>>) dst(%arg7 : memref<10000x128xf32, #tpu.memory_space<hbm>>)
        tpu.yield
      }) : () -> ()
    } else {
    }
    return
  }
}

module attributes {stable_mosaic.version = 14 : i64} {
  func.func @_edge_kernel(%arg0: i32, %arg1: memref<2000x128xi32, #tpu.memory_space<vmem>>, %arg2: memref<2000x128xi32, #tpu.memory_space<vmem>>, %arg3: memref<2000x16xf32, #tpu.memory_space<vmem>>, %arg4: memref<2000x3xf32, #tpu.memory_space<vmem>>, %arg5: memref<48x99xf32, #tpu.memory_space<vmem>>, %arg6: memref<48x99xf32, #tpu.memory_space<vmem>>, %arg7: memref<3x99xf32, #tpu.memory_space<vmem>>, %arg8: memref<99x48xf32, #tpu.memory_space<vmem>>, %arg9: memref<99x33xf32, #tpu.memory_space<vmem>>, %arg10: memref<48x16xf32, #tpu.memory_space<vmem>>, %arg11: memref<128x128xf32, #tpu.memory_space<vmem>>, %arg12: memref<128x128xf32, #tpu.memory_space<vmem>>, %arg13: memref<16x128xf32, #tpu.memory_space<vmem>>, %arg14: memref<33x128xf32, #tpu.memory_space<vmem>>, %arg15: memref<1x128xf32, #tpu.memory_space<vmem>>, %arg16: memref<48x48xf32, #tpu.memory_space<vmem>>, %arg17: memref<48x48xf32, #tpu.memory_space<vmem>>, %arg18: memref<128x128xf32, #tpu.memory_space<vmem>>, %arg19: memref<16x128xf32, #tpu.memory_space<vmem>>, %arg20: memref<1x128xf32, #tpu.memory_space<vmem>>, %arg21: memref<48x48xf32, #tpu.memory_space<vmem>>, %arg22: memref<48x48xf32, #tpu.memory_space<vmem>>, %arg23: memref<128x128xf32, #tpu.memory_space<vmem>>, %arg24: memref<16x128xf32, #tpu.memory_space<vmem>>, %arg25: memref<1x128xf32, #tpu.memory_space<vmem>>, %arg26: memref<48x48xf32, #tpu.memory_space<vmem>>, %arg27: memref<128x1xf32, #tpu.memory_space<vmem>>, %arg28: memref<16x1xf32, #tpu.memory_space<vmem>>, %arg29: memref<1x1xf32, #tpu.memory_space<vmem>>, %arg30: memref<2000x128xf32, #tpu.memory_space<vmem>>, %arg31: memref<2000x128xf32, #tpu.memory_space<vmem>>) attributes {dimension_semantics = [#tpu.dimension_semantics<arbitrary>], iteration_bounds = array<i64: 80>, scalar_prefetch = 0 : i64, scratch_operands = 0 : i64, tpu.core_type = #tpu.core_type<tc>, window_params = [{transform_indices = @transform_0, window_bounds = array<i64: 2000, 128>}, {transform_indices = @transform_1, window_bounds = array<i64: 2000, 128>}, {transform_indices = @transform_2, window_bounds = array<i64: 2000, 16>}, {transform_indices = @transform_3, window_bounds = array<i64: 2000, 3>}, {pipeline_mode = #tpu.pipeline_mode<synchronous>, transform_indices = @transform_4, window_bounds = array<i64: 48, 99>}, {pipeline_mode = #tpu.pipeline_mode<synchronous>, transform_indices = @transform_5, window_bounds = array<i64: 48, 99>}, {pipeline_mode = #tpu.pipeline_mode<synchronous>, transform_indices = @transform_6, window_bounds = array<i64: 3, 99>}, {pipeline_mode = #tpu.pipeline_mode<synchronous>, transform_indices = @transform_7, window_bounds = array<i64: 99, 48>}, {pipeline_mode = #tpu.pipeline_mode<synchronous>, transform_indices = @transform_8, window_bounds = array<i64: 99, 33>}, {pipeline_mode = #tpu.pipeline_mode<synchronous>, transform_indices = @transform_9, window_bounds = array<i64: 48, 16>}, {pipeline_mode = #tpu.pipeline_mode<synchronous>, transform_indices = @transform_10, window_bounds = array<i64: 128, 128>}, {pipeline_mode = #tpu.pipeline_mode<synchronous>, transform_indices = @transform_11, window_bounds = array<i64: 128, 128>}, {pipeline_mode = #tpu.pipeline_mode<synchronous>, transform_indices = @transform_12, window_bounds = array<i64: 16, 128>}, {pipeline_mode = #tpu.pipeline_mode<synchronous>, transform_indices = @transform_13, window_bounds = array<i64: 33, 128>}, {pipeline_mode = #tpu.pipeline_mode<synchronous>, transform_indices = @transform_14, window_bounds = array<i64: 1, 128>}, {pipeline_mode = #tpu.pipeline_mode<synchronous>, transform_indices = @transform_15, window_bounds = array<i64: 48, 48>}, {pipeline_mode = #tpu.pipeline_mode<synchronous>, transform_indices = @transform_16, window_bounds = array<i64: 48, 48>}, {pipeline_mode = #tpu.pipeline_mode<synchronous>, transform_indices = @transform_17, window_bounds = array<i64: 128, 128>}, {pipeline_mode = #tpu.pipeline_mode<synchronous>, transform_indices = @transform_18, window_bounds = array<i64: 16, 128>}, {pipeline_mode = #tpu.pipeline_mode<synchronous>, transform_indices = @transform_19, window_bounds = array<i64: 1, 128>}, {pipeline_mode = #tpu.pipeline_mode<synchronous>, transform_indices = @transform_20, window_bounds = array<i64: 48, 48>}, {pipeline_mode = #tpu.pipeline_mode<synchronous>, transform_indices = @transform_21, window_bounds = array<i64: 48, 48>}, {pipeline_mode = #tpu.pipeline_mode<synchronous>, transform_indices = @transform_22, window_bounds = array<i64: 128, 128>}, {pipeline_mode = #tpu.pipeline_mode<synchronous>, transform_indices = @transform_23, window_bounds = array<i64: 16, 128>}, {pipeline_mode = #tpu.pipeline_mode<synchronous>, transform_indices = @transform_24, window_bounds = array<i64: 1, 128>}, {pipeline_mode = #tpu.pipeline_mode<synchronous>, transform_indices = @transform_25, window_bounds = array<i64: 48, 48>}, {pipeline_mode = #tpu.pipeline_mode<synchronous>, transform_indices = @transform_26, window_bounds = array<i64: 128, 1>}, {pipeline_mode = #tpu.pipeline_mode<synchronous>, transform_indices = @transform_27, window_bounds = array<i64: 16, 1>}, {pipeline_mode = #tpu.pipeline_mode<synchronous>, transform_indices = @transform_28, window_bounds = array<i64: 1, 1>}, {transform_indices = @transform_29, window_bounds = array<i64: 2000, 128>}, {transform_indices = @transform_30, window_bounds = array<i64: 2000, 128>}]} {
    %get3A = arith.constant 0 : index
    %get3A_0 = arith.constant 0 : index
    %get3A_1 = vector.load %arg1[%get3A, %get3A_0] : memref<2000x128xi32, #tpu.memory_space<vmem>>, vector<2000x128xi32>
    %get3A_2 = arith.constant 0 : index
    %get3A_3 = arith.constant 0 : index
    %get3A_4 = vector.load %arg2[%get3A_2, %get3A_3] : memref<2000x128xi32, #tpu.memory_space<vmem>>, vector<2000x128xi32>
    %shift_left3A = arith.constant 16 : i32
    %shift_left3A_5 = vector.broadcast %shift_left3A : i32 to vector<2000x128xi32>
    %shift_left3A_6 = arith.shli %get3A_1, %shift_left3A_5 : vector<2000x128xi32>
    %bitcast_convert_type3A = tpu.bitcast %shift_left3A_6 : vector<2000x128xi32> -> vector<2000x128xf32>
    %shift_left3A_7 = arith.constant 16 : i32
    %shift_left3A_8 = vector.broadcast %shift_left3A_7 : i32 to vector<2000x128xi32>
    %shift_left3A_9 = arith.shli %get3A_4, %shift_left3A_8 : vector<2000x128xi32>
    %bitcast_convert_type3A_10 = tpu.bitcast %shift_left3A_9 : vector<2000x128xi32> -> vector<2000x128xf32>
    %and3A = arith.constant -65536 : i32
    %and3A_11 = vector.broadcast %and3A : i32 to vector<2000x128xi32>
    %and3A_12 = arith.andi %get3A_1, %and3A_11 : vector<2000x128xi32>
    %bitcast_convert_type3A_13 = tpu.bitcast %and3A_12 : vector<2000x128xi32> -> vector<2000x128xf32>
    %slice3A = vector.extract_strided_slice %bitcast_convert_type3A_13 {offsets = [0, 0], sizes = [2000, 48], strides = [1, 1]} : vector<2000x128xf32> to vector<2000x48xf32>
    %and3A_14 = arith.constant -65536 : i32
    %and3A_15 = vector.broadcast %and3A_14 : i32 to vector<2000x128xi32>
    %and3A_16 = arith.andi %get3A_4, %and3A_15 : vector<2000x128xi32>
    %bitcast_convert_type3A_17 = tpu.bitcast %and3A_16 : vector<2000x128xi32> -> vector<2000x128xf32>
    %slice3A_18 = vector.extract_strided_slice %bitcast_convert_type3A_17 {offsets = [0, 0], sizes = [2000, 48], strides = [1, 1]} : vector<2000x128xf32> to vector<2000x48xf32>
    %get3A_19 = arith.constant 0 : index
    %get3A_20 = arith.constant 0 : index
    %get3A_21 = vector.load %arg5[%get3A_19, %get3A_20] : memref<48x99xf32, #tpu.memory_space<vmem>>, vector<48x99xf32>
    %dot_general3A = arith.constant dense<0.000000e+00> : vector<2000x99xf32>
    %dot_general3A_22 = tpu.matmul %slice3A, %get3A_21, %dot_general3A {dimension_numbers = #tpu.dot_dimension_numbers<[1], [0], [0], [1], [0, 0, 1, 1], [], []>, transpose_lhs_hint = false} : vector<2000x48xf32>, vector<48x99xf32>, vector<2000x99xf32> -> vector<2000x99xf32>
    %get3A_23 = arith.constant 0 : index
    %get3A_24 = arith.constant 0 : index
    %get3A_25 = vector.load %arg6[%get3A_23, %get3A_24] : memref<48x99xf32, #tpu.memory_space<vmem>>, vector<48x99xf32>
    %dot_general3A_26 = arith.constant dense<0.000000e+00> : vector<2000x99xf32>
    %dot_general3A_27 = tpu.matmul %slice3A_18, %get3A_25, %dot_general3A_26 {dimension_numbers = #tpu.dot_dimension_numbers<[1], [0], [0], [1], [0, 0, 1, 1], [], []>, transpose_lhs_hint = false} : vector<2000x48xf32>, vector<48x99xf32>, vector<2000x99xf32> -> vector<2000x99xf32>
    %add3A = arith.addf %dot_general3A_22, %dot_general3A_27 : vector<2000x99xf32>
    %get3A_28 = arith.constant 0 : index
    %get3A_29 = arith.constant 0 : index
    %get3A_30 = vector.load %arg4[%get3A_28, %get3A_29] : memref<2000x3xf32, #tpu.memory_space<vmem>>, vector<2000x3xf32>
    %get3A_31 = arith.constant 0 : index
    %get3A_32 = arith.constant 0 : index
    %get3A_33 = vector.load %arg7[%get3A_31, %get3A_32] : memref<3x99xf32, #tpu.memory_space<vmem>>, vector<3x99xf32>
    %dot_general3A_34 = arith.constant dense<0.000000e+00> : vector<2000x99xf32>
    %dot_general3A_35 = tpu.matmul %get3A_30, %get3A_33, %dot_general3A_34 {dimension_numbers = #tpu.dot_dimension_numbers<[1], [0], [0], [1], [0, 0, 1, 1], [], []>, transpose_lhs_hint = false} : vector<2000x3xf32>, vector<3x99xf32>, vector<2000x99xf32> -> vector<2000x99xf32>
    %add3A_36 = arith.addf %add3A, %dot_general3A_35 : vector<2000x99xf32>
    %mul3A = arith.mulf %add3A_36, %add3A_36 : vector<2000x99xf32>
    %get3A_37 = arith.constant 0 : index
    %get3A_38 = arith.constant 0 : index
    %get3A_39 = vector.load %arg9[%get3A_37, %get3A_38] : memref<99x33xf32, #tpu.memory_space<vmem>>, vector<99x33xf32>
    %dot_general3A_40 = arith.constant dense<0.000000e+00> : vector<2000x33xf32>
    %dot_general3A_41 = tpu.matmul %mul3A, %get3A_39, %dot_general3A_40 {dimension_numbers = #tpu.dot_dimension_numbers<[1], [0], [0], [1], [0, 0, 1, 1], [], []>, transpose_lhs_hint = false} : vector<2000x99xf32>, vector<99x33xf32>, vector<2000x33xf32> -> vector<2000x33xf32>
    %max3A = arith.constant 9.99999993E-9 : f32
    %max3A_42 = vector.broadcast %max3A : f32 to vector<2000x33xf32>
    %max3A_43 = arith.maximumf %dot_general3A_41, %max3A_42 : vector<2000x33xf32>
    %sqrt3A = math.sqrt %max3A_43 : vector<2000x33xf32>
    %get3A_44 = arith.constant 0 : index
    %get3A_45 = arith.constant 0 : index
    %get3A_46 = vector.load %arg11[%get3A_44, %get3A_45] : memref<128x128xf32, #tpu.memory_space<vmem>>, vector<128x128xf32>
    %dot_general3A_47 = arith.constant dense<0.000000e+00> : vector<2000x128xf32>
    %dot_general3A_48 = tpu.matmul %bitcast_convert_type3A, %get3A_46, %dot_general3A_47 {dimension_numbers = #tpu.dot_dimension_numbers<[1], [0], [0], [1], [0, 0, 1, 1], [], []>, transpose_lhs_hint = false} : vector<2000x128xf32>, vector<128x128xf32>, vector<2000x128xf32> -> vector<2000x128xf32>
    %get3A_49 = arith.constant 0 : index
    %get3A_50 = arith.constant 0 : index
    %get3A_51 = vector.load %arg12[%get3A_49, %get3A_50] : memref<128x128xf32, #tpu.memory_space<vmem>>, vector<128x128xf32>
    %dot_general3A_52 = arith.constant dense<0.000000e+00> : vector<2000x128xf32>
    %dot_general3A_53 = tpu.matmul %bitcast_convert_type3A_10, %get3A_51, %dot_general3A_52 {dimension_numbers = #tpu.dot_dimension_numbers<[1], [0], [0], [1], [0, 0, 1, 1], [], []>, transpose_lhs_hint = false} : vector<2000x128xf32>, vector<128x128xf32>, vector<2000x128xf32> -> vector<2000x128xf32>
    %add3A_54 = arith.addf %dot_general3A_48, %dot_general3A_53 : vector<2000x128xf32>
    %get3A_55 = arith.constant 0 : index
    %get3A_56 = arith.constant 0 : index
    %get3A_57 = vector.load %arg3[%get3A_55, %get3A_56] : memref<2000x16xf32, #tpu.memory_space<vmem>>, vector<2000x16xf32>
    %get3A_58 = arith.constant 0 : index
    %get3A_59 = arith.constant 0 : index
    %get3A_60 = vector.load %arg13[%get3A_58, %get3A_59] : memref<16x128xf32, #tpu.memory_space<vmem>>, vector<16x128xf32>
    %dot_general3A_61 = arith.constant dense<0.000000e+00> : vector<2000x128xf32>
    %dot_general3A_62 = tpu.matmul %get3A_57, %get3A_60, %dot_general3A_61 {dimension_numbers = #tpu.dot_dimension_numbers<[1], [0], [0], [1], [0, 0, 1, 1], [], []>, transpose_lhs_hint = false} : vector<2000x16xf32>, vector<16x128xf32>, vector<2000x128xf32> -> vector<2000x128xf32>
    %add3A_63 = arith.addf %add3A_54, %dot_general3A_62 : vector<2000x128xf32>
    %get3A_64 = arith.constant 0 : index
    %get3A_65 = arith.constant 0 : index
    %get3A_66 = vector.load %arg14[%get3A_64, %get3A_65] : memref<33x128xf32, #tpu.memory_space<vmem>>, vector<33x128xf32>
    %dot_general3A_67 = arith.constant dense<0.000000e+00> : vector<2000x128xf32>
    %dot_general3A_68 = tpu.matmul %sqrt3A, %get3A_66, %dot_general3A_67 {dimension_numbers = #tpu.dot_dimension_numbers<[1], [0], [0], [1], [0, 0, 1, 1], [], []>, transpose_lhs_hint = false} : vector<2000x33xf32>, vector<33x128xf32>, vector<2000x128xf32> -> vector<2000x128xf32>
    %add3A_69 = arith.addf %add3A_63, %dot_general3A_68 : vector<2000x128xf32>
    %get3A_70 = arith.constant 0 : index
    %get3A_71 = arith.constant 0 : index
    %get3A_72 = vector.load %arg15[%get3A_70, %get3A_71] : memref<1x128xf32, #tpu.memory_space<vmem>>, vector<1x128xf32>
    %add3A_73 = vector.broadcast %get3A_72 : vector<1x128xf32> to vector<2000x128xf32>
    %add3A_74 = arith.addf %add3A_69, %add3A_73 : vector<2000x128xf32>
    %max3A_75 = arith.constant 0.000000e+00 : f32
    %max3A_76 = vector.broadcast %max3A_75 : f32 to vector<2000x128xf32>
    %max3A_77 = arith.maximumf %add3A_74, %max3A_76 : vector<2000x128xf32>
    %get3A_78 = arith.constant 0 : index
    %get3A_79 = arith.constant 0 : index
    %get3A_80 = vector.load %arg8[%get3A_78, %get3A_79] : memref<99x48xf32, #tpu.memory_space<vmem>>, vector<99x48xf32>
    %dot_general3A_81 = arith.constant dense<0.000000e+00> : vector<2000x48xf32>
    %dot_general3A_82 = tpu.matmul %add3A_36, %get3A_80, %dot_general3A_81 {dimension_numbers = #tpu.dot_dimension_numbers<[1], [0], [0], [1], [0, 0, 1, 1], [], []>, transpose_lhs_hint = false} : vector<2000x99xf32>, vector<99x48xf32>, vector<2000x48xf32> -> vector<2000x48xf32>
    %mul3A_83 = arith.mulf %dot_general3A_82, %dot_general3A_82 : vector<2000x48xf32>
    %get3A_84 = arith.constant 0 : index
    %get3A_85 = arith.constant 0 : index
    %get3A_86 = vector.load %arg10[%get3A_84, %get3A_85] : memref<48x16xf32, #tpu.memory_space<vmem>>, vector<48x16xf32>
    %dot_general3A_87 = arith.constant dense<0.000000e+00> : vector<2000x16xf32>
    %dot_general3A_88 = tpu.matmul %mul3A_83, %get3A_86, %dot_general3A_87 {dimension_numbers = #tpu.dot_dimension_numbers<[1], [0], [0], [1], [0, 0, 1, 1], [], []>, transpose_lhs_hint = false} : vector<2000x48xf32>, vector<48x16xf32>, vector<2000x16xf32> -> vector<2000x16xf32>
    %max3A_89 = arith.constant 9.99999993E-9 : f32
    %max3A_90 = vector.broadcast %max3A_89 : f32 to vector<2000x16xf32>
    %max3A_91 = arith.maximumf %dot_general3A_88, %max3A_90 : vector<2000x16xf32>
    %sqrt3A_92 = math.sqrt %max3A_91 : vector<2000x16xf32>
    %logistic3A = arith.negf %sqrt3A_92 : vector<2000x16xf32>
    %logistic3A_93 = math.exp %logistic3A : vector<2000x16xf32>
    %logistic3A_94 = arith.constant 1.000000e+00 : f32
    %logistic3A_95 = vector.broadcast %logistic3A_94 : f32 to vector<2000x16xf32>
    %logistic3A_96 = arith.addf %logistic3A_95, %logistic3A_93 : vector<2000x16xf32>
    %logistic3A_97 = arith.divf %logistic3A_95, %logistic3A_96 : vector<2000x16xf32>
    %concatenate3A = tpu.concatenate %logistic3A_97, %logistic3A_97, %logistic3A_97 in 1 : vector<2000x16xf32>, vector<2000x16xf32>, vector<2000x16xf32> -> vector<2000x48xf32>
    %mul3A_98 = arith.mulf %concatenate3A, %dot_general3A_82 : vector<2000x48xf32>
    %get3A_99 = arith.constant 0 : index
    %get3A_100 = arith.constant 0 : index
    %get3A_101 = vector.load %arg16[%get3A_99, %get3A_100] : memref<48x48xf32, #tpu.memory_space<vmem>>, vector<48x48xf32>
    %dot_general3A_102 = arith.constant dense<0.000000e+00> : vector<2000x48xf32>
    %dot_general3A_103 = tpu.matmul %mul3A_98, %get3A_101, %dot_general3A_102 {dimension_numbers = #tpu.dot_dimension_numbers<[1], [0], [0], [1], [0, 0, 1, 1], [], []>, transpose_lhs_hint = false} : vector<2000x48xf32>, vector<48x48xf32>, vector<2000x48xf32> -> vector<2000x48xf32>
    %mul3A_104 = arith.mulf %dot_general3A_103, %dot_general3A_103 : vector<2000x48xf32>
    %get3A_105 = arith.constant 0 : index
    %get3A_106 = arith.constant 0 : index
    %get3A_107 = vector.load %arg10[%get3A_105, %get3A_106] : memref<48x16xf32, #tpu.memory_space<vmem>>, vector<48x16xf32>
    %dot_general3A_108 = arith.constant dense<0.000000e+00> : vector<2000x16xf32>
    %dot_general3A_109 = tpu.matmul %mul3A_104, %get3A_107, %dot_general3A_108 {dimension_numbers = #tpu.dot_dimension_numbers<[1], [0], [0], [1], [0, 0, 1, 1], [], []>, transpose_lhs_hint = false} : vector<2000x48xf32>, vector<48x16xf32>, vector<2000x16xf32> -> vector<2000x16xf32>
    %max3A_110 = arith.constant 9.99999993E-9 : f32
    %max3A_111 = vector.broadcast %max3A_110 : f32 to vector<2000x16xf32>
    %max3A_112 = arith.maximumf %dot_general3A_109, %max3A_111 : vector<2000x16xf32>
    %sqrt3A_113 = math.sqrt %max3A_112 : vector<2000x16xf32>
    %get3A_114 = arith.constant 0 : index
    %get3A_115 = arith.constant 0 : index
    %get3A_116 = vector.load %arg18[%get3A_114, %get3A_115] : memref<128x128xf32, #tpu.memory_space<vmem>>, vector<128x128xf32>
    %dot_general3A_117 = arith.constant dense<0.000000e+00> : vector<2000x128xf32>
    %dot_general3A_118 = tpu.matmul %max3A_77, %get3A_116, %dot_general3A_117 {dimension_numbers = #tpu.dot_dimension_numbers<[1], [0], [0], [1], [0, 0, 1, 1], [], []>, transpose_lhs_hint = false} : vector<2000x128xf32>, vector<128x128xf32>, vector<2000x128xf32> -> vector<2000x128xf32>
    %get3A_119 = arith.constant 0 : index
    %get3A_120 = arith.constant 0 : index
    %get3A_121 = vector.load %arg19[%get3A_119, %get3A_120] : memref<16x128xf32, #tpu.memory_space<vmem>>, vector<16x128xf32>
    %dot_general3A_122 = arith.constant dense<0.000000e+00> : vector<2000x128xf32>
    %dot_general3A_123 = tpu.matmul %sqrt3A_113, %get3A_121, %dot_general3A_122 {dimension_numbers = #tpu.dot_dimension_numbers<[1], [0], [0], [1], [0, 0, 1, 1], [], []>, transpose_lhs_hint = false} : vector<2000x16xf32>, vector<16x128xf32>, vector<2000x128xf32> -> vector<2000x128xf32>
    %add3A_124 = arith.addf %dot_general3A_118, %dot_general3A_123 : vector<2000x128xf32>
    %get3A_125 = arith.constant 0 : index
    %get3A_126 = arith.constant 0 : index
    %get3A_127 = vector.load %arg20[%get3A_125, %get3A_126] : memref<1x128xf32, #tpu.memory_space<vmem>>, vector<1x128xf32>
    %add3A_128 = vector.broadcast %get3A_127 : vector<1x128xf32> to vector<2000x128xf32>
    %add3A_129 = arith.addf %add3A_124, %add3A_128 : vector<2000x128xf32>
    %max3A_130 = arith.constant 0.000000e+00 : f32
    %max3A_131 = vector.broadcast %max3A_130 : f32 to vector<2000x128xf32>
    %max3A_132 = arith.maximumf %add3A_129, %max3A_131 : vector<2000x128xf32>
    %get3A_133 = arith.constant 0 : index
    %get3A_134 = arith.constant 0 : index
    %get3A_135 = vector.load %arg17[%get3A_133, %get3A_134] : memref<48x48xf32, #tpu.memory_space<vmem>>, vector<48x48xf32>
    %dot_general3A_136 = arith.constant dense<0.000000e+00> : vector<2000x48xf32>
    %dot_general3A_137 = tpu.matmul %dot_general3A_103, %get3A_135, %dot_general3A_136 {dimension_numbers = #tpu.dot_dimension_numbers<[1], [0], [0], [1], [0, 0, 1, 1], [], []>, transpose_lhs_hint = false} : vector<2000x48xf32>, vector<48x48xf32>, vector<2000x48xf32> -> vector<2000x48xf32>
    %mul3A_138 = arith.mulf %dot_general3A_137, %dot_general3A_137 : vector<2000x48xf32>
    %get3A_139 = arith.constant 0 : index
    %get3A_140 = arith.constant 0 : index
    %get3A_141 = vector.load %arg10[%get3A_139, %get3A_140] : memref<48x16xf32, #tpu.memory_space<vmem>>, vector<48x16xf32>
    %dot_general3A_142 = arith.constant dense<0.000000e+00> : vector<2000x16xf32>
    %dot_general3A_143 = tpu.matmul %mul3A_138, %get3A_141, %dot_general3A_142 {dimension_numbers = #tpu.dot_dimension_numbers<[1], [0], [0], [1], [0, 0, 1, 1], [], []>, transpose_lhs_hint = false} : vector<2000x48xf32>, vector<48x16xf32>, vector<2000x16xf32> -> vector<2000x16xf32>
    %max3A_144 = arith.constant 9.99999993E-9 : f32
    %max3A_145 = vector.broadcast %max3A_144 : f32 to vector<2000x16xf32>
    %max3A_146 = arith.maximumf %dot_general3A_143, %max3A_145 : vector<2000x16xf32>
    %sqrt3A_147 = math.sqrt %max3A_146 : vector<2000x16xf32>
    %logistic3A_148 = arith.negf %sqrt3A_147 : vector<2000x16xf32>
    %logistic3A_149 = math.exp %logistic3A_148 : vector<2000x16xf32>
    %logistic3A_150 = arith.constant 1.000000e+00 : f32
    %logistic3A_151 = vector.broadcast %logistic3A_150 : f32 to vector<2000x16xf32>
    %logistic3A_152 = arith.addf %logistic3A_151, %logistic3A_149 : vector<2000x16xf32>
    %logistic3A_153 = arith.divf %logistic3A_151, %logistic3A_152 : vector<2000x16xf32>
    %concatenate3A_154 = tpu.concatenate %logistic3A_153, %logistic3A_153, %logistic3A_153 in 1 : vector<2000x16xf32>, vector<2000x16xf32>, vector<2000x16xf32> -> vector<2000x48xf32>
    %mul3A_155 = arith.mulf %concatenate3A_154, %dot_general3A_137 : vector<2000x48xf32>
    %get3A_156 = arith.constant 0 : index
    %get3A_157 = arith.constant 0 : index
    %get3A_158 = vector.load %arg21[%get3A_156, %get3A_157] : memref<48x48xf32, #tpu.memory_space<vmem>>, vector<48x48xf32>
    %dot_general3A_159 = arith.constant dense<0.000000e+00> : vector<2000x48xf32>
    %dot_general3A_160 = tpu.matmul %mul3A_155, %get3A_158, %dot_general3A_159 {dimension_numbers = #tpu.dot_dimension_numbers<[1], [0], [0], [1], [0, 0, 1, 1], [], []>, transpose_lhs_hint = false} : vector<2000x48xf32>, vector<48x48xf32>, vector<2000x48xf32> -> vector<2000x48xf32>
    %mul3A_161 = arith.mulf %dot_general3A_160, %dot_general3A_160 : vector<2000x48xf32>
    %get3A_162 = arith.constant 0 : index
    %get3A_163 = arith.constant 0 : index
    %get3A_164 = vector.load %arg10[%get3A_162, %get3A_163] : memref<48x16xf32, #tpu.memory_space<vmem>>, vector<48x16xf32>
    %dot_general3A_165 = arith.constant dense<0.000000e+00> : vector<2000x16xf32>
    %dot_general3A_166 = tpu.matmul %mul3A_161, %get3A_164, %dot_general3A_165 {dimension_numbers = #tpu.dot_dimension_numbers<[1], [0], [0], [1], [0, 0, 1, 1], [], []>, transpose_lhs_hint = false} : vector<2000x48xf32>, vector<48x16xf32>, vector<2000x16xf32> -> vector<2000x16xf32>
    %max3A_167 = arith.constant 9.99999993E-9 : f32
    %max3A_168 = vector.broadcast %max3A_167 : f32 to vector<2000x16xf32>
    %max3A_169 = arith.maximumf %dot_general3A_166, %max3A_168 : vector<2000x16xf32>
    %sqrt3A_170 = math.sqrt %max3A_169 : vector<2000x16xf32>
    %get3A_171 = arith.constant 0 : index
    %get3A_172 = arith.constant 0 : index
    %get3A_173 = vector.load %arg23[%get3A_171, %get3A_172] : memref<128x128xf32, #tpu.memory_space<vmem>>, vector<128x128xf32>
    %dot_general3A_174 = arith.constant dense<0.000000e+00> : vector<2000x128xf32>
    %dot_general3A_175 = tpu.matmul %max3A_132, %get3A_173, %dot_general3A_174 {dimension_numbers = #tpu.dot_dimension_numbers<[1], [0], [0], [1], [0, 0, 1, 1], [], []>, transpose_lhs_hint = false} : vector<2000x128xf32>, vector<128x128xf32>, vector<2000x128xf32> -> vector<2000x128xf32>
    %get3A_176 = arith.constant 0 : index
    %get3A_177 = arith.constant 0 : index
    %get3A_178 = vector.load %arg24[%get3A_176, %get3A_177] : memref<16x128xf32, #tpu.memory_space<vmem>>, vector<16x128xf32>
    %dot_general3A_179 = arith.constant dense<0.000000e+00> : vector<2000x128xf32>
    %dot_general3A_180 = tpu.matmul %sqrt3A_170, %get3A_178, %dot_general3A_179 {dimension_numbers = #tpu.dot_dimension_numbers<[1], [0], [0], [1], [0, 0, 1, 1], [], []>, transpose_lhs_hint = false} : vector<2000x16xf32>, vector<16x128xf32>, vector<2000x128xf32> -> vector<2000x128xf32>
    %add3A_181 = arith.addf %dot_general3A_175, %dot_general3A_180 : vector<2000x128xf32>
    %get3A_182 = arith.constant 0 : index
    %get3A_183 = arith.constant 0 : index
    %get3A_184 = vector.load %arg25[%get3A_182, %get3A_183] : memref<1x128xf32, #tpu.memory_space<vmem>>, vector<1x128xf32>
    %add3A_185 = vector.broadcast %get3A_184 : vector<1x128xf32> to vector<2000x128xf32>
    %add3A_186 = arith.addf %add3A_181, %add3A_185 : vector<2000x128xf32>
    %get3A_187 = arith.constant 0 : index
    %get3A_188 = arith.constant 0 : index
    %get3A_189 = vector.load %arg22[%get3A_187, %get3A_188] : memref<48x48xf32, #tpu.memory_space<vmem>>, vector<48x48xf32>
    %dot_general3A_190 = arith.constant dense<0.000000e+00> : vector<2000x48xf32>
    %dot_general3A_191 = tpu.matmul %dot_general3A_160, %get3A_189, %dot_general3A_190 {dimension_numbers = #tpu.dot_dimension_numbers<[1], [0], [0], [1], [0, 0, 1, 1], [], []>, transpose_lhs_hint = false} : vector<2000x48xf32>, vector<48x48xf32>, vector<2000x48xf32> -> vector<2000x48xf32>
    %mul3A_192 = arith.mulf %dot_general3A_191, %dot_general3A_191 : vector<2000x48xf32>
    %get3A_193 = arith.constant 0 : index
    %get3A_194 = arith.constant 0 : index
    %get3A_195 = vector.load %arg10[%get3A_193, %get3A_194] : memref<48x16xf32, #tpu.memory_space<vmem>>, vector<48x16xf32>
    %dot_general3A_196 = arith.constant dense<0.000000e+00> : vector<2000x16xf32>
    %dot_general3A_197 = tpu.matmul %mul3A_192, %get3A_195, %dot_general3A_196 {dimension_numbers = #tpu.dot_dimension_numbers<[1], [0], [0], [1], [0, 0, 1, 1], [], []>, transpose_lhs_hint = false} : vector<2000x48xf32>, vector<48x16xf32>, vector<2000x16xf32> -> vector<2000x16xf32>
    %max3A_198 = arith.constant 9.99999993E-9 : f32
    %max3A_199 = vector.broadcast %max3A_198 : f32 to vector<2000x16xf32>
    %max3A_200 = arith.maximumf %dot_general3A_197, %max3A_199 : vector<2000x16xf32>
    %sqrt3A_201 = math.sqrt %max3A_200 : vector<2000x16xf32>
    %concatenate3A_202 = tpu.concatenate %sqrt3A_201, %sqrt3A_201, %sqrt3A_201 in 1 : vector<2000x16xf32>, vector<2000x16xf32>, vector<2000x16xf32> -> vector<2000x48xf32>
    %mul3A_203 = arith.mulf %concatenate3A_202, %dot_general3A_191 : vector<2000x48xf32>
    %get3A_204 = arith.constant 0 : index
    %get3A_205 = arith.constant 0 : index
    %get3A_206 = vector.load %arg26[%get3A_204, %get3A_205] : memref<48x48xf32, #tpu.memory_space<vmem>>, vector<48x48xf32>
    %dot_general3A_207 = arith.constant dense<0.000000e+00> : vector<2000x48xf32>
    %dot_general3A_208 = tpu.matmul %mul3A_203, %get3A_206, %dot_general3A_207 {dimension_numbers = #tpu.dot_dimension_numbers<[1], [0], [0], [1], [0, 0, 1, 1], [], []>, transpose_lhs_hint = false} : vector<2000x48xf32>, vector<48x48xf32>, vector<2000x48xf32> -> vector<2000x48xf32>
    %mul3A_209 = arith.mulf %dot_general3A_208, %dot_general3A_208 : vector<2000x48xf32>
    %get3A_210 = arith.constant 0 : index
    %get3A_211 = arith.constant 0 : index
    %get3A_212 = vector.load %arg10[%get3A_210, %get3A_211] : memref<48x16xf32, #tpu.memory_space<vmem>>, vector<48x16xf32>
    %dot_general3A_213 = arith.constant dense<0.000000e+00> : vector<2000x16xf32>
    %dot_general3A_214 = tpu.matmul %mul3A_209, %get3A_212, %dot_general3A_213 {dimension_numbers = #tpu.dot_dimension_numbers<[1], [0], [0], [1], [0, 0, 1, 1], [], []>, transpose_lhs_hint = false} : vector<2000x48xf32>, vector<48x16xf32>, vector<2000x16xf32> -> vector<2000x16xf32>
    %max3A_215 = arith.constant 9.99999993E-9 : f32
    %max3A_216 = vector.broadcast %max3A_215 : f32 to vector<2000x16xf32>
    %max3A_217 = arith.maximumf %dot_general3A_214, %max3A_216 : vector<2000x16xf32>
    %sqrt3A_218 = math.sqrt %max3A_217 : vector<2000x16xf32>
    %get3A_219 = arith.constant 0 : index
    %get3A_220 = arith.constant 0 : index
    %get3A_221 = vector.load %arg27[%get3A_219, %get3A_220] : memref<128x1xf32, #tpu.memory_space<vmem>>, vector<128x1xf32>
    %dot_general3A_222 = arith.constant dense<0.000000e+00> : vector<2000x1xf32>
    %dot_general3A_223 = tpu.matmul %add3A_186, %get3A_221, %dot_general3A_222 {dimension_numbers = #tpu.dot_dimension_numbers<[1], [0], [0], [1], [0, 0, 1, 1], [], []>, transpose_lhs_hint = false} : vector<2000x128xf32>, vector<128x1xf32>, vector<2000x1xf32> -> vector<2000x1xf32>
    %get3A_224 = arith.constant 0 : index
    %get3A_225 = arith.constant 0 : index
    %get3A_226 = vector.load %arg28[%get3A_224, %get3A_225] : memref<16x1xf32, #tpu.memory_space<vmem>>, vector<16x1xf32>
    %dot_general3A_227 = arith.constant dense<0.000000e+00> : vector<2000x1xf32>
    %dot_general3A_228 = tpu.matmul %sqrt3A_218, %get3A_226, %dot_general3A_227 {dimension_numbers = #tpu.dot_dimension_numbers<[1], [0], [0], [1], [0, 0, 1, 1], [], []>, transpose_lhs_hint = false} : vector<2000x16xf32>, vector<16x1xf32>, vector<2000x1xf32> -> vector<2000x1xf32>
    %add3A_229 = arith.addf %dot_general3A_223, %dot_general3A_228 : vector<2000x1xf32>
    %get3A_230 = arith.constant 0 : index
    %get3A_231 = arith.constant 0 : index
    %get3A_232 = vector.load %arg29[%get3A_230, %get3A_231] : memref<1x1xf32, #tpu.memory_space<vmem>>, vector<1x1xf32>
    %add3A_233 = vector.broadcast %get3A_232 : vector<1x1xf32> to vector<2000x1xf32>
    %add3A_234 = arith.addf %add3A_229, %add3A_233 : vector<2000x1xf32>
    %logistic3A_235 = arith.negf %add3A_234 : vector<2000x1xf32>
    %logistic3A_236 = math.exp %logistic3A_235 : vector<2000x1xf32>
    %logistic3A_237 = arith.constant 1.000000e+00 : f32
    %logistic3A_238 = vector.broadcast %logistic3A_237 : f32 to vector<2000x1xf32>
    %logistic3A_239 = arith.addf %logistic3A_238, %logistic3A_236 : vector<2000x1xf32>
    %logistic3A_240 = arith.divf %logistic3A_238, %logistic3A_239 : vector<2000x1xf32>
    %mul3A_241 = vector.broadcast %logistic3A_240 : vector<2000x1xf32> to vector<2000x128xf32>
    %mul3A_242 = arith.mulf %mul3A_241, %add3A_186 : vector<2000x128xf32>
    %swap3A = arith.constant 0 : index
    %swap3A_243 = arith.constant 0 : index
    %swap3A_244 = vector.load %arg30[%swap3A, %swap3A_243] : memref<2000x128xf32, #tpu.memory_space<vmem>>, vector<2000x128xf32>
    tpu.vector_store %arg30[%swap3A, %swap3A_243], %mul3A_242 {strides = array<i32>} : memref<2000x128xf32, #tpu.memory_space<vmem>>, vector<2000x128xf32>,
    %mul3A_245 = vector.broadcast %logistic3A_240 : vector<2000x1xf32> to vector<2000x48xf32>
    %mul3A_246 = arith.mulf %mul3A_245, %mul3A_203 : vector<2000x48xf32>
    %swap3A_247 = arith.constant 0 : index
    %swap3A_248 = arith.constant 0 : index
    %swap3A_249 = vector.load %arg31[%swap3A_247, %swap3A_248] : memref<2000x128xf32, #tpu.memory_space<vmem>>, vector<2000x48xf32>
    tpu.vector_store %arg31[%swap3A_247, %swap3A_248], %mul3A_246 {strides = array<i32>} : memref<2000x128xf32, #tpu.memory_space<vmem>>, vector<2000x48xf32>,
    %broadcast_in_dim3A = arith.constant 0.000000e+00 : f32
    %broadcast_in_dim3A_250 = vector.broadcast %broadcast_in_dim3A : f32 to vector<2000x80xf32>
    %swap3A_251 = arith.constant 0 : index
    %swap3A_252 = arith.constant 48 : index
    %swap3A_253 = vector.load %arg31[%swap3A_251, %swap3A_252] : memref<2000x128xf32, #tpu.memory_space<vmem>>, vector<2000x80xf32>
    tpu.vector_store %arg31[%swap3A_251, %swap3A_252], %broadcast_in_dim3A_250 {strides = array<i32>} : memref<2000x128xf32, #tpu.memory_space<vmem>>, vector<2000x80xf32>,
    return
  }
  func.func @transform_0(%arg0: i32) -> (i32, i32) {
    %c0_i32 = arith.constant 0 : i32
    %c0_i32_0 = arith.constant 0 : i32
    return %arg0, %c0_i32 : i32, i32
  }
  func.func @transform_1(%arg0: i32) -> (i32, i32) {
    %c0_i32 = arith.constant 0 : i32
    %c0_i32_0 = arith.constant 0 : i32
    return %arg0, %c0_i32 : i32, i32
  }
  func.func @transform_2(%arg0: i32) -> (i32, i32) {
    %c0_i32 = arith.constant 0 : i32
    %c0_i32_0 = arith.constant 0 : i32
    return %arg0, %c0_i32 : i32, i32
  }
  func.func @transform_3(%arg0: i32) -> (i32, i32) {
    %c0_i32 = arith.constant 0 : i32
    %c0_i32_0 = arith.constant 0 : i32
    return %arg0, %c0_i32 : i32, i32
  }
  func.func @transform_4(%arg0: i32) -> (i32, i32) {
    %c0_i32 = arith.constant 0 : i32
    %c0_i32_0 = arith.constant 0 : i32
    %c0_i32_1 = arith.constant 0 : i32
    return %c0_i32, %c0_i32_0 : i32, i32
  }
  func.func @transform_5(%arg0: i32) -> (i32, i32) {
    %c0_i32 = arith.constant 0 : i32
    %c0_i32_0 = arith.constant 0 : i32
    %c0_i32_1 = arith.constant 0 : i32
    return %c0_i32, %c0_i32_0 : i32, i32
  }
  func.func @transform_6(%arg0: i32) -> (i32, i32) {
    %c0_i32 = arith.constant 0 : i32
    %c0_i32_0 = arith.constant 0 : i32
    %c0_i32_1 = arith.constant 0 : i32
    return %c0_i32, %c0_i32_0 : i32, i32
  }
  func.func @transform_7(%arg0: i32) -> (i32, i32) {
    %c0_i32 = arith.constant 0 : i32
    %c0_i32_0 = arith.constant 0 : i32
    %c0_i32_1 = arith.constant 0 : i32
    return %c0_i32, %c0_i32_0 : i32, i32
  }
  func.func @transform_8(%arg0: i32) -> (i32, i32) {
    %c0_i32 = arith.constant 0 : i32
    %c0_i32_0 = arith.constant 0 : i32
    %c0_i32_1 = arith.constant 0 : i32
    return %c0_i32, %c0_i32_0 : i32, i32
  }
  func.func @transform_9(%arg0: i32) -> (i32, i32) {
    %c0_i32 = arith.constant 0 : i32
    %c0_i32_0 = arith.constant 0 : i32
    %c0_i32_1 = arith.constant 0 : i32
    return %c0_i32, %c0_i32_0 : i32, i32
  }
  func.func @transform_10(%arg0: i32) -> (i32, i32) {
    %c0_i32 = arith.constant 0 : i32
    %c0_i32_0 = arith.constant 0 : i32
    %c0_i32_1 = arith.constant 0 : i32
    return %c0_i32, %c0_i32_0 : i32, i32
  }
  func.func @transform_11(%arg0: i32) -> (i32, i32) {
    %c0_i32 = arith.constant 0 : i32
    %c0_i32_0 = arith.constant 0 : i32
    %c0_i32_1 = arith.constant 0 : i32
    return %c0_i32, %c0_i32_0 : i32, i32
  }
  func.func @transform_12(%arg0: i32) -> (i32, i32) {
    %c0_i32 = arith.constant 0 : i32
    %c0_i32_0 = arith.constant 0 : i32
    %c0_i32_1 = arith.constant 0 : i32
    return %c0_i32, %c0_i32_0 : i32, i32
  }
  func.func @transform_13(%arg0: i32) -> (i32, i32) {
    %c0_i32 = arith.constant 0 : i32
    %c0_i32_0 = arith.constant 0 : i32
    %c0_i32_1 = arith.constant 0 : i32
    return %c0_i32, %c0_i32_0 : i32, i32
  }
  func.func @transform_14(%arg0: i32) -> (i32, i32) {
    %c0_i32 = arith.constant 0 : i32
    %c0_i32_0 = arith.constant 0 : i32
    %c0_i32_1 = arith.constant 0 : i32
    return %c0_i32, %c0_i32_0 : i32, i32
  }
  func.func @transform_15(%arg0: i32) -> (i32, i32) {
    %c0_i32 = arith.constant 0 : i32
    %c0_i32_0 = arith.constant 0 : i32
    %c0_i32_1 = arith.constant 0 : i32
    return %c0_i32, %c0_i32_0 : i32, i32
  }
  func.func @transform_16(%arg0: i32) -> (i32, i32) {
    %c0_i32 = arith.constant 0 : i32
    %c0_i32_0 = arith.constant 0 : i32
    %c0_i32_1 = arith.constant 0 : i32
    return %c0_i32, %c0_i32_0 : i32, i32
  }
  func.func @transform_17(%arg0: i32) -> (i32, i32) {
    %c0_i32 = arith.constant 0 : i32
    %c0_i32_0 = arith.constant 0 : i32
    %c0_i32_1 = arith.constant 0 : i32
    return %c0_i32, %c0_i32_0 : i32, i32
  }
  func.func @transform_18(%arg0: i32) -> (i32, i32) {
    %c0_i32 = arith.constant 0 : i32
    %c0_i32_0 = arith.constant 0 : i32
    %c0_i32_1 = arith.constant 0 : i32
    return %c0_i32, %c0_i32_0 : i32, i32
  }
  func.func @transform_19(%arg0: i32) -> (i32, i32) {
    %c0_i32 = arith.constant 0 : i32
    %c0_i32_0 = arith.constant 0 : i32
    %c0_i32_1 = arith.constant 0 : i32
    return %c0_i32, %c0_i32_0 : i32, i32
  }
  func.func @transform_20(%arg0: i32) -> (i32, i32) {
    %c0_i32 = arith.constant 0 : i32
    %c0_i32_0 = arith.constant 0 : i32
    %c0_i32_1 = arith.constant 0 : i32
    return %c0_i32, %c0_i32_0 : i32, i32
  }
  func.func @transform_21(%arg0: i32) -> (i32, i32) {
    %c0_i32 = arith.constant 0 : i32
    %c0_i32_0 = arith.constant 0 : i32
    %c0_i32_1 = arith.constant 0 : i32
    return %c0_i32, %c0_i32_0 : i32, i32
  }
  func.func @transform_22(%arg0: i32) -> (i32, i32) {
    %c0_i32 = arith.constant 0 : i32
    %c0_i32_0 = arith.constant 0 : i32
    %c0_i32_1 = arith.constant 0 : i32
    return %c0_i32, %c0_i32_0 : i32, i32
  }
  func.func @transform_23(%arg0: i32) -> (i32, i32) {
    %c0_i32 = arith.constant 0 : i32
    %c0_i32_0 = arith.constant 0 : i32
    %c0_i32_1 = arith.constant 0 : i32
    return %c0_i32, %c0_i32_0 : i32, i32
  }
  func.func @transform_24(%arg0: i32) -> (i32, i32) {
    %c0_i32 = arith.constant 0 : i32
    %c0_i32_0 = arith.constant 0 : i32
    %c0_i32_1 = arith.constant 0 : i32
    return %c0_i32, %c0_i32_0 : i32, i32
  }
  func.func @transform_25(%arg0: i32) -> (i32, i32) {
    %c0_i32 = arith.constant 0 : i32
    %c0_i32_0 = arith.constant 0 : i32
    %c0_i32_1 = arith.constant 0 : i32
    return %c0_i32, %c0_i32_0 : i32, i32
  }
  func.func @transform_26(%arg0: i32) -> (i32, i32) {
    %c0_i32 = arith.constant 0 : i32
    %c0_i32_0 = arith.constant 0 : i32
    %c0_i32_1 = arith.constant 0 : i32
    return %c0_i32, %c0_i32_0 : i32, i32
  }
  func.func @transform_27(%arg0: i32) -> (i32, i32) {
    %c0_i32 = arith.constant 0 : i32
    %c0_i32_0 = arith.constant 0 : i32
    %c0_i32_1 = arith.constant 0 : i32
    return %c0_i32, %c0_i32_0 : i32, i32
  }
  func.func @transform_28(%arg0: i32) -> (i32, i32) {
    %c0_i32 = arith.constant 0 : i32
    %c0_i32_0 = arith.constant 0 : i32
    %c0_i32_1 = arith.constant 0 : i32
    return %c0_i32, %c0_i32_0 : i32, i32
  }
  func.func @transform_29(%arg0: i32) -> (i32, i32) {
    %c0_i32 = arith.constant 0 : i32
    %c0_i32_0 = arith.constant 0 : i32
    return %arg0, %c0_i32 : i32, i32
  }
  func.func @transform_30(%arg0: i32) -> (i32, i32) {
    %c0_i32 = arith.constant 0 : i32
    %c0_i32_0 = arith.constant 0 : i32
    return %arg0, %c0_i32 : i32, i32
  }
}

module attributes {stable_mosaic.version = 14 : i64} {
  func.func @_node_kernel(%arg0: i32, %arg1: memref<1000x128xf32, #tpu.memory_space<vmem>>, %arg2: memref<1000x48xf32, #tpu.memory_space<vmem>>, %arg3: memref<1000x128xf32, #tpu.memory_space<vmem>>, %arg4: memref<1000x128xf32, #tpu.memory_space<vmem>>, %arg5: memref<1000x128xf32, #tpu.memory_space<vmem>>, %arg6: memref<1000x128xf32, #tpu.memory_space<vmem>>, %arg7: memref<1x128xf32, #tpu.memory_space<vmem>>, %arg8: memref<1x128xf32, #tpu.memory_space<vmem>>, %arg9: memref<1x128xf32, #tpu.memory_space<vmem>>, %arg10: memref<1x128xf32, #tpu.memory_space<vmem>>, %arg11: memref<16x16xf32, #tpu.memory_space<vmem>>, %arg12: memref<16x16xf32, #tpu.memory_space<vmem>>, %arg13: memref<128x128xf32, #tpu.memory_space<vmem>>, %arg14: memref<16x128xf32, #tpu.memory_space<vmem>>, %arg15: memref<1x128xf32, #tpu.memory_space<vmem>>, %arg16: memref<16x16xf32, #tpu.memory_space<vmem>>, %arg17: memref<16x16xf32, #tpu.memory_space<vmem>>, %arg18: memref<128x128xf32, #tpu.memory_space<vmem>>, %arg19: memref<16x128xf32, #tpu.memory_space<vmem>>, %arg20: memref<1x128xf32, #tpu.memory_space<vmem>>, %arg21: memref<1000x128xf32, #tpu.memory_space<vmem>>, %arg22: memref<1000x48xf32, #tpu.memory_space<vmem>>) attributes {dimension_semantics = [#tpu.dimension_semantics<arbitrary>], iteration_bounds = array<i64: 10>, scalar_prefetch = 0 : i64, scratch_operands = 0 : i64, tpu.core_type = #tpu.core_type<tc>, window_params = [{transform_indices = @transform_0, window_bounds = array<i64: 1000, 128>}, {transform_indices = @transform_1, window_bounds = array<i64: 1000, 48>}, {transform_indices = @transform_2, window_bounds = array<i64: 1000, 128>}, {transform_indices = @transform_3, window_bounds = array<i64: 1000, 128>}, {transform_indices = @transform_4, window_bounds = array<i64: 1000, 128>}, {transform_indices = @transform_5, window_bounds = array<i64: 1000, 128>}, {pipeline_mode = #tpu.pipeline_mode<synchronous>, transform_indices = @transform_6, window_bounds = array<i64: 1, 128>}, {pipeline_mode = #tpu.pipeline_mode<synchronous>, transform_indices = @transform_7, window_bounds = array<i64: 1, 128>}, {pipeline_mode = #tpu.pipeline_mode<synchronous>, transform_indices = @transform_8, window_bounds = array<i64: 1, 128>}, {pipeline_mode = #tpu.pipeline_mode<synchronous>, transform_indices = @transform_9, window_bounds = array<i64: 1, 128>}, {pipeline_mode = #tpu.pipeline_mode<synchronous>, transform_indices = @transform_10, window_bounds = array<i64: 16, 16>}, {pipeline_mode = #tpu.pipeline_mode<synchronous>, transform_indices = @transform_11, window_bounds = array<i64: 16, 16>}, {pipeline_mode = #tpu.pipeline_mode<synchronous>, transform_indices = @transform_12, window_bounds = array<i64: 128, 128>}, {pipeline_mode = #tpu.pipeline_mode<synchronous>, transform_indices = @transform_13, window_bounds = array<i64: 16, 128>}, {pipeline_mode = #tpu.pipeline_mode<synchronous>, transform_indices = @transform_14, window_bounds = array<i64: 1, 128>}, {pipeline_mode = #tpu.pipeline_mode<synchronous>, transform_indices = @transform_15, window_bounds = array<i64: 16, 16>}, {pipeline_mode = #tpu.pipeline_mode<synchronous>, transform_indices = @transform_16, window_bounds = array<i64: 16, 16>}, {pipeline_mode = #tpu.pipeline_mode<synchronous>, transform_indices = @transform_17, window_bounds = array<i64: 128, 128>}, {pipeline_mode = #tpu.pipeline_mode<synchronous>, transform_indices = @transform_18, window_bounds = array<i64: 16, 128>}, {pipeline_mode = #tpu.pipeline_mode<synchronous>, transform_indices = @transform_19, window_bounds = array<i64: 1, 128>}, {transform_indices = @transform_20, window_bounds = array<i64: 1000, 128>}, {transform_indices = @transform_21, window_bounds = array<i64: 1000, 48>}]} {
    %get3A = arith.constant 0 : index
    %get3A_0 = arith.constant 0 : index
    %get3A_1 = vector.load %arg1[%get3A, %get3A_0] : memref<1000x128xf32, #tpu.memory_space<vmem>>, vector<1000x128xf32>
    %get3A_2 = arith.constant 0 : index
    %get3A_3 = arith.constant 0 : index
    %get3A_4 = vector.load %arg3[%get3A_2, %get3A_3] : memref<1000x128xf32, #tpu.memory_space<vmem>>, vector<1000x128xf32>
    %add3A = arith.addf %get3A_1, %get3A_4 : vector<1000x128xf32>
    %get3A_5 = arith.constant 0 : index
    %get3A_6 = arith.constant 0 : index
    %get3A_7 = vector.load %arg4[%get3A_5, %get3A_6] : memref<1000x128xf32, #tpu.memory_space<vmem>>, vector<1000x128xf32>
    %add3A_8 = arith.addf %add3A, %get3A_7 : vector<1000x128xf32>
    %get3A_9 = arith.constant 0 : index
    %get3A_10 = arith.constant 0 : index
    %get3A_11 = vector.load %arg5[%get3A_9, %get3A_10] : memref<1000x128xf32, #tpu.memory_space<vmem>>, vector<1000x128xf32>
    %get3A_12 = arith.constant 0 : index
    %get3A_13 = arith.constant 0 : index
    %get3A_14 = vector.load %arg6[%get3A_12, %get3A_13] : memref<1000x128xf32, #tpu.memory_space<vmem>>, vector<1000x128xf32>
    %add3A_15 = arith.addf %get3A_11, %get3A_14 : vector<1000x128xf32>
    %get3A_16 = arith.constant 0 : index
    %get3A_17 = arith.constant 0 : index
    %get3A_18 = vector.load %arg2[%get3A_16, %get3A_17] : memref<1000x48xf32, #tpu.memory_space<vmem>>, vector<1000x16xf32>
    %slice3A = vector.extract_strided_slice %add3A_15 {offsets = [0, 0], sizes = [1000, 16], strides = [1, 1]} : vector<1000x128xf32> to vector<1000x16xf32>
    %add3A_19 = arith.addf %get3A_18, %slice3A : vector<1000x16xf32>
    %get3A_20 = arith.constant 0 : index
    %get3A_21 = arith.constant 16 : index
    %get3A_22 = vector.load %arg2[%get3A_20, %get3A_21] : memref<1000x48xf32, #tpu.memory_space<vmem>>, vector<1000x16xf32>
    %slice3A_23 = vector.extract_strided_slice %add3A_15 {offsets = [0, 16], sizes = [1000, 16], strides = [1, 1]} : vector<1000x128xf32> to vector<1000x16xf32>
    %add3A_24 = arith.addf %get3A_22, %slice3A_23 : vector<1000x16xf32>
    %get3A_25 = arith.constant 0 : index
    %get3A_26 = arith.constant 32 : index
    %get3A_27 = vector.load %arg2[%get3A_25, %get3A_26] : memref<1000x48xf32, #tpu.memory_space<vmem>>, vector<1000x16xf32>
    %slice3A_28 = vector.extract_strided_slice %add3A_15 {offsets = [0, 32], sizes = [1000, 16], strides = [1, 1]} : vector<1000x128xf32> to vector<1000x16xf32>
    %add3A_29 = arith.addf %get3A_27, %slice3A_28 : vector<1000x16xf32>
    %reduce_sum3A = arith.constant dense<0.000000e+00> : vector<1000xf32>
    %reduce_sum3A_30 = vector.multi_reduction <add>, %add3A_8, %reduce_sum3A [1] : vector<1000x128xf32> to vector<1000xf32>
    %broadcast_in_dim3A = vector.shape_cast %reduce_sum3A_30 : vector<1000xf32> to vector<1000x1xf32>
    %div3A = arith.constant 1.280000e+02 : f32
    %div3A_31 = vector.broadcast %div3A : f32 to vector<1000x1xf32>
    %div3A_32 = arith.divf %broadcast_in_dim3A, %div3A_31 : vector<1000x1xf32>
    %sub3A = vector.broadcast %div3A_32 : vector<1000x1xf32> to vector<1000x128xf32>
    %sub3A_33 = arith.subf %add3A_8, %sub3A : vector<1000x128xf32>
    %integer_pow3A = arith.mulf %sub3A_33, %sub3A_33 : vector<1000x128xf32>
    %reduce_sum3A_34 = arith.constant dense<0.000000e+00> : vector<1000xf32>
    %reduce_sum3A_35 = vector.multi_reduction <add>, %integer_pow3A, %reduce_sum3A_34 [1] : vector<1000x128xf32> to vector<1000xf32>
    %broadcast_in_dim3A_36 = vector.shape_cast %reduce_sum3A_35 : vector<1000xf32> to vector<1000x1xf32>
    %div3A_37 = arith.constant 1.280000e+02 : f32
    %div3A_38 = vector.broadcast %div3A_37 : f32 to vector<1000x1xf32>
    %div3A_39 = arith.divf %broadcast_in_dim3A_36, %div3A_38 : vector<1000x1xf32>
    %sub3A_40 = vector.broadcast %div3A_32 : vector<1000x1xf32> to vector<1000x128xf32>
    %sub3A_41 = arith.subf %add3A_8, %sub3A_40 : vector<1000x128xf32>
    %add3A_42 = arith.constant 9.99999974E-6 : f32
    %add3A_43 = vector.broadcast %add3A_42 : f32 to vector<1000x1xf32>
    %add3A_44 = arith.addf %div3A_39, %add3A_43 : vector<1000x1xf32>
    %rsqrt3A = math.rsqrt %add3A_44 : vector<1000x1xf32>
    %mul3A = vector.broadcast %rsqrt3A : vector<1000x1xf32> to vector<1000x128xf32>
    %mul3A_45 = arith.mulf %sub3A_41, %mul3A : vector<1000x128xf32>
    %get3A_46 = arith.constant 0 : index
    %get3A_47 = arith.constant 0 : index
    %get3A_48 = vector.load %arg7[%get3A_46, %get3A_47] : memref<1x128xf32, #tpu.memory_space<vmem>>, vector<1x128xf32>
    %mul3A_49 = vector.broadcast %get3A_48 : vector<1x128xf32> to vector<1000x128xf32>
    %mul3A_50 = arith.mulf %mul3A_45, %mul3A_49 : vector<1000x128xf32>
    %get3A_51 = arith.constant 0 : index
    %get3A_52 = arith.constant 0 : index
    %get3A_53 = vector.load %arg8[%get3A_51, %get3A_52] : memref<1x128xf32, #tpu.memory_space<vmem>>, vector<1x128xf32>
    %add3A_54 = vector.broadcast %get3A_53 : vector<1x128xf32> to vector<1000x128xf32>
    %add3A_55 = arith.addf %mul3A_50, %add3A_54 : vector<1000x128xf32>
    %integer_pow3A_56 = arith.mulf %add3A_19, %add3A_19 : vector<1000x16xf32>
    %integer_pow3A_57 = arith.mulf %add3A_24, %add3A_24 : vector<1000x16xf32>
    %add3A_58 = arith.addf %integer_pow3A_56, %integer_pow3A_57 : vector<1000x16xf32>
    %integer_pow3A_59 = arith.mulf %add3A_29, %add3A_29 : vector<1000x16xf32>
    %add3A_60 = arith.addf %add3A_58, %integer_pow3A_59 : vector<1000x16xf32>
    %reduce_sum3A_61 = arith.constant dense<0.000000e+00> : vector<1000xf32>
    %reduce_sum3A_62 = vector.multi_reduction <add>, %add3A_60, %reduce_sum3A_61 [1] : vector<1000x16xf32> to vector<1000xf32>
    %broadcast_in_dim3A_63 = vector.shape_cast %reduce_sum3A_62 : vector<1000xf32> to vector<1000x1xf32>
    %div3A_64 = arith.constant 1.600000e+01 : f32
    %div3A_65 = vector.broadcast %div3A_64 : f32 to vector<1000x1xf32>
    %div3A_66 = arith.divf %broadcast_in_dim3A_63, %div3A_65 : vector<1000x1xf32>
    %sqrt3A = math.sqrt %div3A_66 : vector<1000x1xf32>
    %max3A = arith.constant 0.00316227763 : f32
    %max3A_67 = vector.broadcast %max3A : f32 to vector<1000x1xf32>
    %max3A_68 = arith.maximumf %sqrt3A, %max3A_67 : vector<1000x1xf32>
    %div3A_69 = vector.broadcast %max3A_68 : vector<1000x1xf32> to vector<1000x16xf32>
    %div3A_70 = arith.divf %add3A_19, %div3A_69 : vector<1000x16xf32>
    %div3A_71 = vector.broadcast %max3A_68 : vector<1000x1xf32> to vector<1000x16xf32>
    %div3A_72 = arith.divf %add3A_24, %div3A_71 : vector<1000x16xf32>
    %div3A_73 = vector.broadcast %max3A_68 : vector<1000x1xf32> to vector<1000x16xf32>
    %div3A_74 = arith.divf %add3A_29, %div3A_73 : vector<1000x16xf32>
    %get3A_75 = arith.constant 0 : index
    %get3A_76 = arith.constant 0 : index
    %get3A_77 = vector.load %arg11[%get3A_75, %get3A_76] : memref<16x16xf32, #tpu.memory_space<vmem>>, vector<16x16xf32>
    %dot_general3A = arith.constant dense<0.000000e+00> : vector<1000x16xf32>
    %dot_general3A_78 = tpu.matmul %div3A_70, %get3A_77, %dot_general3A {dimension_numbers = #tpu.dot_dimension_numbers<[1], [0], [0], [1], [0, 0, 1, 1], [], []>, transpose_lhs_hint = false} : vector<1000x16xf32>, vector<16x16xf32>, vector<1000x16xf32> -> vector<1000x16xf32>
    %get3A_79 = arith.constant 0 : index
    %get3A_80 = arith.constant 0 : index
    %get3A_81 = vector.load %arg11[%get3A_79, %get3A_80] : memref<16x16xf32, #tpu.memory_space<vmem>>, vector<16x16xf32>
    %dot_general3A_82 = arith.constant dense<0.000000e+00> : vector<1000x16xf32>
    %dot_general3A_83 = tpu.matmul %div3A_72, %get3A_81, %dot_general3A_82 {dimension_numbers = #tpu.dot_dimension_numbers<[1], [0], [0], [1], [0, 0, 1, 1], [], []>, transpose_lhs_hint = false} : vector<1000x16xf32>, vector<16x16xf32>, vector<1000x16xf32> -> vector<1000x16xf32>
    %get3A_84 = arith.constant 0 : index
    %get3A_85 = arith.constant 0 : index
    %get3A_86 = vector.load %arg11[%get3A_84, %get3A_85] : memref<16x16xf32, #tpu.memory_space<vmem>>, vector<16x16xf32>
    %dot_general3A_87 = arith.constant dense<0.000000e+00> : vector<1000x16xf32>
    %dot_general3A_88 = tpu.matmul %div3A_74, %get3A_86, %dot_general3A_87 {dimension_numbers = #tpu.dot_dimension_numbers<[1], [0], [0], [1], [0, 0, 1, 1], [], []>, transpose_lhs_hint = false} : vector<1000x16xf32>, vector<16x16xf32>, vector<1000x16xf32> -> vector<1000x16xf32>
    %integer_pow3A_89 = arith.mulf %dot_general3A_78, %dot_general3A_78 : vector<1000x16xf32>
    %integer_pow3A_90 = arith.mulf %dot_general3A_83, %dot_general3A_83 : vector<1000x16xf32>
    %add3A_91 = arith.addf %integer_pow3A_89, %integer_pow3A_90 : vector<1000x16xf32>
    %integer_pow3A_92 = arith.mulf %dot_general3A_88, %dot_general3A_88 : vector<1000x16xf32>
    %add3A_93 = arith.addf %add3A_91, %integer_pow3A_92 : vector<1000x16xf32>
    %sqrt3A_94 = math.sqrt %add3A_93 : vector<1000x16xf32>
    %max3A_95 = arith.constant 9.99999974E-5 : f32
    %max3A_96 = vector.broadcast %max3A_95 : f32 to vector<1000x16xf32>
    %max3A_97 = arith.maximumf %sqrt3A_94, %max3A_96 : vector<1000x16xf32>
    %get3A_98 = arith.constant 0 : index
    %get3A_99 = arith.constant 0 : index
    %get3A_100 = vector.load %arg13[%get3A_98, %get3A_99] : memref<128x128xf32, #tpu.memory_space<vmem>>, vector<128x128xf32>
    %dot_general3A_101 = arith.constant dense<0.000000e+00> : vector<1000x128xf32>
    %dot_general3A_102 = tpu.matmul %add3A_55, %get3A_100, %dot_general3A_101 {dimension_numbers = #tpu.dot_dimension_numbers<[1], [0], [0], [1], [0, 0, 1, 1], [], []>, transpose_lhs_hint = false} : vector<1000x128xf32>, vector<128x128xf32>, vector<1000x128xf32> -> vector<1000x128xf32>
    %get3A_103 = arith.constant 0 : index
    %get3A_104 = arith.constant 0 : index
    %get3A_105 = vector.load %arg14[%get3A_103, %get3A_104] : memref<16x128xf32, #tpu.memory_space<vmem>>, vector<16x128xf32>
    %dot_general3A_106 = arith.constant dense<0.000000e+00> : vector<1000x128xf32>
    %dot_general3A_107 = tpu.matmul %max3A_97, %get3A_105, %dot_general3A_106 {dimension_numbers = #tpu.dot_dimension_numbers<[1], [0], [0], [1], [0, 0, 1, 1], [], []>, transpose_lhs_hint = false} : vector<1000x16xf32>, vector<16x128xf32>, vector<1000x128xf32> -> vector<1000x128xf32>
    %add3A_108 = arith.addf %dot_general3A_102, %dot_general3A_107 : vector<1000x128xf32>
    %get3A_109 = arith.constant 0 : index
    %get3A_110 = arith.constant 0 : index
    %get3A_111 = vector.load %arg15[%get3A_109, %get3A_110] : memref<1x128xf32, #tpu.memory_space<vmem>>, vector<1x128xf32>
    %add3A_112 = vector.broadcast %get3A_111 : vector<1x128xf32> to vector<1000x128xf32>
    %add3A_113 = arith.addf %add3A_108, %add3A_112 : vector<1000x128xf32>
    %max3A_114 = arith.constant 0.000000e+00 : f32
    %max3A_115 = vector.broadcast %max3A_114 : f32 to vector<1000x128xf32>
    %max3A_116 = arith.maximumf %add3A_113, %max3A_115 : vector<1000x128xf32>
    %get3A_117 = arith.constant 0 : index
    %get3A_118 = arith.constant 0 : index
    %get3A_119 = vector.load %arg12[%get3A_117, %get3A_118] : memref<16x16xf32, #tpu.memory_space<vmem>>, vector<16x16xf32>
    %dot_general3A_120 = arith.constant dense<0.000000e+00> : vector<1000x16xf32>
    %dot_general3A_121 = tpu.matmul %dot_general3A_78, %get3A_119, %dot_general3A_120 {dimension_numbers = #tpu.dot_dimension_numbers<[1], [0], [0], [1], [0, 0, 1, 1], [], []>, transpose_lhs_hint = false} : vector<1000x16xf32>, vector<16x16xf32>, vector<1000x16xf32> -> vector<1000x16xf32>
    %get3A_122 = arith.constant 0 : index
    %get3A_123 = arith.constant 0 : index
    %get3A_124 = vector.load %arg12[%get3A_122, %get3A_123] : memref<16x16xf32, #tpu.memory_space<vmem>>, vector<16x16xf32>
    %dot_general3A_125 = arith.constant dense<0.000000e+00> : vector<1000x16xf32>
    %dot_general3A_126 = tpu.matmul %dot_general3A_83, %get3A_124, %dot_general3A_125 {dimension_numbers = #tpu.dot_dimension_numbers<[1], [0], [0], [1], [0, 0, 1, 1], [], []>, transpose_lhs_hint = false} : vector<1000x16xf32>, vector<16x16xf32>, vector<1000x16xf32> -> vector<1000x16xf32>
    %get3A_127 = arith.constant 0 : index
    %get3A_128 = arith.constant 0 : index
    %get3A_129 = vector.load %arg12[%get3A_127, %get3A_128] : memref<16x16xf32, #tpu.memory_space<vmem>>, vector<16x16xf32>
    %dot_general3A_130 = arith.constant dense<0.000000e+00> : vector<1000x16xf32>
    %dot_general3A_131 = tpu.matmul %dot_general3A_88, %get3A_129, %dot_general3A_130 {dimension_numbers = #tpu.dot_dimension_numbers<[1], [0], [0], [1], [0, 0, 1, 1], [], []>, transpose_lhs_hint = false} : vector<1000x16xf32>, vector<16x16xf32>, vector<1000x16xf32> -> vector<1000x16xf32>
    %integer_pow3A_132 = arith.mulf %dot_general3A_121, %dot_general3A_121 : vector<1000x16xf32>
    %integer_pow3A_133 = arith.mulf %dot_general3A_126, %dot_general3A_126 : vector<1000x16xf32>
    %add3A_134 = arith.addf %integer_pow3A_132, %integer_pow3A_133 : vector<1000x16xf32>
    %integer_pow3A_135 = arith.mulf %dot_general3A_131, %dot_general3A_131 : vector<1000x16xf32>
    %add3A_136 = arith.addf %add3A_134, %integer_pow3A_135 : vector<1000x16xf32>
    %sqrt3A_137 = math.sqrt %add3A_136 : vector<1000x16xf32>
    %max3A_138 = arith.constant 9.99999974E-5 : f32
    %max3A_139 = vector.broadcast %max3A_138 : f32 to vector<1000x16xf32>
    %max3A_140 = arith.maximumf %sqrt3A_137, %max3A_139 : vector<1000x16xf32>
    %logistic3A = arith.negf %max3A_140 : vector<1000x16xf32>
    %logistic3A_141 = math.exp %logistic3A : vector<1000x16xf32>
    %logistic3A_142 = arith.constant 1.000000e+00 : f32
    %logistic3A_143 = vector.broadcast %logistic3A_142 : f32 to vector<1000x16xf32>
    %logistic3A_144 = arith.addf %logistic3A_143, %logistic3A_141 : vector<1000x16xf32>
    %logistic3A_145 = arith.divf %logistic3A_143, %logistic3A_144 : vector<1000x16xf32>
    %mul3A_146 = arith.mulf %logistic3A_145, %dot_general3A_121 : vector<1000x16xf32>
    %mul3A_147 = arith.mulf %logistic3A_145, %dot_general3A_126 : vector<1000x16xf32>
    %mul3A_148 = arith.mulf %logistic3A_145, %dot_general3A_131 : vector<1000x16xf32>
    %get3A_149 = arith.constant 0 : index
    %get3A_150 = arith.constant 0 : index
    %get3A_151 = vector.load %arg16[%get3A_149, %get3A_150] : memref<16x16xf32, #tpu.memory_space<vmem>>, vector<16x16xf32>
    %dot_general3A_152 = arith.constant dense<0.000000e+00> : vector<1000x16xf32>
    %dot_general3A_153 = tpu.matmul %mul3A_146, %get3A_151, %dot_general3A_152 {dimension_numbers = #tpu.dot_dimension_numbers<[1], [0], [0], [1], [0, 0, 1, 1], [], []>, transpose_lhs_hint = false} : vector<1000x16xf32>, vector<16x16xf32>, vector<1000x16xf32> -> vector<1000x16xf32>
    %get3A_154 = arith.constant 0 : index
    %get3A_155 = arith.constant 0 : index
    %get3A_156 = vector.load %arg16[%get3A_154, %get3A_155] : memref<16x16xf32, #tpu.memory_space<vmem>>, vector<16x16xf32>
    %dot_general3A_157 = arith.constant dense<0.000000e+00> : vector<1000x16xf32>
    %dot_general3A_158 = tpu.matmul %mul3A_147, %get3A_156, %dot_general3A_157 {dimension_numbers = #tpu.dot_dimension_numbers<[1], [0], [0], [1], [0, 0, 1, 1], [], []>, transpose_lhs_hint = false} : vector<1000x16xf32>, vector<16x16xf32>, vector<1000x16xf32> -> vector<1000x16xf32>
    %get3A_159 = arith.constant 0 : index
    %get3A_160 = arith.constant 0 : index
    %get3A_161 = vector.load %arg16[%get3A_159, %get3A_160] : memref<16x16xf32, #tpu.memory_space<vmem>>, vector<16x16xf32>
    %dot_general3A_162 = arith.constant dense<0.000000e+00> : vector<1000x16xf32>
    %dot_general3A_163 = tpu.matmul %mul3A_148, %get3A_161, %dot_general3A_162 {dimension_numbers = #tpu.dot_dimension_numbers<[1], [0], [0], [1], [0, 0, 1, 1], [], []>, transpose_lhs_hint = false} : vector<1000x16xf32>, vector<16x16xf32>, vector<1000x16xf32> -> vector<1000x16xf32>
    %integer_pow3A_164 = arith.mulf %dot_general3A_153, %dot_general3A_153 : vector<1000x16xf32>
    %integer_pow3A_165 = arith.mulf %dot_general3A_158, %dot_general3A_158 : vector<1000x16xf32>
    %add3A_166 = arith.addf %integer_pow3A_164, %integer_pow3A_165 : vector<1000x16xf32>
    %integer_pow3A_167 = arith.mulf %dot_general3A_163, %dot_general3A_163 : vector<1000x16xf32>
    %add3A_168 = arith.addf %add3A_166, %integer_pow3A_167 : vector<1000x16xf32>
    %sqrt3A_169 = math.sqrt %add3A_168 : vector<1000x16xf32>
    %max3A_170 = arith.constant 9.99999974E-5 : f32
    %max3A_171 = vector.broadcast %max3A_170 : f32 to vector<1000x16xf32>
    %max3A_172 = arith.maximumf %sqrt3A_169, %max3A_171 : vector<1000x16xf32>
    %get3A_173 = arith.constant 0 : index
    %get3A_174 = arith.constant 0 : index
    %get3A_175 = vector.load %arg18[%get3A_173, %get3A_174] : memref<128x128xf32, #tpu.memory_space<vmem>>, vector<128x128xf32>
    %dot_general3A_176 = arith.constant dense<0.000000e+00> : vector<1000x128xf32>
    %dot_general3A_177 = tpu.matmul %max3A_116, %get3A_175, %dot_general3A_176 {dimension_numbers = #tpu.dot_dimension_numbers<[1], [0], [0], [1], [0, 0, 1, 1], [], []>, transpose_lhs_hint = false} : vector<1000x128xf32>, vector<128x128xf32>, vector<1000x128xf32> -> vector<1000x128xf32>
    %get3A_178 = arith.constant 0 : index
    %get3A_179 = arith.constant 0 : index
    %get3A_180 = vector.load %arg19[%get3A_178, %get3A_179] : memref<16x128xf32, #tpu.memory_space<vmem>>, vector<16x128xf32>
    %dot_general3A_181 = arith.constant dense<0.000000e+00> : vector<1000x128xf32>
    %dot_general3A_182 = tpu.matmul %max3A_172, %get3A_180, %dot_general3A_181 {dimension_numbers = #tpu.dot_dimension_numbers<[1], [0], [0], [1], [0, 0, 1, 1], [], []>, transpose_lhs_hint = false} : vector<1000x16xf32>, vector<16x128xf32>, vector<1000x128xf32> -> vector<1000x128xf32>
    %add3A_183 = arith.addf %dot_general3A_177, %dot_general3A_182 : vector<1000x128xf32>
    %get3A_184 = arith.constant 0 : index
    %get3A_185 = arith.constant 0 : index
    %get3A_186 = vector.load %arg20[%get3A_184, %get3A_185] : memref<1x128xf32, #tpu.memory_space<vmem>>, vector<1x128xf32>
    %add3A_187 = vector.broadcast %get3A_186 : vector<1x128xf32> to vector<1000x128xf32>
    %add3A_188 = arith.addf %add3A_183, %add3A_187 : vector<1000x128xf32>
    %get3A_189 = arith.constant 0 : index
    %get3A_190 = arith.constant 0 : index
    %get3A_191 = vector.load %arg17[%get3A_189, %get3A_190] : memref<16x16xf32, #tpu.memory_space<vmem>>, vector<16x16xf32>
    %dot_general3A_192 = arith.constant dense<0.000000e+00> : vector<1000x16xf32>
    %dot_general3A_193 = tpu.matmul %dot_general3A_153, %get3A_191, %dot_general3A_192 {dimension_numbers = #tpu.dot_dimension_numbers<[1], [0], [0], [1], [0, 0, 1, 1], [], []>, transpose_lhs_hint = false} : vector<1000x16xf32>, vector<16x16xf32>, vector<1000x16xf32> -> vector<1000x16xf32>
    %get3A_194 = arith.constant 0 : index
    %get3A_195 = arith.constant 0 : index
    %get3A_196 = vector.load %arg17[%get3A_194, %get3A_195] : memref<16x16xf32, #tpu.memory_space<vmem>>, vector<16x16xf32>
    %dot_general3A_197 = arith.constant dense<0.000000e+00> : vector<1000x16xf32>
    %dot_general3A_198 = tpu.matmul %dot_general3A_158, %get3A_196, %dot_general3A_197 {dimension_numbers = #tpu.dot_dimension_numbers<[1], [0], [0], [1], [0, 0, 1, 1], [], []>, transpose_lhs_hint = false} : vector<1000x16xf32>, vector<16x16xf32>, vector<1000x16xf32> -> vector<1000x16xf32>
    %get3A_199 = arith.constant 0 : index
    %get3A_200 = arith.constant 0 : index
    %get3A_201 = vector.load %arg17[%get3A_199, %get3A_200] : memref<16x16xf32, #tpu.memory_space<vmem>>, vector<16x16xf32>
    %dot_general3A_202 = arith.constant dense<0.000000e+00> : vector<1000x16xf32>
    %dot_general3A_203 = tpu.matmul %dot_general3A_163, %get3A_201, %dot_general3A_202 {dimension_numbers = #tpu.dot_dimension_numbers<[1], [0], [0], [1], [0, 0, 1, 1], [], []>, transpose_lhs_hint = false} : vector<1000x16xf32>, vector<16x16xf32>, vector<1000x16xf32> -> vector<1000x16xf32>
    %integer_pow3A_204 = arith.mulf %dot_general3A_193, %dot_general3A_193 : vector<1000x16xf32>
    %integer_pow3A_205 = arith.mulf %dot_general3A_198, %dot_general3A_198 : vector<1000x16xf32>
    %add3A_206 = arith.addf %integer_pow3A_204, %integer_pow3A_205 : vector<1000x16xf32>
    %integer_pow3A_207 = arith.mulf %dot_general3A_203, %dot_general3A_203 : vector<1000x16xf32>
    %add3A_208 = arith.addf %add3A_206, %integer_pow3A_207 : vector<1000x16xf32>
    %sqrt3A_209 = math.sqrt %add3A_208 : vector<1000x16xf32>
    %max3A_210 = arith.constant 9.99999974E-5 : f32
    %max3A_211 = vector.broadcast %max3A_210 : f32 to vector<1000x16xf32>
    %max3A_212 = arith.maximumf %sqrt3A_209, %max3A_211 : vector<1000x16xf32>
    %mul3A_213 = arith.mulf %max3A_212, %dot_general3A_193 : vector<1000x16xf32>
    %mul3A_214 = arith.mulf %max3A_212, %dot_general3A_198 : vector<1000x16xf32>
    %mul3A_215 = arith.mulf %max3A_212, %dot_general3A_203 : vector<1000x16xf32>
    %add3A_216 = arith.addf %add3A_55, %add3A_188 : vector<1000x128xf32>
    %reduce_sum3A_217 = arith.constant dense<0.000000e+00> : vector<1000xf32>
    %reduce_sum3A_218 = vector.multi_reduction <add>, %add3A_216, %reduce_sum3A_217 [1] : vector<1000x128xf32> to vector<1000xf32>
    %broadcast_in_dim3A_219 = vector.shape_cast %reduce_sum3A_218 : vector<1000xf32> to vector<1000x1xf32>
    %div3A_220 = arith.constant 1.280000e+02 : f32
    %div3A_221 = vector.broadcast %div3A_220 : f32 to vector<1000x1xf32>
    %div3A_222 = arith.divf %broadcast_in_dim3A_219, %div3A_221 : vector<1000x1xf32>
    %sub3A_223 = vector.broadcast %div3A_222 : vector<1000x1xf32> to vector<1000x128xf32>
    %sub3A_224 = arith.subf %add3A_216, %sub3A_223 : vector<1000x128xf32>
    %integer_pow3A_225 = arith.mulf %sub3A_224, %sub3A_224 : vector<1000x128xf32>
    %reduce_sum3A_226 = arith.constant dense<0.000000e+00> : vector<1000xf32>
    %reduce_sum3A_227 = vector.multi_reduction <add>, %integer_pow3A_225, %reduce_sum3A_226 [1] : vector<1000x128xf32> to vector<1000xf32>
    %broadcast_in_dim3A_228 = vector.shape_cast %reduce_sum3A_227 : vector<1000xf32> to vector<1000x1xf32>
    %div3A_229 = arith.constant 1.280000e+02 : f32
    %div3A_230 = vector.broadcast %div3A_229 : f32 to vector<1000x1xf32>
    %div3A_231 = arith.divf %broadcast_in_dim3A_228, %div3A_230 : vector<1000x1xf32>
    %sub3A_232 = vector.broadcast %div3A_222 : vector<1000x1xf32> to vector<1000x128xf32>
    %sub3A_233 = arith.subf %add3A_216, %sub3A_232 : vector<1000x128xf32>
    %add3A_234 = arith.constant 9.99999974E-6 : f32
    %add3A_235 = vector.broadcast %add3A_234 : f32 to vector<1000x1xf32>
    %add3A_236 = arith.addf %div3A_231, %add3A_235 : vector<1000x1xf32>
    %rsqrt3A_237 = math.rsqrt %add3A_236 : vector<1000x1xf32>
    %mul3A_238 = vector.broadcast %rsqrt3A_237 : vector<1000x1xf32> to vector<1000x128xf32>
    %mul3A_239 = arith.mulf %sub3A_233, %mul3A_238 : vector<1000x128xf32>
    %get3A_240 = arith.constant 0 : index
    %get3A_241 = arith.constant 0 : index
    %get3A_242 = vector.load %arg9[%get3A_240, %get3A_241] : memref<1x128xf32, #tpu.memory_space<vmem>>, vector<1x128xf32>
    %mul3A_243 = vector.broadcast %get3A_242 : vector<1x128xf32> to vector<1000x128xf32>
    %mul3A_244 = arith.mulf %mul3A_239, %mul3A_243 : vector<1000x128xf32>
    %get3A_245 = arith.constant 0 : index
    %get3A_246 = arith.constant 0 : index
    %get3A_247 = vector.load %arg10[%get3A_245, %get3A_246] : memref<1x128xf32, #tpu.memory_space<vmem>>, vector<1x128xf32>
    %add3A_248 = vector.broadcast %get3A_247 : vector<1x128xf32> to vector<1000x128xf32>
    %add3A_249 = arith.addf %mul3A_244, %add3A_248 : vector<1000x128xf32>
    %swap3A = arith.constant 0 : index
    %swap3A_250 = arith.constant 0 : index
    %swap3A_251 = vector.load %arg21[%swap3A, %swap3A_250] : memref<1000x128xf32, #tpu.memory_space<vmem>>, vector<1000x128xf32>
    tpu.vector_store %arg21[%swap3A, %swap3A_250], %add3A_249 {strides = array<i32>} : memref<1000x128xf32, #tpu.memory_space<vmem>>, vector<1000x128xf32>,
    %add3A_252 = arith.addf %div3A_70, %mul3A_213 : vector<1000x16xf32>
    %add3A_253 = arith.addf %div3A_72, %mul3A_214 : vector<1000x16xf32>
    %add3A_254 = arith.addf %div3A_74, %mul3A_215 : vector<1000x16xf32>
    %integer_pow3A_255 = arith.mulf %add3A_252, %add3A_252 : vector<1000x16xf32>
    %integer_pow3A_256 = arith.mulf %add3A_253, %add3A_253 : vector<1000x16xf32>
    %add3A_257 = arith.addf %integer_pow3A_255, %integer_pow3A_256 : vector<1000x16xf32>
    %integer_pow3A_258 = arith.mulf %add3A_254, %add3A_254 : vector<1000x16xf32>
    %add3A_259 = arith.addf %add3A_257, %integer_pow3A_258 : vector<1000x16xf32>
    %reduce_sum3A_260 = arith.constant dense<0.000000e+00> : vector<1000xf32>
    %reduce_sum3A_261 = vector.multi_reduction <add>, %add3A_259, %reduce_sum3A_260 [1] : vector<1000x16xf32> to vector<1000xf32>
    %broadcast_in_dim3A_262 = vector.shape_cast %reduce_sum3A_261 : vector<1000xf32> to vector<1000x1xf32>
    %div3A_263 = arith.constant 1.600000e+01 : f32
    %div3A_264 = vector.broadcast %div3A_263 : f32 to vector<1000x1xf32>
    %div3A_265 = arith.divf %broadcast_in_dim3A_262, %div3A_264 : vector<1000x1xf32>
    %sqrt3A_266 = math.sqrt %div3A_265 : vector<1000x1xf32>
    %max3A_267 = arith.constant 0.00316227763 : f32
    %max3A_268 = vector.broadcast %max3A_267 : f32 to vector<1000x1xf32>
    %max3A_269 = arith.maximumf %sqrt3A_266, %max3A_268 : vector<1000x1xf32>
    %div3A_270 = vector.broadcast %max3A_269 : vector<1000x1xf32> to vector<1000x16xf32>
    %div3A_271 = arith.divf %add3A_252, %div3A_270 : vector<1000x16xf32>
    %swap3A_272 = arith.constant 0 : index
    %swap3A_273 = arith.constant 0 : index
    %swap3A_274 = vector.load %arg22[%swap3A_272, %swap3A_273] : memref<1000x48xf32, #tpu.memory_space<vmem>>, vector<1000x16xf32>
    tpu.vector_store %arg22[%swap3A_272, %swap3A_273], %div3A_271 {strides = array<i32>} : memref<1000x48xf32, #tpu.memory_space<vmem>>, vector<1000x16xf32>,
    %div3A_275 = vector.broadcast %max3A_269 : vector<1000x1xf32> to vector<1000x16xf32>
    %div3A_276 = arith.divf %add3A_253, %div3A_275 : vector<1000x16xf32>
    %swap3A_277 = arith.constant 0 : index
    %swap3A_278 = arith.constant 16 : index
    %swap3A_279 = vector.load %arg22[%swap3A_277, %swap3A_278] : memref<1000x48xf32, #tpu.memory_space<vmem>>, vector<1000x16xf32>
    tpu.vector_store %arg22[%swap3A_277, %swap3A_278], %div3A_276 {strides = array<i32>} : memref<1000x48xf32, #tpu.memory_space<vmem>>, vector<1000x16xf32>,
    %div3A_280 = vector.broadcast %max3A_269 : vector<1000x1xf32> to vector<1000x16xf32>
    %div3A_281 = arith.divf %add3A_254, %div3A_280 : vector<1000x16xf32>
    %swap3A_282 = arith.constant 0 : index
    %swap3A_283 = arith.constant 32 : index
    %swap3A_284 = vector.load %arg22[%swap3A_282, %swap3A_283] : memref<1000x48xf32, #tpu.memory_space<vmem>>, vector<1000x16xf32>
    tpu.vector_store %arg22[%swap3A_282, %swap3A_283], %div3A_281 {strides = array<i32>} : memref<1000x48xf32, #tpu.memory_space<vmem>>, vector<1000x16xf32>,
    return
  }
  func.func @transform_0(%arg0: i32) -> (i32, i32) {
    %c0_i32 = arith.constant 0 : i32
    %c0_i32_0 = arith.constant 0 : i32
    return %arg0, %c0_i32 : i32, i32
  }
  func.func @transform_1(%arg0: i32) -> (i32, i32) {
    %c0_i32 = arith.constant 0 : i32
    %c0_i32_0 = arith.constant 0 : i32
    return %arg0, %c0_i32 : i32, i32
  }
  func.func @transform_2(%arg0: i32) -> (i32, i32) {
    %c0_i32 = arith.constant 0 : i32
    %c0_i32_0 = arith.constant 0 : i32
    return %arg0, %c0_i32 : i32, i32
  }
  func.func @transform_3(%arg0: i32) -> (i32, i32) {
    %c0_i32 = arith.constant 0 : i32
    %c0_i32_0 = arith.constant 0 : i32
    return %arg0, %c0_i32 : i32, i32
  }
  func.func @transform_4(%arg0: i32) -> (i32, i32) {
    %c0_i32 = arith.constant 0 : i32
    %c0_i32_0 = arith.constant 0 : i32
    return %arg0, %c0_i32 : i32, i32
  }
  func.func @transform_5(%arg0: i32) -> (i32, i32) {
    %c0_i32 = arith.constant 0 : i32
    %c0_i32_0 = arith.constant 0 : i32
    return %arg0, %c0_i32 : i32, i32
  }
  func.func @transform_6(%arg0: i32) -> (i32, i32) {
    %c0_i32 = arith.constant 0 : i32
    %c0_i32_0 = arith.constant 0 : i32
    %c0_i32_1 = arith.constant 0 : i32
    return %c0_i32, %c0_i32_0 : i32, i32
  }
  func.func @transform_7(%arg0: i32) -> (i32, i32) {
    %c0_i32 = arith.constant 0 : i32
    %c0_i32_0 = arith.constant 0 : i32
    %c0_i32_1 = arith.constant 0 : i32
    return %c0_i32, %c0_i32_0 : i32, i32
  }
  func.func @transform_8(%arg0: i32) -> (i32, i32) {
    %c0_i32 = arith.constant 0 : i32
    %c0_i32_0 = arith.constant 0 : i32
    %c0_i32_1 = arith.constant 0 : i32
    return %c0_i32, %c0_i32_0 : i32, i32
  }
  func.func @transform_9(%arg0: i32) -> (i32, i32) {
    %c0_i32 = arith.constant 0 : i32
    %c0_i32_0 = arith.constant 0 : i32
    %c0_i32_1 = arith.constant 0 : i32
    return %c0_i32, %c0_i32_0 : i32, i32
  }
  func.func @transform_10(%arg0: i32) -> (i32, i32) {
    %c0_i32 = arith.constant 0 : i32
    %c0_i32_0 = arith.constant 0 : i32
    %c0_i32_1 = arith.constant 0 : i32
    return %c0_i32, %c0_i32_0 : i32, i32
  }
  func.func @transform_11(%arg0: i32) -> (i32, i32) {
    %c0_i32 = arith.constant 0 : i32
    %c0_i32_0 = arith.constant 0 : i32
    %c0_i32_1 = arith.constant 0 : i32
    return %c0_i32, %c0_i32_0 : i32, i32
  }
  func.func @transform_12(%arg0: i32) -> (i32, i32) {
    %c0_i32 = arith.constant 0 : i32
    %c0_i32_0 = arith.constant 0 : i32
    %c0_i32_1 = arith.constant 0 : i32
    return %c0_i32, %c0_i32_0 : i32, i32
  }
  func.func @transform_13(%arg0: i32) -> (i32, i32) {
    %c0_i32 = arith.constant 0 : i32
    %c0_i32_0 = arith.constant 0 : i32
    %c0_i32_1 = arith.constant 0 : i32
    return %c0_i32, %c0_i32_0 : i32, i32
  }
  func.func @transform_14(%arg0: i32) -> (i32, i32) {
    %c0_i32 = arith.constant 0 : i32
    %c0_i32_0 = arith.constant 0 : i32
    %c0_i32_1 = arith.constant 0 : i32
    return %c0_i32, %c0_i32_0 : i32, i32
  }
  func.func @transform_15(%arg0: i32) -> (i32, i32) {
    %c0_i32 = arith.constant 0 : i32
    %c0_i32_0 = arith.constant 0 : i32
    %c0_i32_1 = arith.constant 0 : i32
    return %c0_i32, %c0_i32_0 : i32, i32
  }
  func.func @transform_16(%arg0: i32) -> (i32, i32) {
    %c0_i32 = arith.constant 0 : i32
    %c0_i32_0 = arith.constant 0 : i32
    %c0_i32_1 = arith.constant 0 : i32
    return %c0_i32, %c0_i32_0 : i32, i32
  }
  func.func @transform_17(%arg0: i32) -> (i32, i32) {
    %c0_i32 = arith.constant 0 : i32
    %c0_i32_0 = arith.constant 0 : i32
    %c0_i32_1 = arith.constant 0 : i32
    return %c0_i32, %c0_i32_0 : i32, i32
  }
  func.func @transform_18(%arg0: i32) -> (i32, i32) {
    %c0_i32 = arith.constant 0 : i32
    %c0_i32_0 = arith.constant 0 : i32
    %c0_i32_1 = arith.constant 0 : i32
    return %c0_i32, %c0_i32_0 : i32, i32
  }
  func.func @transform_19(%arg0: i32) -> (i32, i32) {
    %c0_i32 = arith.constant 0 : i32
    %c0_i32_0 = arith.constant 0 : i32
    %c0_i32_1 = arith.constant 0 : i32
    return %c0_i32, %c0_i32_0 : i32, i32
  }
  func.func @transform_20(%arg0: i32) -> (i32, i32) {
    %c0_i32 = arith.constant 0 : i32
    %c0_i32_0 = arith.constant 0 : i32
    return %arg0, %c0_i32 : i32, i32
  }
  func.func @transform_21(%arg0: i32) -> (i32, i32) {
    %c0_i32 = arith.constant 0 : i32
    %c0_i32_0 = arith.constant 0 : i32
    return %arg0, %c0_i32 : i32, i32
  }
}

</mosaic_0001>

<sc_bundles>
// kernel: kernel.12.cloned.1.call-start
scs
__scs_entry_jumppad:
0x0: {  	(pc) =	sbr.rel $0x88, $3  }
0x1: {  	(tag) =	ssettag $0x0;
	lr =	simm.s32 $0x1  }
0x2: {  	[smem:$0x3F81] =	sst lr;
	_ =	strace $0xD0000000  }
0x3: {  	_ = 	snop  }
0x4: {  	_ = 	snop  }
0x5: {  	_ = 	snop  }
0x6: {  	_ = 	snop  }
0x7: {  	_ = 	snop  }
__scs_overlays_trampoline_lowered:
0x8: {  	[smem:$0x3F90] =	sst s0  }
0x9: {  	[smem:$0x3F91] =	sst s1  }
0xa: {  	[smem:$0x3F92] =	sst s2  }
0xb: {  	[smem:$0x3F93] =	sst s3  }
0xc: {  	[smem:$0x3F94] =	sst s4  }
0xd: {  	[smem:$0x3F95] =	sst s5  }
0xe: {  	[smem:$0x3F96] =	sst s6  }
0xf: {  	[smem:$0x3F97] =	sst s7  }
0x10: {  	[smem:$0x3F98] =	sst s8  }
0x11: {  	[smem:$0x3F99] =	sst s9;
	s0 =	simm.s32 @!p0 $0x0  }
0x12: {  	s1 =	sld [smem:$0x3F7F];
	s0 =	simm.s32 @p0 $0x1  }
0x13: {  	[smem:$0x3F9A] =	sst s0;
	s0 =	simm.s32 @!p1 $0x0  }
0x14: {  	s2 =	sld [smem:$0x3F7E];
	s0 =	simm.s32 @p1 $0x1  }
0x15: {  	[smem:$0x3F9B] =	sst s0;
	s0 =	simm.s32 @!p2 $0x0  }
0x16: {  	s3 =	sld [smem:$0x3FDB];
	s0 =	simm.s32 @p2 $0x1  }
0x17: {  	s4 =	simm.s32 $0x1BF5;
	[smem:$0x3F9D] =	sst s0  }
0x18: {  	s0 =	sld [smem:$0x3F80];
	_ =	swait.ge [sflag:s4], $0x0  }
0x19: {  	s7 =	sld [smem:$0x3F81]  }
0x1a: {  	s8 =	sadd.s32 $0xFFFFE003, lr  }
0x1b: {  	s9 =	sadd.s32 $0xFFFFFEF7, lr;
	s5 =	simm.s32 $0xFFFFFFFF;
	p2 =	slt.u32 s8, $0xFFFFF086  }
0x1c: {  	p1 =	slt.u32 s9, $0xF7A;
	s5 =	simm.s32 @!p2 $0x0  }
0x1d: {  	s5 =	simm.s32 @p1 $0x1;
	p0 =	seq.s32 s7, s2  }
0x1e: {  	s7 =	smul.u32 @!p0 $0xF7A, s2;
	p2 =	seq.s32 @!p0 s5, $0x0  }
0x1f: {  	s9 =	smul.u32 $0xF7A, s1;
	s8 =	simm.s32 @!p0 $0x1BF5;
	p2 =	por !p2, p0  }
0x20: {  	[sflag:s8] =	ssyncset.s32 @!p0 $0xFFFFF086;
	s6 =	sadd.s32 @!p0 s3, s7;
	s7 =	simm.s32 @!p0 $0x108  }
0x21: {  	s3 =	sadd.s32 s3, s9;
	s6 =	sadd.s32 @!p0 $0x88, s6;
	s7 =	simm.s32 @p2 $0x1082  }
0x22: {  	[simem:s7], [sflag:s8] =	dma.local @!p0 [hbm:s6], $0xF7A  }
0x23: {  	s9 =	sor.u32 $0xD0000000, s2;
	s6 =	simm.s32 $0x108;
	_ =	swait.ge @!p0 [sflag:s8], $0x0  }
0x24: {  	s3 =	sadd.s32 $0x88, s3;
	s6 =	simm.s32 @!p1 $0x1082;
	[sflag:s4] =	ssyncset.s32 $0xFFFFF086  }
0x25: {  	[simem:s6], [sflag:s4] =	dma.local [hbm:s3], $0xF7A  }
0x26: {  	[smem:$0x3F81] =	sst s1;
	(tag) =	ssettag s2;
	_ =	strace s9  }
0x27: {  	s1 =	sld [smem:$0x3F91]  }
0x28: {  	s2 =	sld [smem:$0x3F92]  }
0x29: {  	s4 =	sld [smem:$0x3F94]  }
0x2a: {  	p0 =	seq.s32 s5, $0x0;
	s5 =	sld [smem:$0x3F95]  }
0x2b: {  	s6 =	sld [smem:$0x3F96]  }
0x2c: {  	s7 =	sld [smem:$0x3F97]  }
0x2d: {  	s3 =	simm.s32 $0x108;
	s8 =	sld [smem:$0x3F98]  }
0x2e: {  	s3 =	simm.s32 @!p0 $0x1082;
	s9 =	sld [smem:$0x3F99]  }
0x2f: {  	lr =	sadd.s32 s0, s3;
	s0 =	sld [smem:$0x3F90]  }
0x30: {  	s3 =	sld [smem:$0x3F93]  }
0x31: {  	[smem:$0x3F9C] =	sst s10  }
0x32: {  	s10 =	sld [smem:$0x3F9A];
	_ =	sdelay $0x3  }
0x33: {  	p0 =	seq.s32 s10, $0x1;
	s10 =	sld [smem:$0x3F9C];
	_ =	sdelay $0x3  }
0x34: {  	[smem:$0x3F9C] =	sst s10  }
0x35: {  	s10 =	sld [smem:$0x3F9B];
	_ =	sdelay $0x3  }
0x36: {  	p1 =	seq.s32 s10, $0x1;
	s10 =	sld [smem:$0x3F9C];
	_ =	sdelay $0x3  }
0x37: {  	[smem:$0x3F9C] =	sst s10  }
0x38: {  	s10 =	sld [smem:$0x3F9D]  }
0x39: {  	_ = 	snop;
	(pc) =	sbr.ind lr, $3  }
0x3a: {  	_ = 	snop  }
0x3b: {  	_ = 	snop  }
0x3c: {  	p2 =	seq.s32 s10, $0x1;
	s10 =	sld [smem:$0x3F9C]  }
0x3d: {  	_ =	shalt  }
0x3e: {  	_ =	shalt  }
0x3f: {  	_ =	shalt  }
0x40: {  	_ =	shalt  }
0x41: {  	_ =	shalt  }
0x42: {  	_ =	shalt  }
0x43: {  	_ =	shalt  }
0x44: {  	_ =	shalt  }
0x45: {  	_ =	shalt  }
0x46: {  	_ =	shalt  }
0x47: {  	_ =	shalt  }
0x48: {  	_ =	shalt  }
0x49: {  	_ =	shalt  }
0x4a: {  	_ =	shalt  }
0x4b: {  	_ =	shalt  }
0x4c: {  	_ =	shalt  }
0x4d: {  	_ =	shalt  }
0x4e: {  	_ =	shalt  }
0x4f: {  	_ =	shalt  }
0x50: {  	_ =	shalt  }
0x51: {  	_ =	shalt  }
0x52: {  	_ =	shalt  }
0x53: {  	_ =	shalt  }
0x54: {  	_ =	shalt  }
0x55: {  	_ =	shalt  }
0x56: {  	_ =	shalt  }
0x57: {  	_ =	shalt  }
0x58: {  	_ =	shalt  }
0x59: {  	_ =	shalt  }
0x5a: {  	_ =	shalt  }
0x5b: {  	_ =	shalt  }
0x5c: {  	_ =	shalt  }
0x5d: {  	_ =	shalt  }
0x5e: {  	_ =	shalt  }
0x5f: {  	_ =	shalt  }
0x60: {  	_ =	shalt  }
0x61: {  	_ =	shalt  }
0x62: {  	_ =	shalt  }
0x63: {  	_ =	shalt  }
0x64: {  	_ =	shalt  }
0x65: {  	_ =	shalt  }
0x66: {  	_ =	shalt  }
0x67: {  	_ =	shalt  }
0x68: {  	_ =	shalt  }
0x69: {  	_ =	shalt  }
0x6a: {  	_ =	shalt  }
0x6b: {  	_ =	shalt  }
0x6c: {  	_ =	shalt  }
0x6d: {  	_ =	shalt  }
0x6e: {  	_ =	shalt  }
0x6f: {  	_ =	shalt  }
0x70: {  	_ =	shalt  }
0x71: {  	_ =	shalt  }
0x72: {  	_ =	shalt  }
0x73: {  	_ =	shalt  }
0x74: {  	_ =	shalt  }
0x75: {  	_ =	shalt  }
0x76: {  	_ =	shalt  }
0x77: {  	_ =	shalt  }
0x78: {  	_ =	shalt  }
0x79: {  	_ =	shalt  }
0x7a: {  	_ =	shalt  }
0x7b: {  	_ =	shalt  }
0x7c: {  	_ =	shalt  }
0x7d: {  	_ =	shalt  }
0x7e: {  	_ =	shalt  }
0x7f: {  	_ =	shalt  }
0x80: {  	_ =	shalt  }
0x81: {  	_ =	shalt  }
0x82: {  	_ =	shalt  }
0x83: {  	_ =	shalt  }
0x84: {  	_ =	shalt  }
0x85: {  	_ =	shalt  }
0x86: {  	_ =	shalt  }
0x87: {  	_ =	shalt  }
.Lfunc_end0:
.L_simem_size_0:
called_computation.1_lowered:
.L_overlay_start_0:
0x88: {  	s2 =	sld [smem:$0x3FD9]  }
0x89: {  	s3 =	sld [smem:$0x3FFE];
	_ =	sdelay $0x1  }
0x8a: {  	s1 =	srdreg.scid  }
0x8b: {  	s0 =	sand.u32 $0x1, s1  }
0x8c: {  	s15 =	sshll.u32 s0, $0xA;
	s2 =	sadd.s32 s3, s2  }
0x8d: {  	s2 =	sadd.s32 s2, s15  }
0x8e: {  	[smem:$0x3FA8] =	sst s2  }
0x8f: {  	_ = 	snop  }
0x90: {  	s2 =	sld [smem:$0x3FD0];
	_ =	sdelay $0x2  }
0x91: {  	s4 =	simm.s32 $0xB;
	s16 =	simm.s32 $0x10  }
0x92: {  	[smem:s16], [sflag:s4] =	dma.local [hbm:s2], $0x1  }
0x93: {  	_ =	swait.eq [sflag:s4], $0x1  }
0x94: {  	[sflag:s4] =	ssyncset.done $0x0  }
0x95: {  	s17 =	sld [smem:$0x10];
	[sflag:s4] =	ssyncadd.s32 $0xFFFFFFFF  }
0x96: {  	s18 =	sld [smem:$0x11];
	(tm) =	ssettm $0x1  }
0x97: {  	s19 =	sld [smem:$0x3FFB];
	_ =	sdelay $0x3  }
0x98: {  	_ =	strace s19  }
0x99: {  	s2 =	sld [smem:$0x3FFC];
	_ =	sdelay $0x3  }
0x9a: {  	_ =	strace s2  }
0x9b: {  	s2 =	sld [smem:$0x3FFD];
	_ =	sdelay $0x3  }
0x9c: {  	_ =	strace s2  }
0x9d: {  	_ =	strace $0x8FFFFFFF  }
0x9e: {  	s20 =	sld [smem:$0x3FDB];
	_ =	sdelay $0x1  }
0x9f: {  	s5 =	simm.s32 $_scs_section_size  }
0xa0: {  	s6 =	simm.s32 $_size__tile_overlayer_lowered;
	s7 =	simm.s32 $_tile_overlayer_lowered  }
0xa1: {  	s8 =	simm.s32 $0x1BFF;
	s21 =	sshll.u32 s7, $0x1;
	s5 =	sadd.s32 s5, s20  }
0xa2: {  	s22 =	simm.s32 $0x0;
	s6 =	sshll.u32 s6, $0x1;
	s7 =	sadd.s32 s21, s5  }
0xa3: {  	[timem:s22], [sflag:s8] =	dma.local [hbm:s7], s6  }
0xa4: {  	_ =	swait.ge [sflag:s8], s6  }
0xa5: {  	s6 =	ssub.s32 $0x0, s6;
	[sflag:s8] =	ssyncset.done $0x0  }
0xa6: {  	[sflag:s8] =	ssyncadd.s32 s6;
	_ =	sdelay $0x1  }
0xa7: {  	s23 =	simm.s32 $0x1B8B  }
0xa8: {  	_ =	swait.ge [sflag:s23], $0x1  }
0xa9: {  	[sflag:s23] =	ssyncset.done $0x0  }
0xaa: {  	[sflag:s23] =	ssyncadd.s32 $0xFFFFFFFF  }
0xab: {  	s6 =	sld [smem:$0x0]  }
0xac: {  	s7 =	sand.u32 $0xFFFFFFFE, s1  }
0xad: {  	p0 =	sne.s32 s1, s7  }
0xae: {  	s7 =	sshll.u32 @p0 s7, $0xE  }
0xaf: {  	s7 =	sadd.s32 @p0 $0x11B8D, s7;
	s8 =	sshll.u32 @p0 s6, $0x11  }
0xb0: {  	s7 =	sor.u32 @p0 s8, s7  }
0xb1: {  	[sflag:s7] =	ssyncadd.remote.s32 @p0 $0x1;
	_ =	sdelay $0x1  }
0xb2: {  	s7 =	simm.s32 @p0 $0x1B8D  }
0xb3: {  	_ =	swait.eq @p0 [sflag:s7], $0x1  }
0xb4: {  	[sflag:s7] =	ssyncadd.s32 @p0 $0xFFFFFFFF  }
0xb5: {  	s8 =	sshll.u32 @!p0 s1, $0xE  }
0xb6: {  	s8 =	sor.u32 @!p0 $0x4000, s8;
	s7 =	simm.s32 @!p0 $0x1B8D  }
0xb7: {  	s6 =	sshll.u32 @!p0 s6, $0x11;
	s8 =	sadd.s32 @!p0 $0x11B8D, s8;
	_ =	swait.eq @!p0 [sflag:s7], $0x1  }
0xb8: {  	s6 =	sor.u32 @!p0 s6, s8;
	[sflag:s7] =	ssyncadd.s32 @!p0 $0xFFFFFFFF  }
0xb9: {  	s25 =	simm.s32 $0x1B8E;
	s24 =	sld [smem:$0x3FFE];
	[sflag:s6] =	ssyncadd.remote.s32 @!p0 $0x1  }
0xba: {  	s26 =	simm.s32 $execute0_lowered;
	[smem:$0x3FD2] =	sst s25  }
0xbb: {  	s7 =	sshll.u32 s26, $0x1;
	_ =	strace $0x8000004F;
	[dreg:$0x1] =	wrdreg $0xFFFFFFFF  }
0xbc: {  	s28 =	simm.s32 $_size_execute0_lowered;
	s5 =	sadd.s32 s5, s7;
	[dreg:$0x0] =	wrdreg $0x0  }
0xbd: {  	s7 =	sshll.u32 s28, $0x1;
	[dreg:$0x2] =	wrdreg s5  }
0xbe: {  	[dreg:$0x3] =	wrdreg s7  }
0xbf: {  	[dreg:$0x4] =	wrdreg $0xC0  }
0xc0: {  	_ =	task [dreg:s22], $0x5FFFF  }
0xc1: {  	[dreg:$0x1] =	wrdreg $0xFFFFFFFF  }
0xc2: {  	[dreg:$0x0] =	wrdreg $0x60  }
0xc3: {  	[dreg:$0x2] =	wrdreg s24  }
0xc4: {  	[dreg:$0x3] =	wrdreg s18  }
0xc5: {  	[dreg:$0x4] =	wrdreg s17  }
0xc6: {  	[dreg:$0x5] =	wrdreg $0x68000  }
0xc7: {  	[dreg:$0x6] =	wrdreg $0x9  }
0xc8: {  	_ =	task.clear_ibuf [dreg:s22], $0x7FFFF;
	_ =	strace $0x9000004F  }
0xc9: {  	s29 =	simm.s32 $0x9;
	_ =	strace $0x80000051  }
0xca: {  	_ =	swait.ge [sflag:s29], $0x1  }
0xcb: {  	[sflag:s29] =	ssyncadd.s32 $0xFFFFFFFF  }
0xcc: {  	_ =	strace $0x90000051  }
0xcd: {  	_ =	sfence  }
0xce: {  	s30 =	sld [smem:$0x0];
	_ =	sdelay $0x2  }
0xcf: {  	s31 =	sshll.u32 s1, $0xD;
	s1 =	sshrl.u32 s1, $0x2  }
0xd0: {  	s4 =	sand.u32 $0x4000, s31;
	s1 =	sadd.s32 s1, s30  }
0xd1: {  	s0 =	sor.u32 s4, s0;
	s1 =	sshll.u32 s1, $0x11  }
0xd2: {  	s0 =	sor.u32 s1, s0  }
0xd3: {  	s0 =	sadd.s32 $0x8F2B, s0  }
0xd4: {  	[sflag:s0] =	ssyncadd.remote.s32 $0x1  }
0xd5: {  	_ =	sfence.sel $0xFFFF  }
0xd6: {  	[dreg:$0x0] =	wrdreg $0xFFFFFFFF;
	(pc) =	sbr.abs _section_cstart, $3  }
0xd7: {  	[dreg:$0x1] =	wrdreg $0xFFFFFFFF  }
0xd8: {  	_ =	task.clear_ibuf [dreg:s22], $0x2FFFF;
	_ =	strace $0x9FFFFFFF  }
0xd9: {  	(tm) =	ssettm $0x7FFFFFFF  }
tec
execute0_lowered:
.L_overlay_start_1:
0x0: {  	(tag) =	ssettag $0x1  }
0x1: {  	s5 =	rddreg [dreg:$0x0]  }
0x2: {  	s6 =	rddreg [dreg:$0x1]  }
0x3: {  	s1 =	rddreg [dreg:$0x2]  }
0x4: {  	s2 =	rddreg [dreg:$0x3];
	s12 =	stileid.u32  }
0x5: {  	s0 =	rddreg [dreg:$0x4];
	s3 =	simm.s32 $0x0;
	s7 =	srdreg.scid  }
0x6: {  	s17 =	simm.s32 $0x0;
	s4 =	smul.u32 $0x27100, s12;
	[smem:$0x7FF] =	sst s3  }
0x7: {  	s11 =	sand.u32 $0x1, s7;
	p1 =	seq.s32 s12, $0x0;
	s31 =	sshll.u32 s12, $0xB  }
0x8: {  	_ =	strace $0x80000050;
	s7 =	ssub.s32 $0x2, s11;
	p0 =	seq.s32 s11, $0x1  }
0x9: {  	s6 =	sadd.s32 s6, s31;
	s13 =	sor.u32 s11, s12;
	p4 =	sne.s32 s11, $0x0  }
0xa: {  	s11 =	simm.s32 $0x1;
	s9 =	sadd.s32 s4, s5;
	s4 =	sadd.s32 $0xEF4800, s5  }
0xb: {  	s5 =	sadd.s32 $0xE800, s5;
	s8 =	sshrl.u32 s7, $0x1;
	p1 =	por !p1, !p0  }
.Ltmp0:
0xc: {  	p3 =	sne.s32 s13, $0x0;
	s13 =	simm.s32 $0x50;
	(pc) =	sbr.rel .LBB2_1-.Ltmp0, $4  }
0xd: {  	s7 =	ssub.s32 s7, s8;
	p2 =	por !p1, !p1;
	s8 =	sadd.s32 $0x27F800, s9  }
0xe: {  	p1 =	sne.s32 s12, $0x0;
	s9 =	sadd.s32 $0xA12800, s9;
	s14 =	sshll.u32 @!p3 s12, $0x6  }
0xf: {  	s12 =	simm.s32 $0x4000;
	s15 =	sshrl.u32 @!p3 s2, $0x3;
	s7 =	smax.u32 s7, $0x1  }
0x10: {  	s10 =	sshrl.u32 @!p1 s2, $0x3;
	s14 =	sor.u32 @!p3 $0x1C01, s14;
	s16 =	sshrl.u32 @p2 s2, $0x3  }
.LBB2_8:
0x11: {  	[sflag:s11] =	ssyncadd.s32 $0xFFFFD800  }
.LBB2_9:
0x12: {  	[bflag:$0x0] =	sbarrier.arrive $0xFFFF;
	s18 =	simm.s32 @!p3 $0x1  }
0x13: {  	[hbm:s1], [sflag:s14] =	dma.local @!p3 [spmem:s15], $0x27100  }
0x14: {  	_ =	swait.ge @!p3 [sflag:s18], $0x27100  }
0x15: {  	s17 =	sadd.s32 $0x1, s17;
	[sflag:s18] =	ssyncset.done @!p3 $0x0  }
0x16: {  	p5 =	sne.s32 s17, s7;
	[sflag:s18] =	ssyncadd.s32 @!p3 $0xFFFD8F00;
	s18 =	simm.s32 @p2 $0x1C01  }
0x17: {  	[hbm:s5], [sflag:s18] =	dma.local @p2 [spmem:s16], $0x27100  }
.Ltmp1:
0x18: {  	_ = 	snop;
	(pc) =	sbr.rel @!p5 .LBB2_10-.Ltmp1, $4  }
0x19: {  	s18 =	simm.s32 @p2 $0x1  }
0x1a: {  	_ =	swait.ge @p2 [sflag:s18], $0x27100  }
0x1b: {  	[sflag:s18] =	ssyncset.done @p2 $0x0  }
0x1c: {  	[sflag:s18] =	ssyncadd.s32 @p2 $0xFFFD8F00  }
.LBB2_1:
0x1d: {  	s18 =	simm.s32 @!p1 $0x1C01  }
0x1e: {  	[spmem:s10], [sflag:s18] =	dma.local @!p1 [hbm:s4], $0x27100  }
0x1f: {  	s18 =	simm.s32 @!p1 $0x1  }
0x20: {  	_ =	swait.ge @!p1 [sflag:s18], $0x27100  }
0x21: {  	[sflag:s18] =	ssyncset.done @!p1 $0x0  }
0x22: {  	[sflag:s18] =	ssyncadd.s32 @!p1 $0xFFFD8F00  }
0x23: {  	[tilespmem:s3], [sflag:$0x1] =	stream.linear.gather [hbm4b:s6+s3], $0x3E80, $0x38;
	[tilespmem:$0x1A080] =	vst v63  }
.Ltmp2:
0x24: {  	_ =	swait.ge [sflag:s11], $0x3E80;
	(pc) =	sbr.rel @p4 .LBB2_5-.Ltmp2, $3  }
0x25: {  	[sflag:s11] =	ssyncset.done $0x0  }
0x26: {  	[sflag:s11] =	ssyncadd.s32 $0xFFFFC180  }
0x27: {  	[bflag:$0x0] =	sbarrier.arrive $0xFFFF;
	_ =	sdelay $0x1  }
0x28: {  	[tilespmem:s12], [sflag:$0x1] =	stream.linear.gather [hbm4b:s8+s3], $0x2800, $0x38;
	[tilespmem:$0x1A080] =	vst v63  }
0x29: {  	_ =	swait.ge [sflag:s11], $0x2800  }
0x2a: {  	[sflag:s11] =	ssyncset.done $0x0  }
0x2b: {  	s18 =	simm.s32 $0x0;
	[sflag:s11] =	ssyncadd.s32 $0xFFFFD800  }
0x2c: {  	[spmem:s2] =	stream.indirect.scatter.add.f32 [tilespmem:s12], [sflag:$0x1], $0x80, s18, s13, $0xb8;
	[tilespmem:$0x1A080] =	vst v63  }
0x2d: {  	_ =	swait.ge [sflag:s11], $0x2800  }
0x2e: {  	s19 =	smov.u32 s8;
	s18 =	simm.s32 $0x200;
	[sflag:s11] =	ssyncset.done $0x0  }
.LBB2_3:
0x2f: {  	p5 =	sne.s32 s18, $0xF800;
	[sflag:s11] =	ssyncadd.s32 $0xFFFFD800;
	s19 =	sadd.s32 $0x500, s19  }
0x30: {  	[tilespmem:s12], [sflag:$0x1] =	stream.linear.gather [hbm4b:s19+s3], $0x2800, $0x38;
	[tilespmem:$0x1A080] =	vst v63  }
0x31: {  	s20 =	smov.u32 s18;
	s18 =	sadd.s32 $0x200, s18;
	_ =	swait.ge [sflag:s11], $0x2800  }
.Ltmp3:
0x32: {  	[sflag:s11] =	ssyncset.done $0x0;
	(pc) =	sbr.rel @p5 .LBB2_3-.Ltmp3, $4  }
0x33: {  	s20 =	sshra.s32 s20, $0x2;
	[sflag:s11] =	ssyncadd.s32 $0xFFFFD800  }
0x34: {  	[spmem:s2] =	stream.indirect.scatter.add.f32 [tilespmem:s12], [sflag:$0x1], $0x80, s20, s13, $0xb8;
	[tilespmem:$0x1A080] =	vst v63  }
0x35: {  	_ =	swait.ge [sflag:s11], $0x2800  }
0x36: {  	[sflag:s11] =	ssyncset.done $0x0  }
0x37: {  	[sflag:s11] =	ssyncadd.s32 $0xFFFFD800  }
.LBB2_5:
.Ltmp4:
0x38: {  	(pc) =	sbr.rel @!p0 .LBB2_9-.Ltmp4, $1  }
0x39: {  	_ =	sdelay $0x3  }
0x3a: {  	[tilespmem:s12], [sflag:$0x1] =	stream.linear.gather [hbm4b:s9+s3], $0x2800, $0x38;
	[tilespmem:$0x1A080] =	vst v63  }
0x3b: {  	_ =	swait.ge [sflag:s11], $0x2800  }
0x3c: {  	[sflag:s11] =	ssyncset.done $0x0  }
0x3d: {  	s18 =	simm.s32 $0x0;
	[sflag:s11] =	ssyncadd.s32 $0xFFFFD800  }
0x3e: {  	[spmem:s2] =	stream.indirect.scatter.add.f32 [tilespmem:s12], [sflag:$0x1], $0x80, s18, s13, $0xb8;
	[tilespmem:$0x1A080] =	vst v63  }
0x3f: {  	_ =	swait.ge [sflag:s11], $0x2800  }
0x40: {  	s19 =	smov.u32 s9;
	s18 =	simm.s32 $0x200;
	[sflag:s11] =	ssyncset.done $0x0  }
.LBB2_7:
0x41: {  	p5 =	sne.s32 s18, $0xF800;
	[sflag:s11] =	ssyncadd.s32 $0xFFFFD800;
	s19 =	sadd.s32 $0x500, s19  }
0x42: {  	[tilespmem:s12], [sflag:$0x1] =	stream.linear.gather [hbm4b:s19+s3], $0x2800, $0x38;
	[tilespmem:$0x1A080] =	vst v63  }
0x43: {  	s20 =	smov.u32 s18;
	s18 =	sadd.s32 $0x200, s18;
	_ =	swait.ge [sflag:s11], $0x2800  }
.Ltmp5:
0x44: {  	[sflag:s11] =	ssyncset.done $0x0;
	(pc) =	sbr.rel @p5 .LBB2_7-.Ltmp5, $4  }
0x45: {  	s20 =	sshra.s32 s20, $0x2;
	[sflag:s11] =	ssyncadd.s32 $0xFFFFD800  }
0x46: {  	[spmem:s2] =	stream.indirect.scatter.add.f32 [tilespmem:s12], [sflag:$0x1], $0x80, s20, s13, $0xb8;
	[tilespmem:$0x1A080] =	vst v63  }
0x47: {  	_ =	swait.ge [sflag:s11], $0x2800  }
0x48: {  	[sflag:s11] =	ssyncset.done $0x0  }
.Ltmp6:
0x49: {  	_ = 	snop;
	(pc) =	sbr.rel .LBB2_8-.Ltmp6, $1  }
0x4a: {  	_ =	sdelay $0x3  }
.LBB2_10:
0x4b: {  	_ =	sfence.sel $0x180000  }
0x4c: {  	[bflag:$0x0] =	sbarrier.arrive $0xFFFF  }
0x4d: {  	_ =	strace $0x90000050  }
0x4e: {  	s0 =	sadd.s32 @!p1 $0x100000, s0;
	[bflag:$0x2] =	sbarrier.arrive $0xFFFF  }
0x4f: {  	[sflag:s0] =	ssyncadd.tile.s32 @!p1 $0x1;
	_ =	shalt  }
.Lfunc_end2:
_tile_overlayer_lowered:
.L_overlay_start_2:
0x50: {  	(tag) =	ssettag $0x2  }
0x51: {  	s0 =	rddreg [dreg:$0x0];
	s2 =	stileid.u32  }
0x52: {  	s1 =	rddreg [dreg:$0x1];
	p0 =	sne.s32 s2, $0x0  }
0x53: {  	s3 =	rddreg [dreg:$0x2];
	[bflag:$0x3] =	sbarrier.arrive $0xFFFF;
	s2 =	simm.s32 @!p0 $0x1C01  }
0x54: {  	[timem:s3], [sflag:s2] =	dma.local @!p0 [hbm:s0], s1  }
0x55: {  	s0 =	simm.s32 @!p0 $0x1  }
0x56: {  	_ =	swait.ge @!p0 [sflag:s0], s1  }
0x57: {  	s1 =	ssub.s32 @!p0 $0x0, s1;
	[sflag:s0] =	ssyncset.done @!p0 $0x0  }
0x58: {  	[sflag:s0] =	ssyncadd.s32 @!p0 s1  }
0x59: {  	[bflag:$0x3] =	sbarrier.arrive $0xFFFF  }
0x5a: {  	_ =	shalt  }

// kernel: kernel.15.cloned.1.call-start
scs
__scs_entry_jumppad:
0x0: {  	(pc) =	sbr.rel $0x88, $3  }
0x1: {  	(tag) =	ssettag $0x0;
	lr =	simm.s32 $0x1  }
0x2: {  	[smem:$0x3F81] =	sst lr;
	_ =	strace $0xD0000000  }
0x3: {  	_ = 	snop  }
0x4: {  	_ = 	snop  }
0x5: {  	_ = 	snop  }
0x6: {  	_ = 	snop  }
0x7: {  	_ = 	snop  }
__scs_overlays_trampoline_lowered:
0x8: {  	[smem:$0x3F90] =	sst s0  }
0x9: {  	[smem:$0x3F91] =	sst s1  }
0xa: {  	[smem:$0x3F92] =	sst s2  }
0xb: {  	[smem:$0x3F93] =	sst s3  }
0xc: {  	[smem:$0x3F94] =	sst s4  }
0xd: {  	[smem:$0x3F95] =	sst s5  }
0xe: {  	[smem:$0x3F96] =	sst s6  }
0xf: {  	[smem:$0x3F97] =	sst s7  }
0x10: {  	[smem:$0x3F98] =	sst s8  }
0x11: {  	[smem:$0x3F99] =	sst s9;
	s0 =	simm.s32 @!p0 $0x0  }
0x12: {  	s1 =	sld [smem:$0x3F7F];
	s0 =	simm.s32 @p0 $0x1  }
0x13: {  	[smem:$0x3F9A] =	sst s0;
	s0 =	simm.s32 @!p1 $0x0  }
0x14: {  	s2 =	sld [smem:$0x3F7E];
	s0 =	simm.s32 @p1 $0x1  }
0x15: {  	[smem:$0x3F9B] =	sst s0;
	s0 =	simm.s32 @!p2 $0x0  }
0x16: {  	s3 =	sld [smem:$0x3FDB];
	s0 =	simm.s32 @p2 $0x1  }
0x17: {  	s4 =	simm.s32 $0x1BF5;
	[smem:$0x3F9D] =	sst s0  }
0x18: {  	s0 =	sld [smem:$0x3F80];
	_ =	swait.ge [sflag:s4], $0x0  }
0x19: {  	s7 =	sld [smem:$0x3F81]  }
0x1a: {  	s8 =	sadd.s32 $0xFFFFE003, lr  }
0x1b: {  	s9 =	sadd.s32 $0xFFFFFEF7, lr;
	s5 =	simm.s32 $0xFFFFFFFF;
	p2 =	slt.u32 s8, $0xFFFFF086  }
0x1c: {  	p1 =	slt.u32 s9, $0xF7A;
	s5 =	simm.s32 @!p2 $0x0  }
0x1d: {  	s5 =	simm.s32 @p1 $0x1;
	p0 =	seq.s32 s7, s2  }
0x1e: {  	s7 =	smul.u32 @!p0 $0xF7A, s2;
	p2 =	seq.s32 @!p0 s5, $0x0  }
0x1f: {  	s9 =	smul.u32 $0xF7A, s1;
	s8 =	simm.s32 @!p0 $0x1BF5;
	p2 =	por !p2, p0  }
0x20: {  	[sflag:s8] =	ssyncset.s32 @!p0 $0xFFFFF086;
	s6 =	sadd.s32 @!p0 s3, s7;
	s7 =	simm.s32 @!p0 $0x108  }
0x21: {  	s3 =	sadd.s32 s3, s9;
	s6 =	sadd.s32 @!p0 $0x88, s6;
	s7 =	simm.s32 @p2 $0x1082  }
0x22: {  	[simem:s7], [sflag:s8] =	dma.local @!p0 [hbm:s6], $0xF7A  }
0x23: {  	s9 =	sor.u32 $0xD0000000, s2;
	s6 =	simm.s32 $0x108;
	_ =	swait.ge @!p0 [sflag:s8], $0x0  }
0x24: {  	s3 =	sadd.s32 $0x88, s3;
	s6 =	simm.s32 @!p1 $0x1082;
	[sflag:s4] =	ssyncset.s32 $0xFFFFF086  }
0x25: {  	[simem:s6], [sflag:s4] =	dma.local [hbm:s3], $0xF7A  }
0x26: {  	[smem:$0x3F81] =	sst s1;
	(tag) =	ssettag s2;
	_ =	strace s9  }
0x27: {  	s1 =	sld [smem:$0x3F91]  }
0x28: {  	s2 =	sld [smem:$0x3F92]  }
0x29: {  	s4 =	sld [smem:$0x3F94]  }
0x2a: {  	p0 =	seq.s32 s5, $0x0;
	s5 =	sld [smem:$0x3F95]  }
0x2b: {  	s6 =	sld [smem:$0x3F96]  }
0x2c: {  	s7 =	sld [smem:$0x3F97]  }
0x2d: {  	s3 =	simm.s32 $0x108;
	s8 =	sld [smem:$0x3F98]  }
0x2e: {  	s3 =	simm.s32 @!p0 $0x1082;
	s9 =	sld [smem:$0x3F99]  }
0x2f: {  	lr =	sadd.s32 s0, s3;
	s0 =	sld [smem:$0x3F90]  }
0x30: {  	s3 =	sld [smem:$0x3F93]  }
0x31: {  	[smem:$0x3F9C] =	sst s10  }
0x32: {  	s10 =	sld [smem:$0x3F9A];
	_ =	sdelay $0x3  }
0x33: {  	p0 =	seq.s32 s10, $0x1;
	s10 =	sld [smem:$0x3F9C];
	_ =	sdelay $0x3  }
0x34: {  	[smem:$0x3F9C] =	sst s10  }
0x35: {  	s10 =	sld [smem:$0x3F9B];
	_ =	sdelay $0x3  }
0x36: {  	p1 =	seq.s32 s10, $0x1;
	s10 =	sld [smem:$0x3F9C];
	_ =	sdelay $0x3  }
0x37: {  	[smem:$0x3F9C] =	sst s10  }
0x38: {  	s10 =	sld [smem:$0x3F9D]  }
0x39: {  	_ = 	snop;
	(pc) =	sbr.ind lr, $3  }
0x3a: {  	_ = 	snop  }
0x3b: {  	_ = 	snop  }
0x3c: {  	p2 =	seq.s32 s10, $0x1;
	s10 =	sld [smem:$0x3F9C]  }
0x3d: {  	_ =	shalt  }
0x3e: {  	_ =	shalt  }
0x3f: {  	_ =	shalt  }
0x40: {  	_ =	shalt  }
0x41: {  	_ =	shalt  }
0x42: {  	_ =	shalt  }
0x43: {  	_ =	shalt  }
0x44: {  	_ =	shalt  }
0x45: {  	_ =	shalt  }
0x46: {  	_ =	shalt  }
0x47: {  	_ =	shalt  }
0x48: {  	_ =	shalt  }
0x49: {  	_ =	shalt  }
0x4a: {  	_ =	shalt  }
0x4b: {  	_ =	shalt  }
0x4c: {  	_ =	shalt  }
0x4d: {  	_ =	shalt  }
0x4e: {  	_ =	shalt  }
0x4f: {  	_ =	shalt  }
0x50: {  	_ =	shalt  }
0x51: {  	_ =	shalt  }
0x52: {  	_ =	shalt  }
0x53: {  	_ =	shalt  }
0x54: {  	_ =	shalt  }
0x55: {  	_ =	shalt  }
0x56: {  	_ =	shalt  }
0x57: {  	_ =	shalt  }
0x58: {  	_ =	shalt  }
0x59: {  	_ =	shalt  }
0x5a: {  	_ =	shalt  }
0x5b: {  	_ =	shalt  }
0x5c: {  	_ =	shalt  }
0x5d: {  	_ =	shalt  }
0x5e: {  	_ =	shalt  }
0x5f: {  	_ =	shalt  }
0x60: {  	_ =	shalt  }
0x61: {  	_ =	shalt  }
0x62: {  	_ =	shalt  }
0x63: {  	_ =	shalt  }
0x64: {  	_ =	shalt  }
0x65: {  	_ =	shalt  }
0x66: {  	_ =	shalt  }
0x67: {  	_ =	shalt  }
0x68: {  	_ =	shalt  }
0x69: {  	_ =	shalt  }
0x6a: {  	_ =	shalt  }
0x6b: {  	_ =	shalt  }
0x6c: {  	_ =	shalt  }
0x6d: {  	_ =	shalt  }
0x6e: {  	_ =	shalt  }
0x6f: {  	_ =	shalt  }
0x70: {  	_ =	shalt  }
0x71: {  	_ =	shalt  }
0x72: {  	_ =	shalt  }
0x73: {  	_ =	shalt  }
0x74: {  	_ =	shalt  }
0x75: {  	_ =	shalt  }
0x76: {  	_ =	shalt  }
0x77: {  	_ =	shalt  }
0x78: {  	_ =	shalt  }
0x79: {  	_ =	shalt  }
0x7a: {  	_ =	shalt  }
0x7b: {  	_ =	shalt  }
0x7c: {  	_ =	shalt  }
0x7d: {  	_ =	shalt  }
0x7e: {  	_ =	shalt  }
0x7f: {  	_ =	shalt  }
0x80: {  	_ =	shalt  }
0x81: {  	_ =	shalt  }
0x82: {  	_ =	shalt  }
0x83: {  	_ =	shalt  }
0x84: {  	_ =	shalt  }
0x85: {  	_ =	shalt  }
0x86: {  	_ =	shalt  }
0x87: {  	_ =	shalt  }
.Lfunc_end0:
.L_simem_size_0:
called_computation.2_lowered:
.L_overlay_start_0:
0x88: {  	s2 =	sld [smem:$0x3FD9]  }
0x89: {  	s3 =	sld [smem:$0x3FFE];
	_ =	sdelay $0x1  }
0x8a: {  	s1 =	srdreg.scid  }
0x8b: {  	s0 =	sand.u32 $0x1, s1  }
0x8c: {  	s14 =	sshll.u32 s0, $0xA;
	s2 =	sadd.s32 s3, s2  }
0x8d: {  	s2 =	sadd.s32 s2, s14  }
0x8e: {  	[smem:$0x3FA8] =	sst s2  }
0x8f: {  	_ = 	snop  }
0x90: {  	s2 =	sld [smem:$0x3FD0];
	_ =	sdelay $0x2  }
0x91: {  	s15 =	simm.s32 $0xB;
	s4 =	simm.s32 $0x10  }
0x92: {  	[smem:s4], [sflag:s15] =	dma.local [hbm:s2], $0x1  }
0x93: {  	_ =	swait.eq [sflag:s15], $0x1  }
0x94: {  	[sflag:s15] =	ssyncset.done $0x0  }
0x95: {  	[sflag:s15] =	ssyncadd.s32 $0xFFFFFFFF  }
0x96: {  	s16 =	sld [smem:$0x10];
	(tm) =	ssettm $0x1  }
0x97: {  	s17 =	sld [smem:$0x3FFB];
	_ =	sdelay $0x3  }
0x98: {  	_ =	strace s17  }
0x99: {  	s3 =	sld [smem:$0x3FFC];
	_ =	sdelay $0x3  }
0x9a: {  	_ =	strace s3  }
0x9b: {  	s3 =	sld [smem:$0x3FFD];
	_ =	sdelay $0x3  }
0x9c: {  	_ =	strace s3  }
0x9d: {  	_ =	strace $0x8FFFFFFF  }
0x9e: {  	s18 =	sld [smem:$0x3FDB];
	_ =	sdelay $0x1  }
0x9f: {  	s19 =	simm.s32 $_scs_section_size  }
0xa0: {  	s5 =	simm.s32 $_size__tile_overlayer_lowered;
	s6 =	simm.s32 $_tile_overlayer_lowered  }
0xa1: {  	s22 =	simm.s32 $0x1BFF;
	s21 =	sshll.u32 s6, $0x1;
	s3 =	sadd.s32 s19, s18  }
0xa2: {  	s7 =	simm.s32 $0x0;
	s20 =	sshll.u32 s5, $0x1;
	s5 =	sadd.s32 s21, s3  }
0xa3: {  	[timem:s7], [sflag:s22] =	dma.local [hbm:s5], s20  }
0xa4: {  	_ =	swait.ge [sflag:s22], s20  }
0xa5: {  	s4 =	ssub.s32 $0x0, s20;
	[sflag:s22] =	ssyncset.done $0x0  }
0xa6: {  	[sflag:s22] =	ssyncadd.s32 s4;
	_ =	sdelay $0x1  }
0xa7: {  	s23 =	simm.s32 $0x1B8B  }
0xa8: {  	_ =	swait.ge [sflag:s23], $0x1  }
0xa9: {  	[sflag:s23] =	ssyncset.done $0x0  }
0xaa: {  	s25 =	simm.s32 $0x1B8E;
	s24 =	sld [smem:$0x3FFE];
	[sflag:s23] =	ssyncadd.s32 $0xFFFFFFFF  }
0xab: {  	s26 =	simm.s32 $execute0_lowered;
	[smem:$0x3FD2] =	sst s25  }
0xac: {  	s5 =	sshll.u32 s26, $0x1;
	_ =	strace $0x80000046;
	[dreg:$0x1] =	wrdreg $0xFFFFFFFF  }
0xad: {  	s28 =	simm.s32 $_size_execute0_lowered;
	s3 =	sadd.s32 s3, s5;
	[dreg:$0x0] =	wrdreg $0x0  }
0xae: {  	s5 =	sshll.u32 s28, $0x1;
	[dreg:$0x2] =	wrdreg s3  }
0xaf: {  	[dreg:$0x3] =	wrdreg s5  }
0xb0: {  	[dreg:$0x4] =	wrdreg $0xC0  }
0xb1: {  	_ =	task [dreg:s7], $0x5FFFF  }
0xb2: {  	[dreg:$0x1] =	wrdreg $0xFFFFFFFF  }
0xb3: {  	[dreg:$0x0] =	wrdreg $0x60  }
0xb4: {  	[dreg:$0x2] =	wrdreg s16  }
0xb5: {  	[dreg:$0x3] =	wrdreg s24  }
0xb6: {  	[dreg:$0x4] =	wrdreg $0xA  }
0xb7: {  	_ =	task.clear_ibuf [dreg:s7], $0x5FFFF;
	_ =	strace $0x90000046  }
0xb8: {  	s29 =	simm.s32 $0xA;
	_ =	strace $0x80000048  }
0xb9: {  	_ =	swait.ge [sflag:s29], $0x1  }
0xba: {  	[sflag:s29] =	ssyncadd.s32 $0xFFFFFFFF  }
0xbb: {  	_ =	strace $0x90000048  }
0xbc: {  	_ =	sfence  }
0xbd: {  	s30 =	sld [smem:$0x0];
	_ =	sdelay $0x2  }
0xbe: {  	s31 =	sshll.u32 s1, $0xD;
	s1 =	sshrl.u32 s1, $0x2  }
0xbf: {  	s3 =	sand.u32 $0x4000, s31;
	s1 =	sadd.s32 s1, s30  }
0xc0: {  	s0 =	sor.u32 s3, s0;
	s1 =	sshll.u32 s1, $0x11  }
0xc1: {  	s0 =	sor.u32 s1, s0  }
0xc2: {  	s0 =	sadd.s32 $0x8F2B, s0  }
0xc3: {  	[sflag:s0] =	ssyncadd.remote.s32 $0x1  }
0xc4: {  	_ =	sfence.sel $0xFFFF  }
0xc5: {  	[dreg:$0x0] =	wrdreg $0xFFFFFFFF;
	(pc) =	sbr.abs _section_cstart, $3  }
0xc6: {  	[dreg:$0x1] =	wrdreg $0xFFFFFFFF  }
0xc7: {  	_ =	task.clear_ibuf [dreg:s7], $0x2FFFF;
	_ =	strace $0x9FFFFFFF  }
0xc8: {  	(tm) =	ssettm $0x7FFFFFFF  }
0xc9: {  	_ =	shalt  }
tec
execute0_lowered:
.L_overlay_start_1:
0x0: {  	(tag) =	ssettag $0x1  }
0x1: {  	s1 =	rddreg [dreg:$0x0]  }
0x2: {  	s4 =	rddreg [dreg:$0x1]  }
0x3: {  	s0 =	rddreg [dreg:$0x2]  }
0x4: {  	s3 =	simm.s32 $0x0;
	s5 =	srdreg.scid;
	s2 =	stileid.u32  }
0x5: {  	s9 =	simm.s32 $0x3;
	s10 =	simm.s32 $0x4000;
	s11 =	simm.s32 $0x28  }
0x6: {  	s12 =	simm.s32 $0x8000;
	s13 =	simm.s32 $0x9400;
	s14 =	simm.s32 $0x1  }
0x7: {  	s15 =	simm.s32 $0x2;
	s16 =	simm.s32 $0x0;
	[smem:$0x7FF] =	sst s3  }
0x8: {  	s5 =	sand.u32 $0x1, s5;
	s6 =	sshll.u32 s2, $0xC;
	s8 =	smul.u32 $0x27100, s2  }
0x9: {  	_ =	strace $0x80000047;
	s7 =	sshll.u32 s5, $0xB;
	s30 =	ssub.s32 $0x2, s5  }
0xa: {  	s5 =	smul.u32 $0x13880, s5;
	s6 =	sor.u32 s7, s6;
	s31 =	sshrl.u32 s30, $0x1  }
0xb: {  	s8 =	sadd.s32 s8, s4;
	s6 =	sadd.s32 s6, s4;
	s7 =	ssub.s32 s30, s31  }
0xc: {  	s8 =	sadd.s32 s5, s8;
	s4 =	sadd.s32 $0xE800, s6;
	s5 =	sadd.s32 $0x1E800, s6  }
0xd: {  	s6 =	smax.u32 s7, $0x1;
	s7 =	sadd.s32 $0x2E800, s8;
	s8 =	sadd.s32 $0x29F800, s8  }
.LBB2_1:
0xe: {  	[tilespmem:s3], [sflag:$0x3] =	stream.linear.gather [hbm4b:s4+s3], $0x3E80, $0x38;
	[tilespmem:$0xA800] =	vst v63  }
0xf: {  	_ =	swait.ge [sflag:s9], $0x3E80  }
0x10: {  	[sflag:s9] =	ssyncset.done $0x0  }
0x11: {  	[sflag:s9] =	ssyncadd.s32 $0xFFFFC180  }
0x12: {  	[tilespmem:s10], [sflag:$0x3] =	stream.linear.gather [hbm4b:s5+s3], $0x3E80, $0x38;
	[tilespmem:$0xA800] =	vst v63  }
0x13: {  	_ =	swait.ge [sflag:s9], $0x3E80  }
0x14: {  	[sflag:s9] =	ssyncset.done $0x0  }
0x15: {  	s17 =	simm.s32 $0x0;
	[sflag:s9] =	ssyncadd.s32 $0xFFFFC180  }
0x16: {  	[tilespmem:s12], [sflag:$0x1] =	stream.indirect.gather [hbm4b:s1+s11], $0x80, s17, s11, $0xb8;
	[tilespmem:$0xA800] =	vst v63  }
0x17: {  	s31 =	simm.s32 $0x4000  }
0x18: {  	[tilespmem:s13], [sflag:$0x2] =	stream.indirect.gather [hbm4b:s1+s11], $0x80, s31, s11, $0xb8;
	[tilespmem:$0xA800] =	vst v63  }
0x19: {  	_ =	swait.ge [sflag:s14], $0x1400  }
0x1a: {  	[sflag:s14] =	ssyncset.done $0x0  }
0x1b: {  	[sflag:s14] =	ssyncadd.s32 $0xFFFFEC00  }
0x1c: {  	_ =	swait.ge [sflag:s15], $0x1400  }
0x1d: {  	[sflag:s15] =	ssyncset.done $0x0  }
0x1e: {  	[sflag:s15] =	ssyncadd.s32 $0xFFFFEC00  }
0x1f: {  	[hbm4b:s7+s3] =	stream.linear.scatter [tilespmem:s12], [sflag:$0x3], $0x1400, $0x38;
	[tilespmem:$0xA800] =	vst v63  }
0x20: {  	_ =	swait.ge [sflag:s9], $0x1400  }
0x21: {  	[sflag:s9] =	ssyncset.done $0x0  }
0x22: {  	[sflag:s9] =	ssyncadd.s32 $0xFFFFEC00  }
0x23: {  	[hbm4b:s8+s3] =	stream.linear.scatter [tilespmem:s13], [sflag:$0x3], $0x1400, $0x38;
	[tilespmem:$0xA800] =	vst v63  }
0x24: {  	s19 =	simm.s32 $0x200;
	s20 =	simm.s32 $0x400;
	_ =	swait.ge [sflag:s9], $0x1400  }
0x25: {  	s18 =	sadd.s32 $0x280, s7;
	s17 =	sadd.s32 $0x280, s8;
	[sflag:s9] =	ssyncset.done $0x0  }
.LBB2_2:
0x26: {  	s21 =	sshra.s32 s19, $0x2  }
0x27: {  	[sflag:s9] =	ssyncadd.s32 $0xFFFFEC00;
	s19 =	smov.u32 s20;
	s22 =	sadd.s32 $0x200, s20  }
0x28: {  	[tilespmem:s12], [sflag:$0x1] =	stream.indirect.gather [hbm4b:s1+s11], $0x80, s21, s11, $0xb8;
	[tilespmem:$0xA800] =	vst v63  }
0x29: {  	p0 =	sne.s32 s20, $0xF800;
	s20 =	sadd.s32 $0x4000, s21  }
0x2a: {  	[tilespmem:s13], [sflag:$0x2] =	stream.indirect.gather [hbm4b:s1+s11], $0x80, s20, s11, $0xb8;
	[tilespmem:$0xA800] =	vst v63  }
0x2b: {  	_ =	swait.ge [sflag:s14], $0x1400  }
0x2c: {  	[sflag:s14] =	ssyncset.done $0x0  }
0x2d: {  	[sflag:s14] =	ssyncadd.s32 $0xFFFFEC00  }
0x2e: {  	_ =	swait.ge [sflag:s15], $0x1400  }
0x2f: {  	[sflag:s15] =	ssyncset.done $0x0  }
0x30: {  	[sflag:s15] =	ssyncadd.s32 $0xFFFFEC00  }
0x31: {  	[hbm4b:s18+s3] =	stream.linear.scatter [tilespmem:s12], [sflag:$0x3], $0x1400, $0x38;
	[tilespmem:$0xA800] =	vst v63  }
0x32: {  	_ =	swait.ge [sflag:s9], $0x1400  }
.Ltmp0:
0x33: {  	[sflag:s9] =	ssyncset.done $0x0;
	(pc) =	sbr.rel @p0 .LBB2_2-.Ltmp0, $4  }
0x34: {  	[sflag:s9] =	ssyncadd.s32 $0xFFFFEC00  }
0x35: {  	[hbm4b:s17+s3] =	stream.linear.scatter [tilespmem:s13], [sflag:$0x3], $0x1400, $0x38;
	[tilespmem:$0xA800] =	vst v63  }
0x36: {  	s20 =	smov.u32 s22;
	_ =	swait.ge [sflag:s9], $0x1400  }
0x37: {  	s18 =	sadd.s32 $0x280, s18;
	s17 =	sadd.s32 $0x280, s17;
	[sflag:s9] =	ssyncset.done $0x0  }
0x38: {  	s19 =	sshra.s32 s19, $0x2;
	[sflag:s9] =	ssyncadd.s32 $0xFFFFEC00  }
0x39: {  	[tilespmem:s12], [sflag:$0x1] =	stream.indirect.gather [hbm4b:s1+s11], $0x80, s19, s11, $0xb8;
	[tilespmem:$0xA800] =	vst v63  }
0x3a: {  	s19 =	sadd.s32 $0x4000, s19  }
0x3b: {  	[tilespmem:s13], [sflag:$0x2] =	stream.indirect.gather [hbm4b:s1+s11], $0x80, s19, s11, $0xb8;
	[tilespmem:$0xA800] =	vst v63  }
0x3c: {  	_ =	swait.ge [sflag:s14], $0x1400  }
0x3d: {  	[sflag:s14] =	ssyncset.done $0x0  }
0x3e: {  	[sflag:s14] =	ssyncadd.s32 $0xFFFFEC00  }
0x3f: {  	_ =	swait.ge [sflag:s15], $0x1400  }
0x40: {  	[sflag:s15] =	ssyncset.done $0x0  }
0x41: {  	[sflag:s15] =	ssyncadd.s32 $0xFFFFEC00  }
0x42: {  	[hbm4b:s18+s3] =	stream.linear.scatter [tilespmem:s12], [sflag:$0x3], $0x1400, $0x38;
	[tilespmem:$0xA800] =	vst v63  }
0x43: {  	s16 =	sadd.s32 $0x1, s16;
	_ =	swait.ge [sflag:s9], $0x1400  }
0x44: {  	p0 =	sne.s32 s16, s6;
	[sflag:s9] =	ssyncset.done $0x0  }
.Ltmp1:
0x45: {  	[sflag:s9] =	ssyncadd.s32 $0xFFFFEC00;
	(pc) =	sbr.rel @p0 .LBB2_1-.Ltmp1, $4  }
0x46: {  	[hbm4b:s17+s3] =	stream.linear.scatter [tilespmem:s13], [sflag:$0x3], $0x1400, $0x38;
	[tilespmem:$0xA800] =	vst v63  }
0x47: {  	_ =	swait.ge [sflag:s9], $0x1400  }
0x48: {  	[sflag:s9] =	ssyncset.done $0x0  }
0x49: {  	[sflag:s9] =	ssyncadd.s32 $0xFFFFEC00  }
0x4a: {  	_ =	sfence.sel $0x180000  }
0x4b: {  	[bflag:$0x0] =	sbarrier.arrive $0xFFFF  }
0x4c: {  	p0 =	sne.s32 s2, $0x0;
	_ =	strace $0x90000047  }
0x4d: {  	s0 =	sadd.s32 @!p0 $0x100000, s0;
	[bflag:$0x2] =	sbarrier.arrive $0xFFFF  }
0x4e: {  	[sflag:s0] =	ssyncadd.tile.s32 @!p0 $0x1;
	_ =	shalt  }
.Lfunc_end2:
_tile_overlayer_lowered:
.L_overlay_start_2:
0x4f: {  	(tag) =	ssettag $0x2  }
0x50: {  	s0 =	rddreg [dreg:$0x0];
	s2 =	stileid.u32  }
0x51: {  	s1 =	rddreg [dreg:$0x1];
	p0 =	sne.s32 s2, $0x0  }
0x52: {  	s3 =	rddreg [dreg:$0x2];
	[bflag:$0x3] =	sbarrier.arrive $0xFFFF;
	s2 =	simm.s32 @!p0 $0x1C03  }
0x53: {  	[timem:s3], [sflag:s2] =	dma.local @!p0 [hbm:s0], s1  }
0x54: {  	s0 =	simm.s32 @!p0 $0x3  }
0x55: {  	_ =	swait.ge @!p0 [sflag:s0], s1  }
0x56: {  	s1 =	ssub.s32 @!p0 $0x0, s1;
	[sflag:s0] =	ssyncset.done @!p0 $0x0  }
0x57: {  	[sflag:s0] =	ssyncadd.s32 @!p0 s1  }
0x58: {  	[bflag:$0x3] =	sbarrier.arrive $0xFFFF  }
0x59: {  	_ =	shalt  }

// kernel: kernel.18.cloned.1.call-start
scs
__scs_entry_jumppad:
0x0: {  	(pc) =	sbr.rel $0x88, $3  }
0x1: {  	(tag) =	ssettag $0x0;
	lr =	simm.s32 $0x1  }
0x2: {  	[smem:$0x3F81] =	sst lr;
	_ =	strace $0xD0000000  }
0x3: {  	_ = 	snop  }
0x4: {  	_ = 	snop  }
0x5: {  	_ = 	snop  }
0x6: {  	_ = 	snop  }
0x7: {  	_ = 	snop  }
__scs_overlays_trampoline_lowered:
0x8: {  	[smem:$0x3F90] =	sst s0  }
0x9: {  	[smem:$0x3F91] =	sst s1  }
0xa: {  	[smem:$0x3F92] =	sst s2  }
0xb: {  	[smem:$0x3F93] =	sst s3  }
0xc: {  	[smem:$0x3F94] =	sst s4  }
0xd: {  	[smem:$0x3F95] =	sst s5  }
0xe: {  	[smem:$0x3F96] =	sst s6  }
0xf: {  	[smem:$0x3F97] =	sst s7  }
0x10: {  	[smem:$0x3F98] =	sst s8  }
0x11: {  	[smem:$0x3F99] =	sst s9;
	s0 =	simm.s32 @!p0 $0x0  }
0x12: {  	s1 =	sld [smem:$0x3F7F];
	s0 =	simm.s32 @p0 $0x1  }
0x13: {  	[smem:$0x3F9A] =	sst s0;
	s0 =	simm.s32 @!p1 $0x0  }
0x14: {  	s2 =	sld [smem:$0x3F7E];
	s0 =	simm.s32 @p1 $0x1  }
0x15: {  	[smem:$0x3F9B] =	sst s0;
	s0 =	simm.s32 @!p2 $0x0  }
0x16: {  	s3 =	sld [smem:$0x3FDB];
	s0 =	simm.s32 @p2 $0x1  }
0x17: {  	s4 =	simm.s32 $0x1BF5;
	[smem:$0x3F9D] =	sst s0  }
0x18: {  	s0 =	sld [smem:$0x3F80];
	_ =	swait.ge [sflag:s4], $0x0  }
0x19: {  	s7 =	sld [smem:$0x3F81]  }
0x1a: {  	s8 =	sadd.s32 $0xFFFFE003, lr  }
0x1b: {  	s9 =	sadd.s32 $0xFFFFFEF7, lr;
	s5 =	simm.s32 $0xFFFFFFFF;
	p2 =	slt.u32 s8, $0xFFFFF086  }
0x1c: {  	p1 =	slt.u32 s9, $0xF7A;
	s5 =	simm.s32 @!p2 $0x0  }
0x1d: {  	s5 =	simm.s32 @p1 $0x1;
	p0 =	seq.s32 s7, s2  }
0x1e: {  	s7 =	smul.u32 @!p0 $0xF7A, s2;
	p2 =	seq.s32 @!p0 s5, $0x0  }
0x1f: {  	s9 =	smul.u32 $0xF7A, s1;
	s8 =	simm.s32 @!p0 $0x1BF5;
	p2 =	por !p2, p0  }
0x20: {  	[sflag:s8] =	ssyncset.s32 @!p0 $0xFFFFF086;
	s6 =	sadd.s32 @!p0 s3, s7;
	s7 =	simm.s32 @!p0 $0x108  }
0x21: {  	s3 =	sadd.s32 s3, s9;
	s6 =	sadd.s32 @!p0 $0x88, s6;
	s7 =	simm.s32 @p2 $0x1082  }
0x22: {  	[simem:s7], [sflag:s8] =	dma.local @!p0 [hbm:s6], $0xF7A  }
0x23: {  	s9 =	sor.u32 $0xD0000000, s2;
	s6 =	simm.s32 $0x108;
	_ =	swait.ge @!p0 [sflag:s8], $0x0  }
0x24: {  	s3 =	sadd.s32 $0x88, s3;
	s6 =	simm.s32 @!p1 $0x1082;
	[sflag:s4] =	ssyncset.s32 $0xFFFFF086  }
0x25: {  	[simem:s6], [sflag:s4] =	dma.local [hbm:s3], $0xF7A  }
0x26: {  	[smem:$0x3F81] =	sst s1;
	(tag) =	ssettag s2;
	_ =	strace s9  }
0x27: {  	s1 =	sld [smem:$0x3F91]  }
0x28: {  	s2 =	sld [smem:$0x3F92]  }
0x29: {  	s4 =	sld [smem:$0x3F94]  }
0x2a: {  	p0 =	seq.s32 s5, $0x0;
	s5 =	sld [smem:$0x3F95]  }
0x2b: {  	s6 =	sld [smem:$0x3F96]  }
0x2c: {  	s7 =	sld [smem:$0x3F97]  }
0x2d: {  	s3 =	simm.s32 $0x108;
	s8 =	sld [smem:$0x3F98]  }
0x2e: {  	s3 =	simm.s32 @!p0 $0x1082;
	s9 =	sld [smem:$0x3F99]  }
0x2f: {  	lr =	sadd.s32 s0, s3;
	s0 =	sld [smem:$0x3F90]  }
0x30: {  	s3 =	sld [smem:$0x3F93]  }
0x31: {  	[smem:$0x3F9C] =	sst s10  }
0x32: {  	s10 =	sld [smem:$0x3F9A];
	_ =	sdelay $0x3  }
0x33: {  	p0 =	seq.s32 s10, $0x1;
	s10 =	sld [smem:$0x3F9C];
	_ =	sdelay $0x3  }
0x34: {  	[smem:$0x3F9C] =	sst s10  }
0x35: {  	s10 =	sld [smem:$0x3F9B];
	_ =	sdelay $0x3  }
0x36: {  	p1 =	seq.s32 s10, $0x1;
	s10 =	sld [smem:$0x3F9C];
	_ =	sdelay $0x3  }
0x37: {  	[smem:$0x3F9C] =	sst s10  }
0x38: {  	s10 =	sld [smem:$0x3F9D]  }
0x39: {  	_ = 	snop;
	(pc) =	sbr.ind lr, $3  }
0x3a: {  	_ = 	snop  }
0x3b: {  	_ = 	snop  }
0x3c: {  	p2 =	seq.s32 s10, $0x1;
	s10 =	sld [smem:$0x3F9C]  }
0x3d: {  	_ =	shalt  }
0x3e: {  	_ =	shalt  }
0x3f: {  	_ =	shalt  }
0x40: {  	_ =	shalt  }
0x41: {  	_ =	shalt  }
0x42: {  	_ =	shalt  }
0x43: {  	_ =	shalt  }
0x44: {  	_ =	shalt  }
0x45: {  	_ =	shalt  }
0x46: {  	_ =	shalt  }
0x47: {  	_ =	shalt  }
0x48: {  	_ =	shalt  }
0x49: {  	_ =	shalt  }
0x4a: {  	_ =	shalt  }
0x4b: {  	_ =	shalt  }
0x4c: {  	_ =	shalt  }
0x4d: {  	_ =	shalt  }
0x4e: {  	_ =	shalt  }
0x4f: {  	_ =	shalt  }
0x50: {  	_ =	shalt  }
0x51: {  	_ =	shalt  }
0x52: {  	_ =	shalt  }
0x53: {  	_ =	shalt  }
0x54: {  	_ =	shalt  }
0x55: {  	_ =	shalt  }
0x56: {  	_ =	shalt  }
0x57: {  	_ =	shalt  }
0x58: {  	_ =	shalt  }
0x59: {  	_ =	shalt  }
0x5a: {  	_ =	shalt  }
0x5b: {  	_ =	shalt  }
0x5c: {  	_ =	shalt  }
0x5d: {  	_ =	shalt  }
0x5e: {  	_ =	shalt  }
0x5f: {  	_ =	shalt  }
0x60: {  	_ =	shalt  }
0x61: {  	_ =	shalt  }
0x62: {  	_ =	shalt  }
0x63: {  	_ =	shalt  }
0x64: {  	_ =	shalt  }
0x65: {  	_ =	shalt  }
0x66: {  	_ =	shalt  }
0x67: {  	_ =	shalt  }
0x68: {  	_ =	shalt  }
0x69: {  	_ =	shalt  }
0x6a: {  	_ =	shalt  }
0x6b: {  	_ =	shalt  }
0x6c: {  	_ =	shalt  }
0x6d: {  	_ =	shalt  }
0x6e: {  	_ =	shalt  }
0x6f: {  	_ =	shalt  }
0x70: {  	_ =	shalt  }
0x71: {  	_ =	shalt  }
0x72: {  	_ =	shalt  }
0x73: {  	_ =	shalt  }
0x74: {  	_ =	shalt  }
0x75: {  	_ =	shalt  }
0x76: {  	_ =	shalt  }
0x77: {  	_ =	shalt  }
0x78: {  	_ =	shalt  }
0x79: {  	_ =	shalt  }
0x7a: {  	_ =	shalt  }
0x7b: {  	_ =	shalt  }
0x7c: {  	_ =	shalt  }
0x7d: {  	_ =	shalt  }
0x7e: {  	_ =	shalt  }
0x7f: {  	_ =	shalt  }
0x80: {  	_ =	shalt  }
0x81: {  	_ =	shalt  }
0x82: {  	_ =	shalt  }
0x83: {  	_ =	shalt  }
0x84: {  	_ =	shalt  }
0x85: {  	_ =	shalt  }
0x86: {  	_ =	shalt  }
0x87: {  	_ =	shalt  }
.Lfunc_end0:
.L_simem_size_0:
called_computation.3_lowered:
.L_overlay_start_0:
0x88: {  	s2 =	sld [smem:$0x3FD9]  }
0x89: {  	s3 =	sld [smem:$0x3FFE];
	_ =	sdelay $0x1  }
0x8a: {  	s1 =	srdreg.scid  }
0x8b: {  	s0 =	sand.u32 $0x1, s1  }
0x8c: {  	s17 =	sshll.u32 s0, $0xA;
	s2 =	sadd.s32 s3, s2  }
0x8d: {  	s2 =	sadd.s32 s2, s17  }
0x8e: {  	[smem:$0x3FA8] =	sst s2  }
0x8f: {  	_ = 	snop  }
0x90: {  	(tm) =	ssettm $0x1  }
0x91: {  	s18 =	sld [smem:$0x3FFB];
	_ =	sdelay $0x3  }
0x92: {  	_ =	strace s18  }
0x93: {  	s2 =	sld [smem:$0x3FFC];
	_ =	sdelay $0x3  }
0x94: {  	_ =	strace s2  }
0x95: {  	s2 =	sld [smem:$0x3FFD];
	_ =	sdelay $0x3  }
0x96: {  	_ =	strace s2  }
0x97: {  	_ =	strace $0x8FFFFFFF  }
0x98: {  	s19 =	sld [smem:$0x3FDB];
	_ =	sdelay $0x1  }
0x99: {  	s20 =	simm.s32 $_scs_section_size  }
0x9a: {  	s4 =	simm.s32 $_size__tile_overlayer_lowered;
	s5 =	simm.s32 $_tile_overlayer_lowered  }
0x9b: {  	s6 =	simm.s32 $0x1BFF;
	s21 =	sshll.u32 s5, $0x1;
	s3 =	sadd.s32 s20, s19  }
0x9c: {  	s22 =	simm.s32 $0x0;
	s4 =	sshll.u32 s4, $0x1;
	s5 =	sadd.s32 s21, s3  }
0x9d: {  	[timem:s22], [sflag:s6] =	dma.local [hbm:s5], s4  }
0x9e: {  	_ =	swait.ge [sflag:s6], s4  }
0x9f: {  	s4 =	ssub.s32 $0x0, s4;
	[sflag:s6] =	ssyncset.done $0x0  }
0xa0: {  	[sflag:s6] =	ssyncadd.s32 s4;
	_ =	sdelay $0x1  }
0xa1: {  	s23 =	simm.s32 $0x1B8B  }
0xa2: {  	_ =	swait.ge [sflag:s23], $0x1  }
0xa3: {  	[sflag:s23] =	ssyncset.done $0x0  }
0xa4: {  	[sflag:s23] =	ssyncadd.s32 $0xFFFFFFFF  }
0xa5: {  	s4 =	sld [smem:$0x0]  }
0xa6: {  	s5 =	sand.u32 $0xFFFFFFFE, s1  }
0xa7: {  	p0 =	sne.s32 s1, s5  }
0xa8: {  	s5 =	sshll.u32 @p0 s5, $0xE  }
0xa9: {  	s5 =	sadd.s32 @p0 $0x11B8D, s5;
	s6 =	sshll.u32 @p0 s4, $0x11  }
0xaa: {  	s5 =	sor.u32 @p0 s6, s5  }
0xab: {  	[sflag:s5] =	ssyncadd.remote.s32 @p0 $0x1;
	_ =	sdelay $0x1  }
0xac: {  	s5 =	simm.s32 @p0 $0x1B8D  }
0xad: {  	_ =	swait.eq @p0 [sflag:s5], $0x1  }
0xae: {  	[sflag:s5] =	ssyncadd.s32 @p0 $0xFFFFFFFF  }
0xaf: {  	s6 =	sshll.u32 @!p0 s1, $0xE  }
0xb0: {  	s6 =	sor.u32 @!p0 $0x4000, s6;
	s5 =	simm.s32 @!p0 $0x1B8D  }
0xb1: {  	s4 =	sshll.u32 @!p0 s4, $0x11;
	s6 =	sadd.s32 @!p0 $0x11B8D, s6;
	_ =	swait.eq @!p0 [sflag:s5], $0x1  }
0xb2: {  	s4 =	sor.u32 @!p0 s4, s6;
	[sflag:s5] =	ssyncadd.s32 @!p0 $0xFFFFFFFF  }
0xb3: {  	s25 =	simm.s32 $0x1B8E;
	s24 =	sld [smem:$0x3FFE];
	[sflag:s4] =	ssyncadd.remote.s32 @!p0 $0x1  }
0xb4: {  	s26 =	simm.s32 $execute0_lowered;
	[smem:$0x3FD2] =	sst s25  }
0xb5: {  	s5 =	sshll.u32 s26, $0x1;
	_ =	strace $0x8000004C;
	[dreg:$0x1] =	wrdreg $0xFFFFFFFF  }
0xb6: {  	s28 =	simm.s32 $_size_execute0_lowered;
	s3 =	sadd.s32 s3, s5;
	[dreg:$0x0] =	wrdreg $0x0  }
0xb7: {  	s5 =	sshll.u32 s28, $0x1;
	[dreg:$0x2] =	wrdreg s3  }
0xb8: {  	[dreg:$0x3] =	wrdreg s5  }
0xb9: {  	[dreg:$0x4] =	wrdreg $0xC0  }
0xba: {  	_ =	task [dreg:s22], $0x5FFFF  }
0xbb: {  	[dreg:$0x1] =	wrdreg $0xFFFFFFFF  }
0xbc: {  	[dreg:$0x0] =	wrdreg $0x60  }
0xbd: {  	[dreg:$0x2] =	wrdreg s24  }
0xbe: {  	[dreg:$0x3] =	wrdreg $0x68000  }
0xbf: {  	[dreg:$0x4] =	wrdreg $0xA  }
0xc0: {  	_ =	task.clear_ibuf [dreg:s22], $0x5FFFF;
	_ =	strace $0x9000004C  }
0xc1: {  	s29 =	simm.s32 $0xA;
	_ =	strace $0x8000004E  }
0xc2: {  	_ =	swait.ge [sflag:s29], $0x1  }
0xc3: {  	[sflag:s29] =	ssyncadd.s32 $0xFFFFFFFF  }
0xc4: {  	_ =	strace $0x9000004E  }
0xc5: {  	_ =	sfence  }
0xc6: {  	s30 =	sld [smem:$0x0];
	_ =	sdelay $0x2  }
0xc7: {  	s31 =	sshll.u32 s1, $0xD;
	s1 =	sshrl.u32 s1, $0x2  }
0xc8: {  	s4 =	sand.u32 $0x4000, s31;
	s1 =	sadd.s32 s1, s30  }
0xc9: {  	s0 =	sor.u32 s4, s0;
	s1 =	sshll.u32 s1, $0x11  }
0xca: {  	s0 =	sor.u32 s1, s0  }
0xcb: {  	s0 =	sadd.s32 $0x8F2B, s0  }
0xcc: {  	[sflag:s0] =	ssyncadd.remote.s32 $0x1  }
0xcd: {  	_ =	sfence.sel $0xFFFF  }
0xce: {  	[dreg:$0x0] =	wrdreg $0xFFFFFFFF;
	(pc) =	sbr.abs _section_cstart, $3  }
0xcf: {  	[dreg:$0x1] =	wrdreg $0xFFFFFFFF  }
0xd0: {  	_ =	task.clear_ibuf [dreg:s22], $0x2FFFF;
	_ =	strace $0x9FFFFFFF  }
0xd1: {  	(tm) =	ssettm $0x7FFFFFFF  }
tec
execute0_lowered:
.L_overlay_start_1:
0x0: {  	(tag) =	ssettag $0x1  }
0x1: {  	s5 =	rddreg [dreg:$0x0]  }
0x2: {  	s1 =	rddreg [dreg:$0x1]  }
0x3: {  	s0 =	rddreg [dreg:$0x2];
	s2 =	simm.s32 $0x0;
	s12 =	stileid.u32  }
0x4: {  	s6 =	srdreg.scid;
	s17 =	simm.s32 $0x0;
	[smem:$0x7FF] =	sst s2  }
0x5: {  	s3 =	smul.u32 $0x27100, s12;
	s4 =	sshll.u32 s12, $0xB;
	s11 =	sand.u32 $0x1, s6  }
0x6: {  	p1 =	seq.s32 s12, $0x0;
	_ =	strace $0x8000004D;
	s7 =	sadd.s32 s4, s5  }
0x7: {  	s4 =	sadd.s32 $0xF1BA00, s5;
	s6 =	ssub.s32 $0x2, s11;
	p0 =	seq.s32 s11, $0x1  }
0x8: {  	s13 =	sor.u32 s11, s12;
	p4 =	sne.s32 s11, $0x0;
	s11 =	simm.s32 $0x1  }
0x9: {  	s9 =	sadd.s32 s3, s5;
	s3 =	sadd.s32 $0xEF4800, s5;
	s8 =	sshrl.u32 s6, $0x1  }
0xa: {  	s5 =	sadd.s32 $0xF42C00, s5;
	p1 =	por !p1, !p0;
	p3 =	sne.s32 s13, $0x0  }
.Ltmp0:
0xb: {  	s13 =	simm.s32 $0x50;
	s8 =	ssub.s32 s6, s8;
	(pc) =	sbr.rel .LBB2_1-.Ltmp0, $4  }
0xc: {  	s6 =	sadd.s32 $0x1426A00, s7;
	p2 =	por !p1, !p1;
	p1 =	sne.s32 s12, $0x0  }
0xd: {  	s14 =	sshll.u32 @!p3 s12, $0x6;
	s12 =	simm.s32 $0x4000;
	s15 =	sshrl.u32 @!p3 s1, $0x3  }
0xe: {  	s7 =	smax.u32 s8, $0x1;
	s8 =	sadd.s32 $0x1433200, s9;
	s9 =	sadd.s32 $0x16A4200, s9  }
0xf: {  	s10 =	sshrl.u32 @!p1 s1, $0x3;
	s14 =	sor.u32 @!p3 $0x1C01, s14;
	s16 =	sshrl.u32 @p2 s1, $0x3  }
.LBB2_8:
0x10: {  	[sflag:s11] =	ssyncadd.s32 $0xFFFFD800  }
.LBB2_9:
0x11: {  	[bflag:$0x0] =	sbarrier.arrive $0xFFFF;
	s18 =	simm.s32 @!p3 $0x1  }
0x12: {  	[hbm:s4], [sflag:s14] =	dma.local @!p3 [spmem:s15], $0x27100  }
0x13: {  	_ =	swait.ge @!p3 [sflag:s18], $0x27100  }
0x14: {  	s17 =	sadd.s32 $0x1, s17;
	[sflag:s18] =	ssyncset.done @!p3 $0x0  }
0x15: {  	p5 =	sne.s32 s17, s7;
	[sflag:s18] =	ssyncadd.s32 @!p3 $0xFFFD8F00;
	s18 =	simm.s32 @p2 $0x1C01  }
0x16: {  	[hbm:s5], [sflag:s18] =	dma.local @p2 [spmem:s16], $0x27100  }
.Ltmp1:
0x17: {  	_ = 	snop;
	(pc) =	sbr.rel @!p5 .LBB2_10-.Ltmp1, $4  }
0x18: {  	s18 =	simm.s32 @p2 $0x1  }
0x19: {  	_ =	swait.ge @p2 [sflag:s18], $0x27100  }
0x1a: {  	[sflag:s18] =	ssyncset.done @p2 $0x0  }
0x1b: {  	[sflag:s18] =	ssyncadd.s32 @p2 $0xFFFD8F00  }
.LBB2_1:
0x1c: {  	s18 =	simm.s32 @!p1 $0x1C01  }
0x1d: {  	[spmem:s10], [sflag:s18] =	dma.local @!p1 [hbm:s3], $0x27100  }
0x1e: {  	s18 =	simm.s32 @!p1 $0x1  }
0x1f: {  	_ =	swait.ge @!p1 [sflag:s18], $0x27100  }
0x20: {  	[sflag:s18] =	ssyncset.done @!p1 $0x0  }
0x21: {  	[sflag:s18] =	ssyncadd.s32 @!p1 $0xFFFD8F00  }
0x22: {  	[tilespmem:s2], [sflag:$0x1] =	stream.linear.gather [hbm4b:s6+s2], $0x3E80, $0x38;
	[tilespmem:$0x1A080] =	vst v63  }
.Ltmp2:
0x23: {  	_ =	swait.ge [sflag:s11], $0x3E80;
	(pc) =	sbr.rel @p4 .LBB2_5-.Ltmp2, $3  }
0x24: {  	[sflag:s11] =	ssyncset.done $0x0  }
0x25: {  	[sflag:s11] =	ssyncadd.s32 $0xFFFFC180  }
0x26: {  	[bflag:$0x0] =	sbarrier.arrive $0xFFFF;
	_ =	sdelay $0x1  }
0x27: {  	[tilespmem:s12], [sflag:$0x1] =	stream.linear.gather [hbm4b:s8+s2], $0x2800, $0x38;
	[tilespmem:$0x1A080] =	vst v63  }
0x28: {  	_ =	swait.ge [sflag:s11], $0x2800  }
0x29: {  	[sflag:s11] =	ssyncset.done $0x0  }
0x2a: {  	s18 =	simm.s32 $0x0;
	[sflag:s11] =	ssyncadd.s32 $0xFFFFD800  }
0x2b: {  	[spmem:s1] =	stream.indirect.scatter.add.f32 [tilespmem:s12], [sflag:$0x1], $0x80, s18, s13, $0xb8;
	[tilespmem:$0x1A080] =	vst v63  }
0x2c: {  	_ =	swait.ge [sflag:s11], $0x2800  }
0x2d: {  	s19 =	smov.u32 s8;
	s18 =	simm.s32 $0x200;
	[sflag:s11] =	ssyncset.done $0x0  }
.LBB2_3:
0x2e: {  	p5 =	sne.s32 s18, $0xF800;
	[sflag:s11] =	ssyncadd.s32 $0xFFFFD800;
	s19 =	sadd.s32 $0x500, s19  }
0x2f: {  	[tilespmem:s12], [sflag:$0x1] =	stream.linear.gather [hbm4b:s19+s2], $0x2800, $0x38;
	[tilespmem:$0x1A080] =	vst v63  }
0x30: {  	s20 =	smov.u32 s18;
	s18 =	sadd.s32 $0x200, s18;
	_ =	swait.ge [sflag:s11], $0x2800  }
.Ltmp3:
0x31: {  	[sflag:s11] =	ssyncset.done $0x0;
	(pc) =	sbr.rel @p5 .LBB2_3-.Ltmp3, $4  }
0x32: {  	s20 =	sshra.s32 s20, $0x2;
	[sflag:s11] =	ssyncadd.s32 $0xFFFFD800  }
0x33: {  	[spmem:s1] =	stream.indirect.scatter.add.f32 [tilespmem:s12], [sflag:$0x1], $0x80, s20, s13, $0xb8;
	[tilespmem:$0x1A080] =	vst v63  }
0x34: {  	_ =	swait.ge [sflag:s11], $0x2800  }
0x35: {  	[sflag:s11] =	ssyncset.done $0x0  }
0x36: {  	[sflag:s11] =	ssyncadd.s32 $0xFFFFD800  }
.LBB2_5:
.Ltmp4:
0x37: {  	(pc) =	sbr.rel @!p0 .LBB2_9-.Ltmp4, $1  }
0x38: {  	_ =	sdelay $0x3  }
0x39: {  	[tilespmem:s12], [sflag:$0x1] =	stream.linear.gather [hbm4b:s9+s2], $0x2800, $0x38;
	[tilespmem:$0x1A080] =	vst v63  }
0x3a: {  	_ =	swait.ge [sflag:s11], $0x2800  }
0x3b: {  	[sflag:s11] =	ssyncset.done $0x0  }
0x3c: {  	s18 =	simm.s32 $0x0;
	[sflag:s11] =	ssyncadd.s32 $0xFFFFD800  }
0x3d: {  	[spmem:s1] =	stream.indirect.scatter.add.f32 [tilespmem:s12], [sflag:$0x1], $0x80, s18, s13, $0xb8;
	[tilespmem:$0x1A080] =	vst v63  }
0x3e: {  	_ =	swait.ge [sflag:s11], $0x2800  }
0x3f: {  	s19 =	smov.u32 s9;
	s18 =	simm.s32 $0x200;
	[sflag:s11] =	ssyncset.done $0x0  }
.LBB2_7:
0x40: {  	p5 =	sne.s32 s18, $0xF800;
	[sflag:s11] =	ssyncadd.s32 $0xFFFFD800;
	s19 =	sadd.s32 $0x500, s19  }
0x41: {  	[tilespmem:s12], [sflag:$0x1] =	stream.linear.gather [hbm4b:s19+s2], $0x2800, $0x38;
	[tilespmem:$0x1A080] =	vst v63  }
0x42: {  	s20 =	smov.u32 s18;
	s18 =	sadd.s32 $0x200, s18;
	_ =	swait.ge [sflag:s11], $0x2800  }
.Ltmp5:
0x43: {  	[sflag:s11] =	ssyncset.done $0x0;
	(pc) =	sbr.rel @p5 .LBB2_7-.Ltmp5, $4  }
0x44: {  	s20 =	sshra.s32 s20, $0x2;
	[sflag:s11] =	ssyncadd.s32 $0xFFFFD800  }
0x45: {  	[spmem:s1] =	stream.indirect.scatter.add.f32 [tilespmem:s12], [sflag:$0x1], $0x80, s20, s13, $0xb8;
	[tilespmem:$0x1A080] =	vst v63  }
0x46: {  	_ =	swait.ge [sflag:s11], $0x2800  }
0x47: {  	[sflag:s11] =	ssyncset.done $0x0  }
.Ltmp6:
0x48: {  	_ = 	snop;
	(pc) =	sbr.rel .LBB2_8-.Ltmp6, $1  }
0x49: {  	_ =	sdelay $0x3  }
.LBB2_10:
0x4a: {  	_ =	sfence.sel $0x180000  }
0x4b: {  	[bflag:$0x0] =	sbarrier.arrive $0xFFFF  }
0x4c: {  	_ =	strace $0x9000004D  }
0x4d: {  	s0 =	sadd.s32 @!p1 $0x100000, s0;
	[bflag:$0x2] =	sbarrier.arrive $0xFFFF  }
0x4e: {  	[sflag:s0] =	ssyncadd.tile.s32 @!p1 $0x1;
	_ =	shalt  }
.Lfunc_end2:
_tile_overlayer_lowered:
.L_overlay_start_2:
0x4f: {  	(tag) =	ssettag $0x2  }
0x50: {  	s0 =	rddreg [dreg:$0x0];
	s2 =	stileid.u32  }
0x51: {  	s1 =	rddreg [dreg:$0x1];
	p0 =	sne.s32 s2, $0x0  }
0x52: {  	s3 =	rddreg [dreg:$0x2];
	[bflag:$0x3] =	sbarrier.arrive $0xFFFF;
	s2 =	simm.s32 @!p0 $0x1C01  }
0x53: {  	[timem:s3], [sflag:s2] =	dma.local @!p0 [hbm:s0], s1  }
0x54: {  	s0 =	simm.s32 @!p0 $0x1  }
0x55: {  	_ =	swait.ge @!p0 [sflag:s0], s1  }
0x56: {  	s1 =	ssub.s32 @!p0 $0x0, s1;
	[sflag:s0] =	ssyncset.done @!p0 $0x0  }
0x57: {  	[sflag:s0] =	ssyncadd.s32 @!p0 s1  }
0x58: {  	[bflag:$0x3] =	sbarrier.arrive $0xFFFF  }
0x59: {  	_ =	shalt  }

// kernel: kernel.9.cloned.1.call-start
scs
__scs_entry_jumppad:
0x0: {  	(pc) =	sbr.rel $0x88, $3  }
0x1: {  	(tag) =	ssettag $0x0;
	lr =	simm.s32 $0x1  }
0x2: {  	[smem:$0x3F81] =	sst lr;
	_ =	strace $0xD0000000  }
0x3: {  	_ = 	snop  }
0x4: {  	_ = 	snop  }
0x5: {  	_ = 	snop  }
0x6: {  	_ = 	snop  }
0x7: {  	_ = 	snop  }
__scs_overlays_trampoline_lowered:
0x8: {  	[smem:$0x3F90] =	sst s0  }
0x9: {  	[smem:$0x3F91] =	sst s1  }
0xa: {  	[smem:$0x3F92] =	sst s2  }
0xb: {  	[smem:$0x3F93] =	sst s3  }
0xc: {  	[smem:$0x3F94] =	sst s4  }
0xd: {  	[smem:$0x3F95] =	sst s5  }
0xe: {  	[smem:$0x3F96] =	sst s6  }
0xf: {  	[smem:$0x3F97] =	sst s7  }
0x10: {  	[smem:$0x3F98] =	sst s8  }
0x11: {  	[smem:$0x3F99] =	sst s9;
	s0 =	simm.s32 @!p0 $0x0  }
0x12: {  	s1 =	sld [smem:$0x3F7F];
	s0 =	simm.s32 @p0 $0x1  }
0x13: {  	[smem:$0x3F9A] =	sst s0;
	s0 =	simm.s32 @!p1 $0x0  }
0x14: {  	s2 =	sld [smem:$0x3F7E];
	s0 =	simm.s32 @p1 $0x1  }
0x15: {  	[smem:$0x3F9B] =	sst s0;
	s0 =	simm.s32 @!p2 $0x0  }
0x16: {  	s3 =	sld [smem:$0x3FDB];
	s0 =	simm.s32 @p2 $0x1  }
0x17: {  	s4 =	simm.s32 $0x1BF5;
	[smem:$0x3F9D] =	sst s0  }
0x18: {  	s0 =	sld [smem:$0x3F80];
	_ =	swait.ge [sflag:s4], $0x0  }
0x19: {  	s7 =	sld [smem:$0x3F81]  }
0x1a: {  	s8 =	sadd.s32 $0xFFFFE003, lr  }
0x1b: {  	s9 =	sadd.s32 $0xFFFFFEF7, lr;
	s5 =	simm.s32 $0xFFFFFFFF;
	p2 =	slt.u32 s8, $0xFFFFF086  }
0x1c: {  	p1 =	slt.u32 s9, $0xF7A;
	s5 =	simm.s32 @!p2 $0x0  }
0x1d: {  	s5 =	simm.s32 @p1 $0x1;
	p0 =	seq.s32 s7, s2  }
0x1e: {  	s7 =	smul.u32 @!p0 $0xF7A, s2;
	p2 =	seq.s32 @!p0 s5, $0x0  }
0x1f: {  	s9 =	smul.u32 $0xF7A, s1;
	s8 =	simm.s32 @!p0 $0x1BF5;
	p2 =	por !p2, p0  }
0x20: {  	[sflag:s8] =	ssyncset.s32 @!p0 $0xFFFFF086;
	s6 =	sadd.s32 @!p0 s3, s7;
	s7 =	simm.s32 @!p0 $0x108  }
0x21: {  	s3 =	sadd.s32 s3, s9;
	s6 =	sadd.s32 @!p0 $0x88, s6;
	s7 =	simm.s32 @p2 $0x1082  }
0x22: {  	[simem:s7], [sflag:s8] =	dma.local @!p0 [hbm:s6], $0xF7A  }
0x23: {  	s9 =	sor.u32 $0xD0000000, s2;
	s6 =	simm.s32 $0x108;
	_ =	swait.ge @!p0 [sflag:s8], $0x0  }
0x24: {  	s3 =	sadd.s32 $0x88, s3;
	s6 =	simm.s32 @!p1 $0x1082;
	[sflag:s4] =	ssyncset.s32 $0xFFFFF086  }
0x25: {  	[simem:s6], [sflag:s4] =	dma.local [hbm:s3], $0xF7A  }
0x26: {  	[smem:$0x3F81] =	sst s1;
	(tag) =	ssettag s2;
	_ =	strace s9  }
0x27: {  	s1 =	sld [smem:$0x3F91]  }
0x28: {  	s2 =	sld [smem:$0x3F92]  }
0x29: {  	s4 =	sld [smem:$0x3F94]  }
0x2a: {  	p0 =	seq.s32 s5, $0x0;
	s5 =	sld [smem:$0x3F95]  }
0x2b: {  	s6 =	sld [smem:$0x3F96]  }
0x2c: {  	s7 =	sld [smem:$0x3F97]  }
0x2d: {  	s3 =	simm.s32 $0x108;
	s8 =	sld [smem:$0x3F98]  }
0x2e: {  	s3 =	simm.s32 @!p0 $0x1082;
	s9 =	sld [smem:$0x3F99]  }
0x2f: {  	lr =	sadd.s32 s0, s3;
	s0 =	sld [smem:$0x3F90]  }
0x30: {  	s3 =	sld [smem:$0x3F93]  }
0x31: {  	[smem:$0x3F9C] =	sst s10  }
0x32: {  	s10 =	sld [smem:$0x3F9A];
	_ =	sdelay $0x3  }
0x33: {  	p0 =	seq.s32 s10, $0x1;
	s10 =	sld [smem:$0x3F9C];
	_ =	sdelay $0x3  }
0x34: {  	[smem:$0x3F9C] =	sst s10  }
0x35: {  	s10 =	sld [smem:$0x3F9B];
	_ =	sdelay $0x3  }
0x36: {  	p1 =	seq.s32 s10, $0x1;
	s10 =	sld [smem:$0x3F9C];
	_ =	sdelay $0x3  }
0x37: {  	[smem:$0x3F9C] =	sst s10  }
0x38: {  	s10 =	sld [smem:$0x3F9D]  }
0x39: {  	_ = 	snop;
	(pc) =	sbr.ind lr, $3  }
0x3a: {  	_ = 	snop  }
0x3b: {  	_ = 	snop  }
0x3c: {  	p2 =	seq.s32 s10, $0x1;
	s10 =	sld [smem:$0x3F9C]  }
0x3d: {  	_ =	shalt  }
0x3e: {  	_ =	shalt  }
0x3f: {  	_ =	shalt  }
0x40: {  	_ =	shalt  }
0x41: {  	_ =	shalt  }
0x42: {  	_ =	shalt  }
0x43: {  	_ =	shalt  }
0x44: {  	_ =	shalt  }
0x45: {  	_ =	shalt  }
0x46: {  	_ =	shalt  }
0x47: {  	_ =	shalt  }
0x48: {  	_ =	shalt  }
0x49: {  	_ =	shalt  }
0x4a: {  	_ =	shalt  }
0x4b: {  	_ =	shalt  }
0x4c: {  	_ =	shalt  }
0x4d: {  	_ =	shalt  }
0x4e: {  	_ =	shalt  }
0x4f: {  	_ =	shalt  }
0x50: {  	_ =	shalt  }
0x51: {  	_ =	shalt  }
0x52: {  	_ =	shalt  }
0x53: {  	_ =	shalt  }
0x54: {  	_ =	shalt  }
0x55: {  	_ =	shalt  }
0x56: {  	_ =	shalt  }
0x57: {  	_ =	shalt  }
0x58: {  	_ =	shalt  }
0x59: {  	_ =	shalt  }
0x5a: {  	_ =	shalt  }
0x5b: {  	_ =	shalt  }
0x5c: {  	_ =	shalt  }
0x5d: {  	_ =	shalt  }
0x5e: {  	_ =	shalt  }
0x5f: {  	_ =	shalt  }
0x60: {  	_ =	shalt  }
0x61: {  	_ =	shalt  }
0x62: {  	_ =	shalt  }
0x63: {  	_ =	shalt  }
0x64: {  	_ =	shalt  }
0x65: {  	_ =	shalt  }
0x66: {  	_ =	shalt  }
0x67: {  	_ =	shalt  }
0x68: {  	_ =	shalt  }
0x69: {  	_ =	shalt  }
0x6a: {  	_ =	shalt  }
0x6b: {  	_ =	shalt  }
0x6c: {  	_ =	shalt  }
0x6d: {  	_ =	shalt  }
0x6e: {  	_ =	shalt  }
0x6f: {  	_ =	shalt  }
0x70: {  	_ =	shalt  }
0x71: {  	_ =	shalt  }
0x72: {  	_ =	shalt  }
0x73: {  	_ =	shalt  }
0x74: {  	_ =	shalt  }
0x75: {  	_ =	shalt  }
0x76: {  	_ =	shalt  }
0x77: {  	_ =	shalt  }
0x78: {  	_ =	shalt  }
0x79: {  	_ =	shalt  }
0x7a: {  	_ =	shalt  }
0x7b: {  	_ =	shalt  }
0x7c: {  	_ =	shalt  }
0x7d: {  	_ =	shalt  }
0x7e: {  	_ =	shalt  }
0x7f: {  	_ =	shalt  }
0x80: {  	_ =	shalt  }
0x81: {  	_ =	shalt  }
0x82: {  	_ =	shalt  }
0x83: {  	_ =	shalt  }
0x84: {  	_ =	shalt  }
0x85: {  	_ =	shalt  }
0x86: {  	_ =	shalt  }
0x87: {  	_ =	shalt  }
.Lfunc_end0:
.L_simem_size_0:
called_computation_lowered:
.L_overlay_start_0:
0x88: {  	s2 =	sld [smem:$0x3FD9]  }
0x89: {  	s3 =	sld [smem:$0x3FFE];
	_ =	sdelay $0x1  }
0x8a: {  	s1 =	srdreg.scid  }
0x8b: {  	s0 =	sand.u32 $0x1, s1  }
0x8c: {  	s15 =	sshll.u32 s0, $0xA;
	s2 =	sadd.s32 s3, s2  }
0x8d: {  	s2 =	sadd.s32 s2, s15  }
0x8e: {  	[smem:$0x3FA8] =	sst s2  }
0x8f: {  	_ = 	snop  }
0x90: {  	s2 =	sld [smem:$0x3FD0];
	_ =	sdelay $0x2  }
0x91: {  	s16 =	simm.s32 $0xB;
	s4 =	simm.s32 $0x10  }
0x92: {  	[smem:s4], [sflag:s16] =	dma.local [hbm:s2], $0x1  }
0x93: {  	_ =	swait.eq [sflag:s16], $0x1  }
0x94: {  	[sflag:s16] =	ssyncset.done $0x0  }
0x95: {  	[sflag:s16] =	ssyncadd.s32 $0xFFFFFFFF  }
0x96: {  	s17 =	sld [smem:$0x10];
	(tm) =	ssettm $0x1  }
0x97: {  	s18 =	sld [smem:$0x3FFB];
	_ =	sdelay $0x3  }
0x98: {  	_ =	strace s18  }
0x99: {  	s2 =	sld [smem:$0x3FFC];
	_ =	sdelay $0x3  }
0x9a: {  	_ =	strace s2  }
0x9b: {  	s2 =	sld [smem:$0x3FFD];
	_ =	sdelay $0x3  }
0x9c: {  	_ =	strace s2  }
0x9d: {  	_ =	strace $0x8FFFFFFF  }
0x9e: {  	s19 =	sld [smem:$0x3FDB];
	_ =	sdelay $0x1  }
0x9f: {  	s20 =	simm.s32 $_scs_section_size  }
0xa0: {  	s5 =	simm.s32 $_size__tile_overlayer_lowered;
	s6 =	simm.s32 $_tile_overlayer_lowered  }
0xa1: {  	s7 =	simm.s32 $0x1BFF;
	s21 =	sshll.u32 s6, $0x1;
	s4 =	sadd.s32 s20, s19  }
0xa2: {  	s22 =	simm.s32 $0x0;
	s5 =	sshll.u32 s5, $0x1;
	s6 =	sadd.s32 s21, s4  }
0xa3: {  	[timem:s22], [sflag:s7] =	dma.local [hbm:s6], s5  }
0xa4: {  	_ =	swait.ge [sflag:s7], s5  }
0xa5: {  	s5 =	ssub.s32 $0x0, s5;
	[sflag:s7] =	ssyncset.done $0x0  }
0xa6: {  	[sflag:s7] =	ssyncadd.s32 s5;
	_ =	sdelay $0x1  }
0xa7: {  	s23 =	simm.s32 $0x1B8B  }
0xa8: {  	_ =	swait.ge [sflag:s23], $0x1  }
0xa9: {  	[sflag:s23] =	ssyncset.done $0x0  }
0xaa: {  	[sflag:s23] =	ssyncadd.s32 $0xFFFFFFFF  }
0xab: {  	s5 =	sld [smem:$0x0]  }
0xac: {  	s6 =	sand.u32 $0xFFFFFFFE, s1  }
0xad: {  	p0 =	sne.s32 s1, s6  }
0xae: {  	s6 =	sshll.u32 @p0 s6, $0xE  }
0xaf: {  	s6 =	sadd.s32 @p0 $0x11B8D, s6;
	s7 =	sshll.u32 @p0 s5, $0x11  }
0xb0: {  	s6 =	sor.u32 @p0 s7, s6  }
0xb1: {  	[sflag:s6] =	ssyncadd.remote.s32 @p0 $0x1;
	_ =	sdelay $0x1  }
0xb2: {  	s6 =	simm.s32 @p0 $0x1B8D  }
0xb3: {  	_ =	swait.eq @p0 [sflag:s6], $0x1  }
0xb4: {  	[sflag:s6] =	ssyncadd.s32 @p0 $0xFFFFFFFF  }
0xb5: {  	s7 =	sshll.u32 @!p0 s1, $0xE  }
0xb6: {  	s7 =	sor.u32 @!p0 $0x4000, s7;
	s6 =	simm.s32 @!p0 $0x1B8D  }
0xb7: {  	s5 =	sshll.u32 @!p0 s5, $0x11;
	s7 =	sadd.s32 @!p0 $0x11B8D, s7;
	_ =	swait.eq @!p0 [sflag:s6], $0x1  }
0xb8: {  	s5 =	sor.u32 @!p0 s5, s7;
	[sflag:s6] =	ssyncadd.s32 @!p0 $0xFFFFFFFF  }
0xb9: {  	s25 =	simm.s32 $0x1B8E;
	s24 =	sld [smem:$0x3FFE];
	[sflag:s5] =	ssyncadd.remote.s32 @!p0 $0x1  }
0xba: {  	s26 =	simm.s32 $execute0_lowered;
	[smem:$0x3FD2] =	sst s25  }
0xbb: {  	s6 =	sshll.u32 s26, $0x1;
	_ =	strace $0x80000049;
	[dreg:$0x1] =	wrdreg $0xFFFFFFFF  }
0xbc: {  	s28 =	simm.s32 $_size_execute0_lowered;
	s4 =	sadd.s32 s4, s6;
	[dreg:$0x0] =	wrdreg $0x0  }
0xbd: {  	s6 =	sshll.u32 s28, $0x1;
	[dreg:$0x2] =	wrdreg s4  }
0xbe: {  	[dreg:$0x3] =	wrdreg s6  }
0xbf: {  	[dreg:$0x4] =	wrdreg $0xC0  }
0xc0: {  	_ =	task [dreg:s22], $0x5FFFF  }
0xc1: {  	[dreg:$0x1] =	wrdreg $0xFFFFFFFF  }
0xc2: {  	[dreg:$0x0] =	wrdreg $0x60  }
0xc3: {  	[dreg:$0x2] =	wrdreg s17  }
0xc4: {  	[dreg:$0x3] =	wrdreg s24  }
0xc5: {  	[dreg:$0x4] =	wrdreg $0x9  }
0xc6: {  	_ =	task.clear_ibuf [dreg:s22], $0x5FFFF;
	_ =	strace $0x90000049  }
0xc7: {  	s29 =	simm.s32 $0x9;
	_ =	strace $0x8000004B  }
0xc8: {  	_ =	swait.ge [sflag:s29], $0x1  }
0xc9: {  	[sflag:s29] =	ssyncadd.s32 $0xFFFFFFFF  }
0xca: {  	_ =	strace $0x9000004B  }
0xcb: {  	_ =	sfence  }
0xcc: {  	s30 =	sld [smem:$0x0];
	_ =	sdelay $0x2  }
0xcd: {  	s31 =	sshll.u32 s1, $0xD;
	s1 =	sshrl.u32 s1, $0x2  }
0xce: {  	s4 =	sand.u32 $0x4000, s31;
	s1 =	sadd.s32 s1, s30  }
0xcf: {  	s0 =	sor.u32 s4, s0;
	s1 =	sshll.u32 s1, $0x11  }
0xd0: {  	s0 =	sor.u32 s1, s0  }
0xd1: {  	s0 =	sadd.s32 $0x8F2B, s0  }
0xd2: {  	[sflag:s0] =	ssyncadd.remote.s32 $0x1  }
0xd3: {  	_ =	sfence.sel $0xFFFF  }
0xd4: {  	[dreg:$0x0] =	wrdreg $0xFFFFFFFF;
	(pc) =	sbr.abs _section_cstart, $3  }
0xd5: {  	[dreg:$0x1] =	wrdreg $0xFFFFFFFF  }
0xd6: {  	_ =	task.clear_ibuf [dreg:s22], $0x2FFFF;
	_ =	strace $0x9FFFFFFF  }
0xd7: {  	(tm) =	ssettm $0x7FFFFFFF  }
tec
execute0_lowered:
.L_overlay_start_1:
0x0: {  	(tag) =	ssettag $0x1  }
0x1: {  	s1 =	rddreg [dreg:$0x0]  }
0x2: {  	s4 =	rddreg [dreg:$0x1]  }
0x3: {  	s0 =	rddreg [dreg:$0x2]  }
0x4: {  	s3 =	simm.s32 $0x0;
	s5 =	srdreg.scid;
	s2 =	stileid.u32  }
0x5: {  	s9 =	simm.s32 $0x3;
	s10 =	simm.s32 $0x4000;
	s11 =	simm.s32 $0x28  }
0x6: {  	s12 =	simm.s32 $0x8000;
	s13 =	simm.s32 $0x9400;
	s14 =	simm.s32 $0x1  }
0x7: {  	s15 =	simm.s32 $0x2;
	s16 =	simm.s32 $0x0;
	[smem:$0x7FF] =	sst s3  }
0x8: {  	s5 =	sand.u32 $0x1, s5;
	s6 =	sshll.u32 s2, $0xC;
	s8 =	smul.u32 $0x27100, s2  }
0x9: {  	_ =	strace $0x8000004A;
	s7 =	sshll.u32 s5, $0xB;
	s30 =	ssub.s32 $0x2, s5  }
0xa: {  	s5 =	smul.u32 $0x13880, s5;
	s6 =	sor.u32 s7, s6;
	s31 =	sshrl.u32 s30, $0x1  }
0xb: {  	s8 =	sadd.s32 s8, s4;
	s6 =	sadd.s32 s6, s4;
	s7 =	ssub.s32 s30, s31  }
0xc: {  	s8 =	sadd.s32 s5, s8;
	s4 =	sadd.s32 $0x510800, s6;
	s5 =	sadd.s32 $0x520800, s6  }
0xd: {  	s6 =	smax.u32 s7, $0x1;
	s7 =	sadd.s32 $0x530800, s8;
	s8 =	sadd.s32 $0x7A1800, s8  }
.LBB2_1:
0xe: {  	[tilespmem:s3], [sflag:$0x3] =	stream.linear.gather [hbm4b:s4+s3], $0x3E80, $0x38;
	[tilespmem:$0xA800] =	vst v63  }
0xf: {  	_ =	swait.ge [sflag:s9], $0x3E80  }
0x10: {  	[sflag:s9] =	ssyncset.done $0x0  }
0x11: {  	[sflag:s9] =	ssyncadd.s32 $0xFFFFC180  }
0x12: {  	[tilespmem:s10], [sflag:$0x3] =	stream.linear.gather [hbm4b:s5+s3], $0x3E80, $0x38;
	[tilespmem:$0xA800] =	vst v63  }
0x13: {  	_ =	swait.ge [sflag:s9], $0x3E80  }
0x14: {  	[sflag:s9] =	ssyncset.done $0x0  }
0x15: {  	s17 =	simm.s32 $0x0;
	[sflag:s9] =	ssyncadd.s32 $0xFFFFC180  }
0x16: {  	[tilespmem:s12], [sflag:$0x1] =	stream.indirect.gather [hbm4b:s1+s11], $0x80, s17, s11, $0xb8;
	[tilespmem:$0xA800] =	vst v63  }
0x17: {  	s31 =	simm.s32 $0x4000  }
0x18: {  	[tilespmem:s13], [sflag:$0x2] =	stream.indirect.gather [hbm4b:s1+s11], $0x80, s31, s11, $0xb8;
	[tilespmem:$0xA800] =	vst v63  }
0x19: {  	_ =	swait.ge [sflag:s14], $0x1400  }
0x1a: {  	[sflag:s14] =	ssyncset.done $0x0  }
0x1b: {  	[sflag:s14] =	ssyncadd.s32 $0xFFFFEC00  }
0x1c: {  	_ =	swait.ge [sflag:s15], $0x1400  }
0x1d: {  	[sflag:s15] =	ssyncset.done $0x0  }
0x1e: {  	[sflag:s15] =	ssyncadd.s32 $0xFFFFEC00  }
0x1f: {  	[hbm4b:s7+s3] =	stream.linear.scatter [tilespmem:s12], [sflag:$0x3], $0x1400, $0x38;
	[tilespmem:$0xA800] =	vst v63  }
0x20: {  	_ =	swait.ge [sflag:s9], $0x1400  }
0x21: {  	[sflag:s9] =	ssyncset.done $0x0  }
0x22: {  	[sflag:s9] =	ssyncadd.s32 $0xFFFFEC00  }
0x23: {  	[hbm4b:s8+s3] =	stream.linear.scatter [tilespmem:s13], [sflag:$0x3], $0x1400, $0x38;
	[tilespmem:$0xA800] =	vst v63  }
0x24: {  	s19 =	simm.s32 $0x200;
	s20 =	simm.s32 $0x400;
	_ =	swait.ge [sflag:s9], $0x1400  }
0x25: {  	s18 =	sadd.s32 $0x280, s7;
	s17 =	sadd.s32 $0x280, s8;
	[sflag:s9] =	ssyncset.done $0x0  }
.LBB2_2:
0x26: {  	s21 =	sshra.s32 s19, $0x2  }
0x27: {  	[sflag:s9] =	ssyncadd.s32 $0xFFFFEC00;
	s19 =	smov.u32 s20;
	s22 =	sadd.s32 $0x200, s20  }
0x28: {  	[tilespmem:s12], [sflag:$0x1] =	stream.indirect.gather [hbm4b:s1+s11], $0x80, s21, s11, $0xb8;
	[tilespmem:$0xA800] =	vst v63  }
0x29: {  	p0 =	sne.s32 s20, $0xF800;
	s20 =	sadd.s32 $0x4000, s21  }
0x2a: {  	[tilespmem:s13], [sflag:$0x2] =	stream.indirect.gather [hbm4b:s1+s11], $0x80, s20, s11, $0xb8;
	[tilespmem:$0xA800] =	vst v63  }
0x2b: {  	_ =	swait.ge [sflag:s14], $0x1400  }
0x2c: {  	[sflag:s14] =	ssyncset.done $0x0  }
0x2d: {  	[sflag:s14] =	ssyncadd.s32 $0xFFFFEC00  }
0x2e: {  	_ =	swait.ge [sflag:s15], $0x1400  }
0x2f: {  	[sflag:s15] =	ssyncset.done $0x0  }
0x30: {  	[sflag:s15] =	ssyncadd.s32 $0xFFFFEC00  }
0x31: {  	[hbm4b:s18+s3] =	stream.linear.scatter [tilespmem:s12], [sflag:$0x3], $0x1400, $0x38;
	[tilespmem:$0xA800] =	vst v63  }
0x32: {  	_ =	swait.ge [sflag:s9], $0x1400  }
.Ltmp0:
0x33: {  	[sflag:s9] =	ssyncset.done $0x0;
	(pc) =	sbr.rel @p0 .LBB2_2-.Ltmp0, $4  }
0x34: {  	[sflag:s9] =	ssyncadd.s32 $0xFFFFEC00  }
0x35: {  	[hbm4b:s17+s3] =	stream.linear.scatter [tilespmem:s13], [sflag:$0x3], $0x1400, $0x38;
	[tilespmem:$0xA800] =	vst v63  }
0x36: {  	s20 =	smov.u32 s22;
	_ =	swait.ge [sflag:s9], $0x1400  }
0x37: {  	s18 =	sadd.s32 $0x280, s18;
	s17 =	sadd.s32 $0x280, s17;
	[sflag:s9] =	ssyncset.done $0x0  }
0x38: {  	s19 =	sshra.s32 s19, $0x2;
	[sflag:s9] =	ssyncadd.s32 $0xFFFFEC00  }
0x39: {  	[tilespmem:s12], [sflag:$0x1] =	stream.indirect.gather [hbm4b:s1+s11], $0x80, s19, s11, $0xb8;
	[tilespmem:$0xA800] =	vst v63  }
0x3a: {  	s19 =	sadd.s32 $0x4000, s19  }
0x3b: {  	[tilespmem:s13], [sflag:$0x2] =	stream.indirect.gather [hbm4b:s1+s11], $0x80, s19, s11, $0xb8;
	[tilespmem:$0xA800] =	vst v63  }
0x3c: {  	_ =	swait.ge [sflag:s14], $0x1400  }
0x3d: {  	[sflag:s14] =	ssyncset.done $0x0  }
0x3e: {  	[sflag:s14] =	ssyncadd.s32 $0xFFFFEC00  }
0x3f: {  	_ =	swait.ge [sflag:s15], $0x1400  }
0x40: {  	[sflag:s15] =	ssyncset.done $0x0  }
0x41: {  	[sflag:s15] =	ssyncadd.s32 $0xFFFFEC00  }
0x42: {  	[hbm4b:s18+s3] =	stream.linear.scatter [tilespmem:s12], [sflag:$0x3], $0x1400, $0x38;
	[tilespmem:$0xA800] =	vst v63  }
0x43: {  	s16 =	sadd.s32 $0x1, s16;
	_ =	swait.ge [sflag:s9], $0x1400  }
0x44: {  	p0 =	sne.s32 s16, s6;
	[sflag:s9] =	ssyncset.done $0x0  }
.Ltmp1:
0x45: {  	[sflag:s9] =	ssyncadd.s32 $0xFFFFEC00;
	(pc) =	sbr.rel @p0 .LBB2_1-.Ltmp1, $4  }
0x46: {  	[hbm4b:s17+s3] =	stream.linear.scatter [tilespmem:s13], [sflag:$0x3], $0x1400, $0x38;
	[tilespmem:$0xA800] =	vst v63  }
0x47: {  	_ =	swait.ge [sflag:s9], $0x1400  }
0x48: {  	[sflag:s9] =	ssyncset.done $0x0  }
0x49: {  	[sflag:s9] =	ssyncadd.s32 $0xFFFFEC00  }
0x4a: {  	_ =	sfence.sel $0x180000  }
0x4b: {  	[bflag:$0x0] =	sbarrier.arrive $0xFFFF  }
0x4c: {  	p0 =	sne.s32 s2, $0x0;
	_ =	strace $0x9000004A  }
0x4d: {  	s0 =	sadd.s32 @!p0 $0x100000, s0;
	[bflag:$0x2] =	sbarrier.arrive $0xFFFF  }
0x4e: {  	[sflag:s0] =	ssyncadd.tile.s32 @!p0 $0x1;
	_ =	shalt  }
.Lfunc_end2:
_tile_overlayer_lowered:
.L_overlay_start_2:
0x4f: {  	(tag) =	ssettag $0x2  }
0x50: {  	s0 =	rddreg [dreg:$0x0];
	s2 =	stileid.u32  }
0x51: {  	s1 =	rddreg [dreg:$0x1];
	p0 =	sne.s32 s2, $0x0  }
0x52: {  	s3 =	rddreg [dreg:$0x2];
	[bflag:$0x3] =	sbarrier.arrive $0xFFFF;
	s2 =	simm.s32 @!p0 $0x1C03  }
0x53: {  	[timem:s3], [sflag:s2] =	dma.local @!p0 [hbm:s0], s1  }
0x54: {  	s0 =	simm.s32 @!p0 $0x3  }
0x55: {  	_ =	swait.ge @!p0 [sflag:s0], s1  }
0x56: {  	s1 =	ssub.s32 @!p0 $0x0, s1;
	[sflag:s0] =	ssyncset.done @!p0 $0x0  }
0x57: {  	[sflag:s0] =	ssyncadd.s32 @!p0 s1  }
0x58: {  	[bflag:$0x3] =	sbarrier.arrive $0xFFFF  }
0x59: {  	_ =	shalt  }

</sc_bundles>
